<compile_context>
chip_gen: v7x
topology: tpu7x:2x2x1
jax: 0.10.2.dev20260603
libtpu: 0.0.44.dev20260713+nightly
codegen_flags: <defaults>
</compile_context>

<pallas_src>
import functools

import jax
import jax.numpy as jnp
from jax import lax
from jax.experimental import pallas as pl
from jax.experimental.pallas import tpu as pltpu
from jax.experimental.pallas import tpu_sc as plsc

N = 10000
E = 320000
D_IN = 128
H1 = 64
H2 = 32
C = 40
NC = 2
NS = 16
NW = NC * NS
CH = 128
CPT = 80
EP = NW * CPT * CH
NBUF = 4
WAVES = CPT // NBUF - 1
NP = 10240
RPT = NP // NS
ZR = RPT // 5


@functools.lru_cache(maxsize=None)
def _make_hist():
    mesh = plsc.VectorSubcoreMesh(core_axis_name="c", subcore_axis_name="s",
                                  num_cores=NC, num_subcores=NS)
    return functools.partial(
        pl.kernel,
        out_type=jax.ShapeDtypeStruct((NC, NP, 64), jnp.float32),
        mesh=mesh,
        compiler_params=pltpu.CompilerParams(use_tc_tiling_on_sc=False),
        scratch_types=[
            pltpu.VMEM((CPT, CH), jnp.int32),
            pltpu.VMEM((RPT, 16), jnp.float32),
            pltpu.VMEM((CH, 16), jnp.float32),
            pltpu.VMEM((RPT, 64), jnp.float32),
            pltpu.VMEM_SHARED((NP, 16), jnp.float32),
            pltpu.SemaphoreType.DMA,
            pltpu.SemaphoreType.DMA,
        ],
    )(_hist_body)


def _hist_body(dst_hbm, out_hbm, idx_v, zbuf, ones_v, wide, acc, sem, ssem):
    c = lax.axis_index("c")
    s = lax.axis_index("s")
    wid = c * NS + s

    @pl.loop(0, RPT)
    def _(r):
        zbuf[r] = jnp.zeros((16,), jnp.float32)

    @pl.loop(0, CH)
    def _(r):
        ones_v[r] = jnp.ones((16,), jnp.float32)

    pltpu.sync_copy(zbuf, acc.at[pl.ds(s * RPT, RPT)])
    pltpu.async_copy(dst_hbm.at[wid], idx_v, sem).wait()
    plsc.subcore_barrier()

    @pl.loop(0, CPT)
    def _(i):
        pltpu.sync_copy(ones_v, acc.at[idx_v.at[i]], add=True)

    plsc.subcore_barrier()
    pltpu.sync_copy(acc.at[pl.ds(s * RPT, RPT)], zbuf)

    @pl.loop(0, RPT)
    def _(r):
        v = zbuf[r]
        for g in range(4):
            wide[r, pl.ds(g * 16, 16)] = v

    pltpu.sync_copy(wide, out_hbm.at[c].at[pl.ds(s * RPT, RPT)])


@functools.lru_cache(maxsize=None)
def _make_propagate(D):
    mesh = plsc.VectorSubcoreMesh(core_axis_name="c", subcore_axis_name="s",
                                  num_cores=NC, num_subcores=NS)

    @functools.partial(
        pl.kernel,
        out_type=jax.ShapeDtypeStruct((NC, NP, D), jnp.float32),
        mesh=mesh,
        compiler_params=pltpu.CompilerParams(use_tc_tiling_on_sc=False),
        scratch_types=[
            pltpu.VMEM((CPT, CH), jnp.int32),
            pltpu.VMEM((CPT, CH), jnp.int32),
            pltpu.VMEM((CH, D), jnp.float32),
            pltpu.VMEM((CH, D), jnp.float32),
            pltpu.VMEM((CH, D), jnp.float32),
            pltpu.VMEM((CH, D), jnp.float32),
            pltpu.VMEM((ZR, D), jnp.float32),
            pltpu.VMEM_SHARED((NP, D), jnp.float32),
            pltpu.SemaphoreType.DMA,
            pltpu.SemaphoreType.DMA,
            pltpu.SemaphoreType.DMA,
            pltpu.SemaphoreType.DMA,
        ],
    )
    def _prop(h_hbm, src_hbm, dst_hbm, out_hbm, srci, dsti, b0, b1, b2, b3,
              zbuf, acc, g0, g1, g2, g3):
        bufs = (b0, b1, b2, b3)
        gsems = (g0, g1, g2, g3)
        c = lax.axis_index("c")
        s = lax.axis_index("s")
        wid = c * NS + s

        @pl.loop(0, ZR)
        def _(r):
            @pl.loop(0, D // 16)
            def _(j):
                zbuf[r, pl.ds(j * 16, 16)] = jnp.zeros((16,), jnp.float32)

        pltpu.sync_copy(src_hbm.at[wid], srci)
        pltpu.sync_copy(dst_hbm.at[wid], dsti)

        @pl.loop(0, 5)
        def _(j):
            pltpu.sync_copy(zbuf, acc.at[pl.ds(s * RPT + j * ZR, ZR)])

        plsc.subcore_barrier()

        for x in range(NBUF):
            pltpu.async_copy(h_hbm.at[srci.at[x]], bufs[x], gsems[x])

        @pl.loop(0, WAVES)
        def _(k):
            base = k * NBUF
            for x in range(NBUF):
                pltpu.make_async_copy(
                    h_hbm.at[srci.at[base + x]], bufs[x], gsems[x]).wait()
                pltpu.sync_copy(bufs[x], acc.at[dsti.at[base + x]], add=True)
                pltpu.async_copy(
                    h_hbm.at[srci.at[base + NBUF + x]], bufs[x], gsems[x])

        fbase = WAVES * NBUF
        for x in range(NBUF):
            pltpu.make_async_copy(
                h_hbm.at[srci.at[fbase + x]], bufs[x], gsems[x]).wait()
            pltpu.sync_copy(bufs[x], acc.at[dsti.at[fbase + x]], add=True)

        plsc.subcore_barrier()
        pltpu.sync_copy(acc.at[pl.ds(s * RPT, RPT)],
                        out_hbm.at[c].at[pl.ds(s * RPT, RPT)])

    return _prop


PR = NP // 2
PB = PR // 10
TGRID = 10


def _dis_packed(deg_ref):
    return lax.rsqrt(deg_ref[0] + deg_ref[1] + 1.0)


def _tc1_body(x_ref, deg_ref, w_ref, o_ref):
    h = jnp.dot(x_ref[...], w_ref[...], preferred_element_type=jnp.float32)
    o_ref[...] = h * _dis_packed(deg_ref)


def _tc1(xv, degq, wblk):
    return pl.pallas_call(
        _tc1_body,
        grid=(TGRID,),
        in_specs=[
            pl.BlockSpec((PB, 256), lambda i: (i, 0)),
            pl.BlockSpec((2, PB, 128), lambda i: (0, i, 0)),
            pl.BlockSpec((256, 128), lambda i: (0, 0)),
        ],
        out_specs=pl.BlockSpec((PB, 128), lambda i: (i, 0)),
        out_shape=jax.ShapeDtypeStruct((PR, 128), jnp.float32),
    )(xv, degq, wblk)


def _mid_body(sp_ref, hp_ref, deg_ref, b_ref, w_ref, o_ref):
    dis = _dis_packed(deg_ref)
    z = dis * (sp_ref[0] + sp_ref[1] + hp_ref[...]) + b_ref[...]
    z = jnp.maximum(z, 0.0)
    o_ref[...] = jnp.dot(z, w_ref[...],
                         preferred_element_type=jnp.float32) * dis


def _mid(sp, hp, degq, b, wblk):
    return pl.pallas_call(
        _mid_body,
        grid=(TGRID,),
        in_specs=[
            pl.BlockSpec((2, PB, 128), lambda i: (0, i, 0)),
            pl.BlockSpec((PB, 128), lambda i: (i, 0)),
            pl.BlockSpec((2, PB, 128), lambda i: (0, i, 0)),
            pl.BlockSpec((1, 128), lambda i: (0, 0)),
            pl.BlockSpec((128, 128), lambda i: (0, 0)),
        ],
        out_specs=pl.BlockSpec((PB, 128), lambda i: (i, 0)),
        out_shape=jax.ShapeDtypeStruct((PR, 128), jnp.float32),
    )(sp, hp, degq, b, wblk)


def _fin_body(sp_ref, hp_ref, deg_ref, b_ref, o_ref):
    t = _dis_packed(deg_ref) * (sp_ref[0] + sp_ref[1] + hp_ref[...])
    t = t + b_ref[...]
    lane = lax.broadcasted_iota(jnp.int32, (PB, 128), 1)
    t = jnp.where(lane % 64 < C, t, -1e30)
    ta, tb = t[:, :64], t[:, 64:]
    ma = jnp.max(ta, axis=1, keepdims=True)
    mb = jnp.max(tb, axis=1, keepdims=True)
    ea = jnp.exp(ta - ma)
    eb = jnp.exp(tb - mb)
    oa = ea / jnp.sum(ea, axis=1, keepdims=True)
    ob = eb / jnp.sum(eb, axis=1, keepdims=True)
    o_ref[...] = jnp.concatenate([oa, ob], axis=1)


def _fin(sp, hp, degq, b):
    return pl.pallas_call(
        _fin_body,
        grid=(TGRID,),
        in_specs=[
            pl.BlockSpec((2, PB, 128), lambda i: (0, i, 0)),
            pl.BlockSpec((PB, 128), lambda i: (i, 0)),
            pl.BlockSpec((2, PB, 128), lambda i: (0, i, 0)),
            pl.BlockSpec((1, 128), lambda i: (0, 0)),
        ],
        out_specs=pl.BlockSpec((PB, 128), lambda i: (i, 0)),
        out_shape=jax.ShapeDtypeStruct((PR, 128), jnp.float32),
    )(sp, hp, degq, b)


def kernel(x, edge_index, W1, b1, W2, b2, W3, b3):
    pad = EP - E
    pad_src = jnp.arange(pad, dtype=jnp.int32) % N
    pad_dst = N + (jnp.arange(pad, dtype=jnp.int32) % (NP - N))
    srcp = jnp.concatenate([edge_index[0], pad_src]).reshape(NW, CPT, CH)
    dstp = jnp.concatenate([edge_index[1], pad_dst]).reshape(NW, CPT, CH)

    eye2 = jnp.eye(2, dtype=jnp.float32)
    w1b = jnp.kron(eye2, W1)
    w2b = jnp.kron(eye2, jnp.pad(W2, ((0, 0), (0, 32))))
    w3b = jnp.kron(eye2, jnp.pad(W3, ((0, 32), (0, 64 - C))))
    b1r = jnp.tile(b1, 2).reshape(1, 128)
    b2r = jnp.tile(jnp.pad(b2, (0, 32)), 2).reshape(1, 128)
    b3r = jnp.tile(jnp.pad(b3, (0, 64 - C)), 2).reshape(1, 128)
    xv = x.reshape(N // 2, 2 * D_IN)

    degp = _make_hist()(dstp)
    degq = degp.reshape(NC, PR, 128)
    h1q = _tc1(xv, degq, w1b)
    s1 = _make_propagate(64)(h1q.reshape(NP, 64), srcp, dstp)
    h2q = _mid(s1.reshape(NC, PR, 128), h1q, degq, b1r, w2b)
    s2 = _make_propagate(64)(h2q.reshape(NP, 64), srcp, dstp)
    h3q = _mid(s2.reshape(NC, PR, 128), h2q, degq, b2r, w3b)
    s3 = _make_propagate(64)(h3q.reshape(NP, 64), srcp, dstp)
    outq = _fin(s3.reshape(NC, PR, 128), h3q, degq, b3r)
    return outq.reshape(NP, 64)[:N, :C]

# --- scband reference (transcript-rebuilt; emitter-appended) ---
"""Pipeline reference for scband-net-56049323213278 (READ-ONLY COPY).

The authoritative reference and input builder live on the scoring server;
editing this copy changes nothing except your own understanding.
"""

import jax, jax.numpy as jnp
import numpy as np

N = 10000
E = 320000
D_IN = 128
H1 = 64
H2 = 32
C = 40


def _glorot(key, shape):
    fan_in, fan_out = shape[0], shape[1]
    limit = jnp.sqrt(6.0 / (fan_in + fan_out))
    return jax.random.uniform(key, shape, dtype=jnp.float32, minval=-limit, maxval=limit)


def setup_inputs(seed: int = 0) -> dict:
    key = jax.random.key(seed)
    ks = jax.random.split(key, 8)
    x = jax.random.normal(ks[0], (N, D_IN), dtype=jnp.float32)
    edge_index = jax.random.randint(ks[1], (2, E), 0, N, dtype=jnp.int32)
    W1 = _glorot(ks[2], (D_IN, H1))
    b1 = jnp.zeros((H1,), dtype=jnp.float32)
    W2 = _glorot(ks[3], (H1, H2))
    b2 = jnp.zeros((H2,), dtype=jnp.float32)
    W3 = _glorot(ks[4], (H2, C))
    b3 = jnp.zeros((C,), dtype=jnp.float32)
    return {"x": x, "edge_index": edge_index, "W1": W1, "b1": b1, "W2": W2, "b2": b2, "W3": W3, "b3": b3}


def _gcn_conv(x, edge_index, W, b):
    # GCNConv: x' = D^{-1/2} (A + I) D^{-1/2} (x W) + b
    src = edge_index[0]
    dst = edge_index[1]
    loop = jnp.arange(N, dtype=src.dtype)
    src = jnp.concatenate([src, loop])
    dst = jnp.concatenate([dst, loop])
    deg = jnp.zeros((N,), dtype=x.dtype).at[dst].add(1.0)
    deg_inv_sqrt = jnp.where(deg > 0, 1.0 / jnp.sqrt(deg), 0.0)
    norm = deg_inv_sqrt[src] * deg_inv_sqrt[dst]
    h = x @ W
    msg = h[src] * norm[:, None]
    out = jnp.zeros((N, W.shape[1]), dtype=x.dtype).at[dst].add(msg)
    return out + b


def reference(x, edge_index, W1, b1, W2, b2, W3, b3):
    h = _gcn_conv(x, edge_index, W1, b1)
    h = jax.nn.relu(h)
    h = _gcn_conv(h, edge_index, W2, b2)
    h = jax.nn.relu(h)
    h = _gcn_conv(h, edge_index, W3, b3)
    return jax.nn.softmax(h, axis=1)

if __name__ == "__main__":
    import jax
    _d = setup_inputs()
    print(jax.jit(kernel)(*tuple(_d.values())))

</pallas_src>

<mosaic_0001>
#map = affine_map<(d0, d1) -> (0, 0, 0)>
module attributes {stable_mosaic.version = 14 : i64} {
  func.func @_hist_body(%arg0: i32, %arg1: i32, %arg2: memref<32x80x128xi32, #tpu.memory_space<hbm>>, %arg3: memref<2x10240x64xf32, #tpu.memory_space<hbm>>, %arg4: memref<80x128xi32, #tpu.memory_space<vmem>>, %arg5: memref<640x16xf32, #tpu.memory_space<vmem>>, %arg6: memref<128x16xf32, #tpu.memory_space<vmem>>, %arg7: memref<640x64xf32, #tpu.memory_space<vmem>>, %arg8: memref<10240x16xf32, #tpu.memory_space<vmem_shared>>, %arg9: memref<!tpu.dma_semaphore, #tpu.memory_space<semaphore_mem>>, %arg10: memref<!tpu.dma_semaphore, #tpu.memory_space<semaphore_mem>>) attributes {dimension_semantics = [#tpu.dimension_semantics<core_parallel>, #tpu.dimension_semantics<subcore_parallel>], iteration_bounds = array<i64: 2, 16>, scalar_prefetch = 0 : i64, scratch_operands = 7 : i64, tpu.core_type = #tpu.core_type<sc_vector_subcore>, window_params = [{transform_indices = #map}, {transform_indices = #map}]} {
    %mul3A = arith.constant 16 : i32
    %mul3A_0 = arith.muli %arg0, %mul3A : i32
    %add3A = arith.addi %mul3A_0, %arg1 : i32
    %scan3A = arith.constant 0 : i32
    %scan3A_1 = arith.constant 640 : i32
    %scan3A_2 = arith.addi %scan3A, %scan3A_1 : i32
    %scan3A_3 = arith.constant 1 : i32
    scf.for %scan3A_41 = %scan3A to %scan3A_2 step %scan3A_3  : i32 {
      %mul3A_42 = arith.constant 1 : i32
      %mul3A_43 = arith.muli %scan3A_41, %mul3A_42 : i32
      %add3A_44 = arith.constant 0 : i32
      %add3A_45 = arith.addi %add3A_44, %mul3A_43 : i32
      %broadcast_in_dim3A = arith.constant 0.000000e+00 : f32
      %broadcast_in_dim3A_46 = vector.broadcast %broadcast_in_dim3A : f32 to vector<16xf32>
      %swap3A = arith.index_cast %add3A_45 : i32 to index
      %swap3A_47 = arith.constant 0 : index
      %swap3A_48 = tpu.vector_load %arg5[%swap3A, %swap3A_47] {strides = array<i32>} : memref<640x16xf32, #tpu.memory_space<vmem>>, vector<1x16xf32>,
      %swap3A_49 = vector.shape_cast %swap3A_48 : vector<1x16xf32> to vector<16xf32>
      %swap3A_50 = vector.shape_cast %broadcast_in_dim3A_46 : vector<16xf32> to vector<1x16xf32>
      tpu.vector_store %arg5[%swap3A, %swap3A_47], %swap3A_50 {strides = array<i32>} : memref<640x16xf32, #tpu.memory_space<vmem>>, vector<1x16xf32>,
    }
    %scan3A_4 = arith.constant 640 : i32
    %scan3A_5 = arith.constant 0 : i32
    %scan3A_6 = arith.constant 128 : i32
    %scan3A_7 = arith.addi %scan3A_5, %scan3A_6 : i32
    %scan3A_8 = arith.constant 1 : i32
    scf.for %scan3A_41 = %scan3A_5 to %scan3A_7 step %scan3A_8  : i32 {
      %mul3A_42 = arith.constant 1 : i32
      %mul3A_43 = arith.muli %scan3A_41, %mul3A_42 : i32
      %add3A_44 = arith.constant 0 : i32
      %add3A_45 = arith.addi %add3A_44, %mul3A_43 : i32
      %broadcast_in_dim3A = arith.constant 1.000000e+00 : f32
      %broadcast_in_dim3A_46 = vector.broadcast %broadcast_in_dim3A : f32 to vector<16xf32>
      %swap3A = arith.index_cast %add3A_45 : i32 to index
      %swap3A_47 = arith.constant 0 : index
      %swap3A_48 = tpu.vector_load %arg6[%swap3A, %swap3A_47] {strides = array<i32>} : memref<128x16xf32, #tpu.memory_space<vmem>>, vector<1x16xf32>,
      %swap3A_49 = vector.shape_cast %swap3A_48 : vector<1x16xf32> to vector<16xf32>
      %swap3A_50 = vector.shape_cast %broadcast_in_dim3A_46 : vector<16xf32> to vector<1x16xf32>
      tpu.vector_store %arg6[%swap3A, %swap3A_47], %swap3A_50 {strides = array<i32>} : memref<128x16xf32, #tpu.memory_space<vmem>>, vector<1x16xf32>,
    }
    %scan3A_9 = arith.constant 128 : i32
    %mul3A_10 = arith.constant 640 : i32
    %mul3A_11 = arith.muli %arg1, %mul3A_10 : i32
    "tpu.region"() ({
      %run_scoped3A = tpu.sem_alloc : memref<!tpu.dma_semaphore, #tpu.memory_space<semaphore_mem>>
      %dma_start3A_41 = arith.constant 0 : i32
      %dma_start3A_42 = tpu.memref_slice %arg8[%mul3A_11, %dma_start3A_41] : memref<10240x16xf32, #tpu.memory_space<vmem_shared>> -> memref<640x16xf32, #tpu.memory_space<vmem_shared>>
      %dma_start3A_43 = arith.constant 0 : i32
      %dma_start3A_44 = tpu.memref_slice %arg8[%mul3A_11, %dma_start3A_43] : memref<10240x16xf32, #tpu.memory_space<vmem_shared>> -> memref<640x16xf32, #tpu.memory_space<vmem_shared>>
      tpu.enqueue_dma source(%arg5 : memref<640x16xf32, #tpu.memory_space<vmem>>) target(%dma_start3A_44 : memref<640x16xf32, #tpu.memory_space<vmem_shared>>) target_semaphore(%run_scoped3A : memref<!tpu.dma_semaphore, #tpu.memory_space<semaphore_mem>>)
      %dma_wait3A_45 = arith.constant 0 : i32
      %dma_wait3A_46 = tpu.memref_slice %arg8[%mul3A_11, %dma_wait3A_45] : memref<10240x16xf32, #tpu.memory_space<vmem_shared>> -> memref<640x16xf32, #tpu.memory_space<vmem_shared>>
      %dma_wait3A_47 = arith.constant 0 : i32
      %dma_wait3A_48 = tpu.memref_slice %arg8[%mul3A_11, %dma_wait3A_47] : memref<10240x16xf32, #tpu.memory_space<vmem_shared>> -> memref<640x16xf32, #tpu.memory_space<vmem_shared>>
      tpu.wait_dma2 semaphore(%run_scoped3A : memref<!tpu.dma_semaphore, #tpu.memory_space<semaphore_mem>>) src(%arg5 : memref<640x16xf32, #tpu.memory_space<vmem>>) dst(%dma_wait3A_48 : memref<640x16xf32, #tpu.memory_space<vmem_shared>>)
      tpu.yield
    }) : () -> ()
    %dma_start3A = arith.constant 0 : i32
    %dma_start3A_12 = arith.constant 0 : i32
    %dma_start3A_13 = tpu.memref_slice %arg2[%add3A, %dma_start3A, %dma_start3A_12] : memref<32x80x128xi32, #tpu.memory_space<hbm>> -> memref<1x80x128xi32, #tpu.memory_space<hbm>>
    %dma_start3A_14 = tpu.memref_squeeze %dma_start3A_13 : memref<1x80x128xi32, #tpu.memory_space<hbm>> -> memref<80x128xi32, #tpu.memory_space<hbm>>
    %dma_start3A_15 = arith.constant 0 : i32
    %dma_start3A_16 = arith.constant 0 : i32
    %dma_start3A_17 = tpu.memref_slice %arg2[%add3A, %dma_start3A_15, %dma_start3A_16] : memref<32x80x128xi32, #tpu.memory_space<hbm>> -> memref<1x80x128xi32, #tpu.memory_space<hbm>>
    %dma_start3A_18 = tpu.memref_squeeze %dma_start3A_17 : memref<1x80x128xi32, #tpu.memory_space<hbm>> -> memref<80x128xi32, #tpu.memory_space<hbm>>
    tpu.enqueue_dma source(%dma_start3A_18 : memref<80x128xi32, #tpu.memory_space<hbm>>) target(%arg4 : memref<80x128xi32, #tpu.memory_space<vmem>>) target_semaphore(%arg9 : memref<!tpu.dma_semaphore, #tpu.memory_space<semaphore_mem>>)
    %dma_wait3A = arith.constant 0 : i32
    %dma_wait3A_19 = arith.constant 0 : i32
    %dma_wait3A_20 = tpu.memref_slice %arg2[%add3A, %dma_wait3A, %dma_wait3A_19] : memref<32x80x128xi32, #tpu.memory_space<hbm>> -> memref<1x80x128xi32, #tpu.memory_space<hbm>>
    %dma_wait3A_21 = tpu.memref_squeeze %dma_wait3A_20 : memref<1x80x128xi32, #tpu.memory_space<hbm>> -> memref<80x128xi32, #tpu.memory_space<hbm>>
    %dma_wait3A_22 = arith.constant 0 : i32
    %dma_wait3A_23 = arith.constant 0 : i32
    %dma_wait3A_24 = tpu.memref_slice %arg2[%add3A, %dma_wait3A_22, %dma_wait3A_23] : memref<32x80x128xi32, #tpu.memory_space<hbm>> -> memref<1x80x128xi32, #tpu.memory_space<hbm>>
    %dma_wait3A_25 = tpu.memref_squeeze %dma_wait3A_24 : memref<1x80x128xi32, #tpu.memory_space<hbm>> -> memref<80x128xi32, #tpu.memory_space<hbm>>
    tpu.wait_dma2 semaphore(%arg9 : memref<!tpu.dma_semaphore, #tpu.memory_space<semaphore_mem>>) src(%dma_wait3A_25 : memref<80x128xi32, #tpu.memory_space<hbm>>) dst(%arg4 : memref<80x128xi32, #tpu.memory_space<vmem>>)
    %barrier3A = arith.constant 0 : index
    tpu.barrier barrier_id(%barrier3A)
    %scan3A_26 = arith.constant 0 : i32
    %scan3A_27 = arith.constant 80 : i32
    %scan3A_28 = arith.addi %scan3A_26, %scan3A_27 : i32
    %scan3A_29 = arith.constant 1 : i32
    scf.for %scan3A_41 = %scan3A_26 to %scan3A_28 step %scan3A_29  : i32 {
      %mul3A_42 = arith.constant 1 : i32
      %mul3A_43 = arith.muli %scan3A_41, %mul3A_42 : i32
      %add3A_44 = arith.constant 0 : i32
      %add3A_45 = arith.addi %add3A_44, %mul3A_43 : i32
      "tpu.region"() ({
        %run_scoped3A = tpu.sem_alloc : memref<!tpu.dma_semaphore, #tpu.memory_space<semaphore_mem>>
        %dma_start3A_46 = arith.constant 0 : i32
        %dma_start3A_47 = tpu.memref_slice %arg4[%add3A_45, %dma_start3A_46] : memref<80x128xi32, #tpu.memory_space<vmem>> -> memref<1x128xi32, #tpu.memory_space<vmem>>
        %dma_start3A_48 = tpu.memref_squeeze %dma_start3A_47 : memref<1x128xi32, #tpu.memory_space<vmem>> -> memref<128xi32, #tpu.memory_space<vmem>>
        %dma_start3A_49 = arith.constant 0 : i32
        %dma_start3A_50 = arith.constant 0 : i32
        %dma_start3A_51 = tpu.memref_slice %arg8[%dma_start3A_49, %dma_start3A_50] : memref<10240x16xf32, #tpu.memory_space<vmem_shared>> -> memref<10240x16xf32, #tpu.memory_space<vmem_shared>>
        tpu.enqueue_indirect_dma source(%arg6 : memref<128x16xf32, #tpu.memory_space<vmem>>) target(%dma_start3A_51 : memref<10240x16xf32, #tpu.memory_space<vmem_shared>>) offsets(%dma_start3A_48 : memref<128xi32, #tpu.memory_space<vmem>>) semaphore(%run_scoped3A : memref<!tpu.dma_semaphore, #tpu.memory_space<semaphore_mem>>) {add = true}
        %dma_wait3A_52 = arith.constant 0 : i32
        %dma_wait3A_53 = tpu.memref_slice %arg4[%add3A_45, %dma_wait3A_52] : memref<80x128xi32, #tpu.memory_space<vmem>> -> memref<1x128xi32, #tpu.memory_space<vmem>>
        %dma_wait3A_54 = tpu.memref_squeeze %dma_wait3A_53 : memref<1x128xi32, #tpu.memory_space<vmem>> -> memref<128xi32, #tpu.memory_space<vmem>>
        %dma_wait3A_55 = arith.constant 0 : i32
        %dma_wait3A_56 = arith.constant 0 : i32
        %dma_wait3A_57 = tpu.memref_slice %arg8[%dma_wait3A_55, %dma_wait3A_56] : memref<10240x16xf32, #tpu.memory_space<vmem_shared>> -> memref<10240x16xf32, #tpu.memory_space<vmem_shared>>
        tpu.wait_indirect_dma semaphore(%run_scoped3A : memref<!tpu.dma_semaphore, #tpu.memory_space<semaphore_mem>>) src(%arg6 : memref<128x16xf32, #tpu.memory_space<vmem>>) dst(%dma_wait3A_57 : memref<10240x16xf32, #tpu.memory_space<vmem_shared>>)
        tpu.yield
      }) : () -> ()
    }
    %scan3A_30 = arith.constant 80 : i32
    %barrier3A_31 = arith.constant 0 : index
    tpu.barrier barrier_id(%barrier3A_31)
    %mul3A_32 = arith.constant 640 : i32
    %mul3A_33 = arith.muli %arg1, %mul3A_32 : i32
    "tpu.region"() ({
      %run_scoped3A = tpu.sem_alloc : memref<!tpu.dma_semaphore, #tpu.memory_space<semaphore_mem>>
      %dma_start3A_41 = arith.constant 0 : i32
      %dma_start3A_42 = tpu.memref_slice %arg8[%mul3A_33, %dma_start3A_41] : memref<10240x16xf32, #tpu.memory_space<vmem_shared>> -> memref<640x16xf32, #tpu.memory_space<vmem_shared>>
      %dma_start3A_43 = arith.constant 0 : i32
      %dma_start3A_44 = tpu.memref_slice %arg8[%mul3A_33, %dma_start3A_43] : memref<10240x16xf32, #tpu.memory_space<vmem_shared>> -> memref<640x16xf32, #tpu.memory_space<vmem_shared>>
      tpu.enqueue_dma source(%dma_start3A_44 : memref<640x16xf32, #tpu.memory_space<vmem_shared>>) target(%arg5 : memref<640x16xf32, #tpu.memory_space<vmem>>) target_semaphore(%run_scoped3A : memref<!tpu.dma_semaphore, #tpu.memory_space<semaphore_mem>>)
      %dma_wait3A_45 = arith.constant 0 : i32
      %dma_wait3A_46 = tpu.memref_slice %arg8[%mul3A_33, %dma_wait3A_45] : memref<10240x16xf32, #tpu.memory_space<vmem_shared>> -> memref<640x16xf32, #tpu.memory_space<vmem_shared>>
      %dma_wait3A_47 = arith.constant 0 : i32
      %dma_wait3A_48 = tpu.memref_slice %arg8[%mul3A_33, %dma_wait3A_47] : memref<10240x16xf32, #tpu.memory_space<vmem_shared>> -> memref<640x16xf32, #tpu.memory_space<vmem_shared>>
      tpu.wait_dma2 semaphore(%run_scoped3A : memref<!tpu.dma_semaphore, #tpu.memory_space<semaphore_mem>>) src(%dma_wait3A_48 : memref<640x16xf32, #tpu.memory_space<vmem_shared>>) dst(%arg5 : memref<640x16xf32, #tpu.memory_space<vmem>>)
      tpu.yield
    }) : () -> ()
    %scan3A_34 = arith.constant 0 : i32
    %scan3A_35 = arith.constant 640 : i32
    %scan3A_36 = arith.addi %scan3A_34, %scan3A_35 : i32
    %scan3A_37 = arith.constant 1 : i32
    scf.for %scan3A_41 = %scan3A_34 to %scan3A_36 step %scan3A_37  : i32 {
      %mul3A_42 = arith.constant 1 : i32
      %mul3A_43 = arith.muli %scan3A_41, %mul3A_42 : i32
      %add3A_44 = arith.constant 0 : i32
      %add3A_45 = arith.addi %add3A_44, %mul3A_43 : i32
      %get3A = arith.index_cast %add3A_45 : i32 to index
      %get3A_46 = arith.constant 0 : index
      %get3A_47 = tpu.vector_load %arg5[%get3A, %get3A_46] {strides = array<i32>} : memref<640x16xf32, #tpu.memory_space<vmem>>, vector<1x16xf32>,
      %get3A_48 = vector.shape_cast %get3A_47 : vector<1x16xf32> to vector<16xf32>
      %swap3A = arith.index_cast %add3A_45 : i32 to index
      %swap3A_49 = arith.constant 0 : index
      %swap3A_50 = tpu.vector_load %arg7[%swap3A, %swap3A_49] {strides = array<i32>} : memref<640x64xf32, #tpu.memory_space<vmem>>, vector<1x16xf32>,
      %swap3A_51 = vector.shape_cast %swap3A_50 : vector<1x16xf32> to vector<16xf32>
      %swap3A_52 = vector.shape_cast %get3A_48 : vector<16xf32> to vector<1x16xf32>
      tpu.vector_store %arg7[%swap3A, %swap3A_49], %swap3A_52 {strides = array<i32>} : memref<640x64xf32, #tpu.memory_space<vmem>>, vector<1x16xf32>,
      %swap3A_53 = arith.index_cast %add3A_45 : i32 to index
      %swap3A_54 = arith.constant 16 : index
      %swap3A_55 = tpu.vector_load %arg7[%swap3A_53, %swap3A_54] {strides = array<i32>} : memref<640x64xf32, #tpu.memory_space<vmem>>, vector<1x16xf32>,
      %swap3A_56 = vector.shape_cast %swap3A_55 : vector<1x16xf32> to vector<16xf32>
      %swap3A_57 = vector.shape_cast %get3A_48 : vector<16xf32> to vector<1x16xf32>
      tpu.vector_store %arg7[%swap3A_53, %swap3A_54], %swap3A_57 {strides = array<i32>} : memref<640x64xf32, #tpu.memory_space<vmem>>, vector<1x16xf32>,
      %swap3A_58 = arith.index_cast %add3A_45 : i32 to index
      %swap3A_59 = arith.constant 32 : index
      %swap3A_60 = tpu.vector_load %arg7[%swap3A_58, %swap3A_59] {strides = array<i32>} : memref<640x64xf32, #tpu.memory_space<vmem>>, vector<1x16xf32>,
      %swap3A_61 = vector.shape_cast %swap3A_60 : vector<1x16xf32> to vector<16xf32>
      %swap3A_62 = vector.shape_cast %get3A_48 : vector<16xf32> to vector<1x16xf32>
      tpu.vector_store %arg7[%swap3A_58, %swap3A_59], %swap3A_62 {strides = array<i32>} : memref<640x64xf32, #tpu.memory_space<vmem>>, vector<1x16xf32>,
      %swap3A_63 = arith.index_cast %add3A_45 : i32 to index
      %swap3A_64 = arith.constant 48 : index
      %swap3A_65 = tpu.vector_load %arg7[%swap3A_63, %swap3A_64] {strides = array<i32>} : memref<640x64xf32, #tpu.memory_space<vmem>>, vector<1x16xf32>,
      %swap3A_66 = vector.shape_cast %swap3A_65 : vector<1x16xf32> to vector<16xf32>
      %swap3A_67 = vector.shape_cast %get3A_48 : vector<16xf32> to vector<1x16xf32>
      tpu.vector_store %arg7[%swap3A_63, %swap3A_64], %swap3A_67 {strides = array<i32>} : memref<640x64xf32, #tpu.memory_space<vmem>>, vector<1x16xf32>,
    }
    %scan3A_38 = arith.constant 640 : i32
    %mul3A_39 = arith.constant 640 : i32
    %mul3A_40 = arith.muli %arg1, %mul3A_39 : i32
    "tpu.region"() ({
      %run_scoped3A = tpu.sem_alloc : memref<!tpu.dma_semaphore, #tpu.memory_space<semaphore_mem>>
      %dma_start3A_41 = arith.constant 0 : i32
      %dma_start3A_42 = arith.constant 0 : i32
      %dma_start3A_43 = tpu.memref_slice %arg3[%arg0, %dma_start3A_41, %dma_start3A_42] : memref<2x10240x64xf32, #tpu.memory_space<hbm>> -> memref<1x10240x64xf32, #tpu.memory_space<hbm>>
      %dma_start3A_44 = tpu.memref_squeeze %dma_start3A_43 : memref<1x10240x64xf32, #tpu.memory_space<hbm>> -> memref<10240x64xf32, #tpu.memory_space<hbm>>
      %dma_start3A_45 = arith.constant 0 : i32
      %dma_start3A_46 = tpu.memref_slice %dma_start3A_44[%mul3A_40, %dma_start3A_45] : memref<10240x64xf32, #tpu.memory_space<hbm>> -> memref<640x64xf32, #tpu.memory_space<hbm>>
      %dma_start3A_47 = arith.constant 0 : i32
      %dma_start3A_48 = arith.constant 0 : i32
      %dma_start3A_49 = tpu.memref_slice %arg3[%arg0, %dma_start3A_47, %dma_start3A_48] : memref<2x10240x64xf32, #tpu.memory_space<hbm>> -> memref<1x10240x64xf32, #tpu.memory_space<hbm>>
      %dma_start3A_50 = tpu.memref_squeeze %dma_start3A_49 : memref<1x10240x64xf32, #tpu.memory_space<hbm>> -> memref<10240x64xf32, #tpu.memory_space<hbm>>
      %dma_start3A_51 = arith.constant 0 : i32
      %dma_start3A_52 = tpu.memref_slice %dma_start3A_50[%mul3A_40, %dma_start3A_51] : memref<10240x64xf32, #tpu.memory_space<hbm>> -> memref<640x64xf32, #tpu.memory_space<hbm>>
      tpu.enqueue_dma source(%arg7 : memref<640x64xf32, #tpu.memory_space<vmem>>) target(%dma_start3A_52 : memref<640x64xf32, #tpu.memory_space<hbm>>) target_semaphore(%run_scoped3A : memref<!tpu.dma_semaphore, #tpu.memory_space<semaphore_mem>>)
      %dma_wait3A_53 = arith.constant 0 : i32
      %dma_wait3A_54 = arith.constant 0 : i32
      %dma_wait3A_55 = tpu.memref_slice %arg3[%arg0, %dma_wait3A_53, %dma_wait3A_54] : memref<2x10240x64xf32, #tpu.memory_space<hbm>> -> memref<1x10240x64xf32, #tpu.memory_space<hbm>>
      %dma_wait3A_56 = tpu.memref_squeeze %dma_wait3A_55 : memref<1x10240x64xf32, #tpu.memory_space<hbm>> -> memref<10240x64xf32, #tpu.memory_space<hbm>>
      %dma_wait3A_57 = arith.constant 0 : i32
      %dma_wait3A_58 = tpu.memref_slice %dma_wait3A_56[%mul3A_40, %dma_wait3A_57] : memref<10240x64xf32, #tpu.memory_space<hbm>> -> memref<640x64xf32, #tpu.memory_space<hbm>>
      %dma_wait3A_59 = arith.constant 0 : i32
      %dma_wait3A_60 = arith.constant 0 : i32
      %dma_wait3A_61 = tpu.memref_slice %arg3[%arg0, %dma_wait3A_59, %dma_wait3A_60] : memref<2x10240x64xf32, #tpu.memory_space<hbm>> -> memref<1x10240x64xf32, #tpu.memory_space<hbm>>
      %dma_wait3A_62 = tpu.memref_squeeze %dma_wait3A_61 : memref<1x10240x64xf32, #tpu.memory_space<hbm>> -> memref<10240x64xf32, #tpu.memory_space<hbm>>
      %dma_wait3A_63 = arith.constant 0 : i32
      %dma_wait3A_64 = tpu.memref_slice %dma_wait3A_62[%mul3A_40, %dma_wait3A_63] : memref<10240x64xf32, #tpu.memory_space<hbm>> -> memref<640x64xf32, #tpu.memory_space<hbm>>
      tpu.wait_dma2 semaphore(%run_scoped3A : memref<!tpu.dma_semaphore, #tpu.memory_space<semaphore_mem>>) src(%arg7 : memref<640x64xf32, #tpu.memory_space<vmem>>) dst(%dma_wait3A_64 : memref<640x64xf32, #tpu.memory_space<hbm>>)
      tpu.yield
    }) : () -> ()
    return
  }
}

#map = affine_map<(d0, d1) -> (0, 0)>
#map1 = affine_map<(d0, d1) -> (0, 0, 0)>
module attributes {stable_mosaic.version = 14 : i64} {
  func.func @_prop(%arg0: i32, %arg1: i32, %arg2: memref<10240x64xf32, #tpu.memory_space<hbm>>, %arg3: memref<32x80x128xi32, #tpu.memory_space<hbm>>, %arg4: memref<32x80x128xi32, #tpu.memory_space<hbm>>, %arg5: memref<2x10240x64xf32, #tpu.memory_space<hbm>>, %arg6: memref<80x128xi32, #tpu.memory_space<vmem>>, %arg7: memref<80x128xi32, #tpu.memory_space<vmem>>, %arg8: memref<128x64xf32, #tpu.memory_space<vmem>>, %arg9: memref<128x64xf32, #tpu.memory_space<vmem>>, %arg10: memref<128x64xf32, #tpu.memory_space<vmem>>, %arg11: memref<128x64xf32, #tpu.memory_space<vmem>>, %arg12: memref<128x64xf32, #tpu.memory_space<vmem>>, %arg13: memref<10240x64xf32, #tpu.memory_space<vmem_shared>>, %arg14: memref<!tpu.dma_semaphore, #tpu.memory_space<semaphore_mem>>, %arg15: memref<!tpu.dma_semaphore, #tpu.memory_space<semaphore_mem>>, %arg16: memref<!tpu.dma_semaphore, #tpu.memory_space<semaphore_mem>>, %arg17: memref<!tpu.dma_semaphore, #tpu.memory_space<semaphore_mem>>) attributes {dimension_semantics = [#tpu.dimension_semantics<core_parallel>, #tpu.dimension_semantics<subcore_parallel>], iteration_bounds = array<i64: 2, 16>, scalar_prefetch = 0 : i64, scratch_operands = 12 : i64, tpu.core_type = #tpu.core_type<sc_vector_subcore>, window_params = [{transform_indices = #map}, {transform_indices = #map1}, {transform_indices = #map1}, {transform_indices = #map1}]} {
    %mul3A = arith.constant 16 : i32
    %mul3A_0 = arith.muli %arg0, %mul3A : i32
    %add3A = arith.addi %mul3A_0, %arg1 : i32
    %scan3A = arith.constant 0 : i32
    %scan3A_1 = arith.constant 128 : i32
    %scan3A_2 = arith.addi %scan3A, %scan3A_1 : i32
    %scan3A_3 = arith.constant 1 : i32
    scf.for %scan3A_77 = %scan3A to %scan3A_2 step %scan3A_3  : i32 {
      %mul3A_78 = arith.constant 1 : i32
      %mul3A_79 = arith.muli %scan3A_77, %mul3A_78 : i32
      %add3A_80 = arith.constant 0 : i32
      %add3A_81 = arith.addi %add3A_80, %mul3A_79 : i32
      %scan3A_82 = arith.constant 0 : i32
      %scan3A_83 = arith.constant 4 : i32
      %scan3A_84 = arith.addi %scan3A_82, %scan3A_83 : i32
      %scan3A_85 = arith.constant 1 : i32
      scf.for %scan3A_87 = %scan3A_82 to %scan3A_84 step %scan3A_85  : i32 {
        %mul3A_88 = arith.constant 1 : i32
        %mul3A_89 = arith.muli %scan3A_87, %mul3A_88 : i32
        %add3A_90 = arith.constant 0 : i32
        %add3A_91 = arith.addi %add3A_90, %mul3A_89 : i32
        %broadcast_in_dim3A = arith.constant 0.000000e+00 : f32
        %broadcast_in_dim3A_92 = vector.broadcast %broadcast_in_dim3A : f32 to vector<16xf32>
        %mul3A_93 = arith.constant 16 : i32
        %mul3A_94 = arith.muli %add3A_91, %mul3A_93 : i32
        %swap3A = arith.index_cast %add3A_81 : i32 to index
        %swap3A_95 = arith.index_cast %mul3A_94 : i32 to index
        %swap3A_96 = tpu.vector_load %arg12[%swap3A, %swap3A_95] {strides = array<i32>} : memref<128x64xf32, #tpu.memory_space<vmem>>, vector<1x16xf32>,
        %swap3A_97 = vector.shape_cast %swap3A_96 : vector<1x16xf32> to vector<16xf32>
        %swap3A_98 = vector.shape_cast %broadcast_in_dim3A_92 : vector<16xf32> to vector<1x16xf32>
        tpu.vector_store %arg12[%swap3A, %swap3A_95], %swap3A_98 {strides = array<i32>} : memref<128x64xf32, #tpu.memory_space<vmem>>, vector<1x16xf32>,
      }
      %scan3A_86 = arith.constant 4 : i32
    }
    %scan3A_4 = arith.constant 128 : i32
    "tpu.region"() ({
      %run_scoped3A_77 = tpu.sem_alloc : memref<!tpu.dma_semaphore, #tpu.memory_space<semaphore_mem>>
      %dma_start3A_78 = arith.constant 0 : i32
      %dma_start3A_79 = arith.constant 0 : i32
      %dma_start3A_80 = tpu.memref_slice %arg3[%add3A, %dma_start3A_78, %dma_start3A_79] : memref<32x80x128xi32, #tpu.memory_space<hbm>> -> memref<1x80x128xi32, #tpu.memory_space<hbm>>
      %dma_start3A_81 = tpu.memref_squeeze %dma_start3A_80 : memref<1x80x128xi32, #tpu.memory_space<hbm>> -> memref<80x128xi32, #tpu.memory_space<hbm>>
      %dma_start3A_82 = arith.constant 0 : i32
      %dma_start3A_83 = arith.constant 0 : i32
      %dma_start3A_84 = tpu.memref_slice %arg3[%add3A, %dma_start3A_82, %dma_start3A_83] : memref<32x80x128xi32, #tpu.memory_space<hbm>> -> memref<1x80x128xi32, #tpu.memory_space<hbm>>
      %dma_start3A_85 = tpu.memref_squeeze %dma_start3A_84 : memref<1x80x128xi32, #tpu.memory_space<hbm>> -> memref<80x128xi32, #tpu.memory_space<hbm>>
      tpu.enqueue_dma source(%dma_start3A_85 : memref<80x128xi32, #tpu.memory_space<hbm>>) target(%arg6 : memref<80x128xi32, #tpu.memory_space<vmem>>) target_semaphore(%run_scoped3A_77 : memref<!tpu.dma_semaphore, #tpu.memory_space<semaphore_mem>>)
      %dma_wait3A_86 = arith.constant 0 : i32
      %dma_wait3A_87 = arith.constant 0 : i32
      %dma_wait3A_88 = tpu.memref_slice %arg3[%add3A, %dma_wait3A_86, %dma_wait3A_87] : memref<32x80x128xi32, #tpu.memory_space<hbm>> -> memref<1x80x128xi32, #tpu.memory_space<hbm>>
      %dma_wait3A_89 = tpu.memref_squeeze %dma_wait3A_88 : memref<1x80x128xi32, #tpu.memory_space<hbm>> -> memref<80x128xi32, #tpu.memory_space<hbm>>
      %dma_wait3A_90 = arith.constant 0 : i32
      %dma_wait3A_91 = arith.constant 0 : i32
      %dma_wait3A_92 = tpu.memref_slice %arg3[%add3A, %dma_wait3A_90, %dma_wait3A_91] : memref<32x80x128xi32, #tpu.memory_space<hbm>> -> memref<1x80x128xi32, #tpu.memory_space<hbm>>
      %dma_wait3A_93 = tpu.memref_squeeze %dma_wait3A_92 : memref<1x80x128xi32, #tpu.memory_space<hbm>> -> memref<80x128xi32, #tpu.memory_space<hbm>>
      tpu.wait_dma2 semaphore(%run_scoped3A_77 : memref<!tpu.dma_semaphore, #tpu.memory_space<semaphore_mem>>) src(%dma_wait3A_93 : memref<80x128xi32, #tpu.memory_space<hbm>>) dst(%arg6 : memref<80x128xi32, #tpu.memory_space<vmem>>)
      tpu.yield
    }) : () -> ()
    "tpu.region"() ({
      %run_scoped3A_77 = tpu.sem_alloc : memref<!tpu.dma_semaphore, #tpu.memory_space<semaphore_mem>>
      %dma_start3A_78 = arith.constant 0 : i32
      %dma_start3A_79 = arith.constant 0 : i32
      %dma_start3A_80 = tpu.memref_slice %arg4[%add3A, %dma_start3A_78, %dma_start3A_79] : memref<32x80x128xi32, #tpu.memory_space<hbm>> -> memref<1x80x128xi32, #tpu.memory_space<hbm>>
      %dma_start3A_81 = tpu.memref_squeeze %dma_start3A_80 : memref<1x80x128xi32, #tpu.memory_space<hbm>> -> memref<80x128xi32, #tpu.memory_space<hbm>>
      %dma_start3A_82 = arith.constant 0 : i32
      %dma_start3A_83 = arith.constant 0 : i32
      %dma_start3A_84 = tpu.memref_slice %arg4[%add3A, %dma_start3A_82, %dma_start3A_83] : memref<32x80x128xi32, #tpu.memory_space<hbm>> -> memref<1x80x128xi32, #tpu.memory_space<hbm>>
      %dma_start3A_85 = tpu.memref_squeeze %dma_start3A_84 : memref<1x80x128xi32, #tpu.memory_space<hbm>> -> memref<80x128xi32, #tpu.memory_space<hbm>>
      tpu.enqueue_dma source(%dma_start3A_85 : memref<80x128xi32, #tpu.memory_space<hbm>>) target(%arg7 : memref<80x128xi32, #tpu.memory_space<vmem>>) target_semaphore(%run_scoped3A_77 : memref<!tpu.dma_semaphore, #tpu.memory_space<semaphore_mem>>)
      %dma_wait3A_86 = arith.constant 0 : i32
      %dma_wait3A_87 = arith.constant 0 : i32
      %dma_wait3A_88 = tpu.memref_slice %arg4[%add3A, %dma_wait3A_86, %dma_wait3A_87] : memref<32x80x128xi32, #tpu.memory_space<hbm>> -> memref<1x80x128xi32, #tpu.memory_space<hbm>>
      %dma_wait3A_89 = tpu.memref_squeeze %dma_wait3A_88 : memref<1x80x128xi32, #tpu.memory_space<hbm>> -> memref<80x128xi32, #tpu.memory_space<hbm>>
      %dma_wait3A_90 = arith.constant 0 : i32
      %dma_wait3A_91 = arith.constant 0 : i32
      %dma_wait3A_92 = tpu.memref_slice %arg4[%add3A, %dma_wait3A_90, %dma_wait3A_91] : memref<32x80x128xi32, #tpu.memory_space<hbm>> -> memref<1x80x128xi32, #tpu.memory_space<hbm>>
      %dma_wait3A_93 = tpu.memref_squeeze %dma_wait3A_92 : memref<1x80x128xi32, #tpu.memory_space<hbm>> -> memref<80x128xi32, #tpu.memory_space<hbm>>
      tpu.wait_dma2 semaphore(%run_scoped3A_77 : memref<!tpu.dma_semaphore, #tpu.memory_space<semaphore_mem>>) src(%dma_wait3A_93 : memref<80x128xi32, #tpu.memory_space<hbm>>) dst(%arg7 : memref<80x128xi32, #tpu.memory_space<vmem>>)
      tpu.yield
    }) : () -> ()
    %scan3A_5 = arith.constant 0 : i32
    %scan3A_6 = arith.constant 5 : i32
    %scan3A_7 = arith.addi %scan3A_5, %scan3A_6 : i32
    %scan3A_8 = arith.constant 1 : i32
    scf.for %scan3A_77 = %scan3A_5 to %scan3A_7 step %scan3A_8  : i32 {
      %mul3A_78 = arith.constant 1 : i32
      %mul3A_79 = arith.muli %scan3A_77, %mul3A_78 : i32
      %add3A_80 = arith.constant 0 : i32
      %add3A_81 = arith.addi %add3A_80, %mul3A_79 : i32
      %mul3A_82 = arith.constant 640 : i32
      %mul3A_83 = arith.muli %arg1, %mul3A_82 : i32
      %mul3A_84 = arith.constant 128 : i32
      %mul3A_85 = arith.muli %add3A_81, %mul3A_84 : i32
      %add3A_86 = arith.addi %mul3A_83, %mul3A_85 : i32
      "tpu.region"() ({
        %run_scoped3A_87 = tpu.sem_alloc : memref<!tpu.dma_semaphore, #tpu.memory_space<semaphore_mem>>
        %dma_start3A_88 = arith.constant 0 : i32
        %dma_start3A_89 = tpu.memref_slice %arg13[%add3A_86, %dma_start3A_88] : memref<10240x64xf32, #tpu.memory_space<vmem_shared>> -> memref<128x64xf32, #tpu.memory_space<vmem_shared>>
        %dma_start3A_90 = arith.constant 0 : i32
        %dma_start3A_91 = tpu.memref_slice %arg13[%add3A_86, %dma_start3A_90] : memref<10240x64xf32, #tpu.memory_space<vmem_shared>> -> memref<128x64xf32, #tpu.memory_space<vmem_shared>>
        tpu.enqueue_dma source(%arg12 : memref<128x64xf32, #tpu.memory_space<vmem>>) target(%dma_start3A_91 : memref<128x64xf32, #tpu.memory_space<vmem_shared>>) target_semaphore(%run_scoped3A_87 : memref<!tpu.dma_semaphore, #tpu.memory_space<semaphore_mem>>)
        %dma_wait3A_92 = arith.constant 0 : i32
        %dma_wait3A_93 = tpu.memref_slice %arg13[%add3A_86, %dma_wait3A_92] : memref<10240x64xf32, #tpu.memory_space<vmem_shared>> -> memref<128x64xf32, #tpu.memory_space<vmem_shared>>
        %dma_wait3A_94 = arith.constant 0 : i32
        %dma_wait3A_95 = tpu.memref_slice %arg13[%add3A_86, %dma_wait3A_94] : memref<10240x64xf32, #tpu.memory_space<vmem_shared>> -> memref<128x64xf32, #tpu.memory_space<vmem_shared>>
        tpu.wait_dma2 semaphore(%run_scoped3A_87 : memref<!tpu.dma_semaphore, #tpu.memory_space<semaphore_mem>>) src(%arg12 : memref<128x64xf32, #tpu.memory_space<vmem>>) dst(%dma_wait3A_95 : memref<128x64xf32, #tpu.memory_space<vmem_shared>>)
        tpu.yield
      }) : () -> ()
    }
    %scan3A_9 = arith.constant 5 : i32
    %barrier3A = arith.constant 0 : index
    tpu.barrier barrier_id(%barrier3A)
    %dma_start3A = arith.constant 0 : i32
    %dma_start3A_10 = arith.constant 0 : i32
    %dma_start3A_11 = tpu.memref_slice %arg6[%dma_start3A, %dma_start3A_10] : memref<80x128xi32, #tpu.memory_space<vmem>> -> memref<1x128xi32, #tpu.memory_space<vmem>>
    %dma_start3A_12 = tpu.memref_squeeze %dma_start3A_11 : memref<1x128xi32, #tpu.memory_space<vmem>> -> memref<128xi32, #tpu.memory_space<vmem>>
    %dma_start3A_13 = arith.constant 0 : i32
    %dma_start3A_14 = arith.constant 0 : i32
    %dma_start3A_15 = tpu.memref_slice %arg2[%dma_start3A_13, %dma_start3A_14] : memref<10240x64xf32, #tpu.memory_space<hbm>> -> memref<10240x64xf32, #tpu.memory_space<hbm>>
    tpu.enqueue_indirect_dma source(%dma_start3A_15 : memref<10240x64xf32, #tpu.memory_space<hbm>>) target(%arg8 : memref<128x64xf32, #tpu.memory_space<vmem>>) offsets(%dma_start3A_12 : memref<128xi32, #tpu.memory_space<vmem>>) semaphore(%arg14 : memref<!tpu.dma_semaphore, #tpu.memory_space<semaphore_mem>>)
    %dma_start3A_16 = arith.constant 1 : i32
    %dma_start3A_17 = arith.constant 0 : i32
    %dma_start3A_18 = tpu.memref_slice %arg6[%dma_start3A_16, %dma_start3A_17] : memref<80x128xi32, #tpu.memory_space<vmem>> -> memref<1x128xi32, #tpu.memory_space<vmem>>
    %dma_start3A_19 = tpu.memref_squeeze %dma_start3A_18 : memref<1x128xi32, #tpu.memory_space<vmem>> -> memref<128xi32, #tpu.memory_space<vmem>>
    %dma_start3A_20 = arith.constant 0 : i32
    %dma_start3A_21 = arith.constant 0 : i32
    %dma_start3A_22 = tpu.memref_slice %arg2[%dma_start3A_20, %dma_start3A_21] : memref<10240x64xf32, #tpu.memory_space<hbm>> -> memref<10240x64xf32, #tpu.memory_space<hbm>>
    tpu.enqueue_indirect_dma source(%dma_start3A_22 : memref<10240x64xf32, #tpu.memory_space<hbm>>) target(%arg9 : memref<128x64xf32, #tpu.memory_space<vmem>>) offsets(%dma_start3A_19 : memref<128xi32, #tpu.memory_space<vmem>>) semaphore(%arg15 : memref<!tpu.dma_semaphore, #tpu.memory_space<semaphore_mem>>)
    %dma_start3A_23 = arith.constant 2 : i32
    %dma_start3A_24 = arith.constant 0 : i32
    %dma_start3A_25 = tpu.memref_slice %arg6[%dma_start3A_23, %dma_start3A_24] : memref<80x128xi32, #tpu.memory_space<vmem>> -> memref<1x128xi32, #tpu.memory_space<vmem>>
    %dma_start3A_26 = tpu.memref_squeeze %dma_start3A_25 : memref<1x128xi32, #tpu.memory_space<vmem>> -> memref<128xi32, #tpu.memory_space<vmem>>
    %dma_start3A_27 = arith.constant 0 : i32
    %dma_start3A_28 = arith.constant 0 : i32
    %dma_start3A_29 = tpu.memref_slice %arg2[%dma_start3A_27, %dma_start3A_28] : memref<10240x64xf32, #tpu.memory_space<hbm>> -> memref<10240x64xf32, #tpu.memory_space<hbm>>
    tpu.enqueue_indirect_dma source(%dma_start3A_29 : memref<10240x64xf32, #tpu.memory_space<hbm>>) target(%arg10 : memref<128x64xf32, #tpu.memory_space<vmem>>) offsets(%dma_start3A_26 : memref<128xi32, #tpu.memory_space<vmem>>) semaphore(%arg16 : memref<!tpu.dma_semaphore, #tpu.memory_space<semaphore_mem>>)
    %dma_start3A_30 = arith.constant 3 : i32
    %dma_start3A_31 = arith.constant 0 : i32
    %dma_start3A_32 = tpu.memref_slice %arg6[%dma_start3A_30, %dma_start3A_31] : memref<80x128xi32, #tpu.memory_space<vmem>> -> memref<1x128xi32, #tpu.memory_space<vmem>>
    %dma_start3A_33 = tpu.memref_squeeze %dma_start3A_32 : memref<1x128xi32, #tpu.memory_space<vmem>> -> memref<128xi32, #tpu.memory_space<vmem>>
    %dma_start3A_34 = arith.constant 0 : i32
    %dma_start3A_35 = arith.constant 0 : i32
    %dma_start3A_36 = tpu.memref_slice %arg2[%dma_start3A_34, %dma_start3A_35] : memref<10240x64xf32, #tpu.memory_space<hbm>> -> memref<10240x64xf32, #tpu.memory_space<hbm>>
    tpu.enqueue_indirect_dma source(%dma_start3A_36 : memref<10240x64xf32, #tpu.memory_space<hbm>>) target(%arg11 : memref<128x64xf32, #tpu.memory_space<vmem>>) offsets(%dma_start3A_33 : memref<128xi32, #tpu.memory_space<vmem>>) semaphore(%arg17 : memref<!tpu.dma_semaphore, #tpu.memory_space<semaphore_mem>>)
    %scan3A_37 = arith.constant 0 : i32
    %scan3A_38 = arith.constant 19 : i32
    %scan3A_39 = arith.addi %scan3A_37, %scan3A_38 : i32
    %scan3A_40 = arith.constant 1 : i32
    scf.for %scan3A_77 = %scan3A_37 to %scan3A_39 step %scan3A_40  : i32 {
      %mul3A_78 = arith.constant 1 : i32
      %mul3A_79 = arith.muli %scan3A_77, %mul3A_78 : i32
      %add3A_80 = arith.constant 0 : i32
      %add3A_81 = arith.addi %add3A_80, %mul3A_79 : i32
      %mul3A_82 = arith.constant 4 : i32
      %mul3A_83 = arith.muli %add3A_81, %mul3A_82 : i32
      %add3A_84 = arith.constant 0 : i32
      %add3A_85 = arith.addi %mul3A_83, %add3A_84 : i32
      %dma_wait3A_86 = arith.constant 0 : i32
      %dma_wait3A_87 = tpu.memref_slice %arg6[%add3A_85, %dma_wait3A_86] : memref<80x128xi32, #tpu.memory_space<vmem>> -> memref<1x128xi32, #tpu.memory_space<vmem>>
      %dma_wait3A_88 = tpu.memref_squeeze %dma_wait3A_87 : memref<1x128xi32, #tpu.memory_space<vmem>> -> memref<128xi32, #tpu.memory_space<vmem>>
      %dma_wait3A_89 = arith.constant 0 : i32
      %dma_wait3A_90 = arith.constant 0 : i32
      %dma_wait3A_91 = tpu.memref_slice %arg2[%dma_wait3A_89, %dma_wait3A_90] : memref<10240x64xf32, #tpu.memory_space<hbm>> -> memref<10240x64xf32, #tpu.memory_space<hbm>>
      tpu.wait_indirect_dma semaphore(%arg14 : memref<!tpu.dma_semaphore, #tpu.memory_space<semaphore_mem>>) src(%dma_wait3A_91 : memref<10240x64xf32, #tpu.memory_space<hbm>>) dst(%arg8 : memref<128x64xf32, #tpu.memory_space<vmem>>)
      %add3A_92 = arith.constant 0 : i32
      %add3A_93 = arith.addi %mul3A_83, %add3A_92 : i32
      "tpu.region"() ({
        %run_scoped3A_164 = tpu.sem_alloc : memref<!tpu.dma_semaphore, #tpu.memory_space<semaphore_mem>>
        %dma_start3A_165 = arith.constant 0 : i32
        %dma_start3A_166 = tpu.memref_slice %arg7[%add3A_93, %dma_start3A_165] : memref<80x128xi32, #tpu.memory_space<vmem>> -> memref<1x128xi32, #tpu.memory_space<vmem>>
        %dma_start3A_167 = tpu.memref_squeeze %dma_start3A_166 : memref<1x128xi32, #tpu.memory_space<vmem>> -> memref<128xi32, #tpu.memory_space<vmem>>
        %dma_start3A_168 = arith.constant 0 : i32
        %dma_start3A_169 = arith.constant 0 : i32
        %dma_start3A_170 = tpu.memref_slice %arg13[%dma_start3A_168, %dma_start3A_169] : memref<10240x64xf32, #tpu.memory_space<vmem_shared>> -> memref<10240x64xf32, #tpu.memory_space<vmem_shared>>
        tpu.enqueue_indirect_dma source(%arg8 : memref<128x64xf32, #tpu.memory_space<vmem>>) target(%dma_start3A_170 : memref<10240x64xf32, #tpu.memory_space<vmem_shared>>) offsets(%dma_start3A_167 : memref<128xi32, #tpu.memory_space<vmem>>) semaphore(%run_scoped3A_164 : memref<!tpu.dma_semaphore, #tpu.memory_space<semaphore_mem>>) {add = true}
        %dma_wait3A_171 = arith.constant 0 : i32
        %dma_wait3A_172 = tpu.memref_slice %arg7[%add3A_93, %dma_wait3A_171] : memref<80x128xi32, #tpu.memory_space<vmem>> -> memref<1x128xi32, #tpu.memory_space<vmem>>
        %dma_wait3A_173 = tpu.memref_squeeze %dma_wait3A_172 : memref<1x128xi32, #tpu.memory_space<vmem>> -> memref<128xi32, #tpu.memory_space<vmem>>
        %dma_wait3A_174 = arith.constant 0 : i32
        %dma_wait3A_175 = arith.constant 0 : i32
        %dma_wait3A_176 = tpu.memref_slice %arg13[%dma_wait3A_174, %dma_wait3A_175] : memref<10240x64xf32, #tpu.memory_space<vmem_shared>> -> memref<10240x64xf32, #tpu.memory_space<vmem_shared>>
        tpu.wait_indirect_dma semaphore(%run_scoped3A_164 : memref<!tpu.dma_semaphore, #tpu.memory_space<semaphore_mem>>) src(%arg8 : memref<128x64xf32, #tpu.memory_space<vmem>>) dst(%dma_wait3A_176 : memref<10240x64xf32, #tpu.memory_space<vmem_shared>>)
        tpu.yield
      }) : () -> ()
      %add3A_94 = arith.constant 4 : i32
      %add3A_95 = arith.addi %mul3A_83, %add3A_94 : i32
      %add3A_96 = arith.constant 0 : i32
      %add3A_97 = arith.addi %add3A_95, %add3A_96 : i32
      %dma_start3A_98 = arith.constant 0 : i32
      %dma_start3A_99 = tpu.memref_slice %arg6[%add3A_97, %dma_start3A_98] : memref<80x128xi32, #tpu.memory_space<vmem>> -> memref<1x128xi32, #tpu.memory_space<vmem>>
      %dma_start3A_100 = tpu.memref_squeeze %dma_start3A_99 : memref<1x128xi32, #tpu.memory_space<vmem>> -> memref<128xi32, #tpu.memory_space<vmem>>
      %dma_start3A_101 = arith.constant 0 : i32
      %dma_start3A_102 = arith.constant 0 : i32
      %dma_start3A_103 = tpu.memref_slice %arg2[%dma_start3A_101, %dma_start3A_102] : memref<10240x64xf32, #tpu.memory_space<hbm>> -> memref<10240x64xf32, #tpu.memory_space<hbm>>
      tpu.enqueue_indirect_dma source(%dma_start3A_103 : memref<10240x64xf32, #tpu.memory_space<hbm>>) target(%arg8 : memref<128x64xf32, #tpu.memory_space<vmem>>) offsets(%dma_start3A_100 : memref<128xi32, #tpu.memory_space<vmem>>) semaphore(%arg14 : memref<!tpu.dma_semaphore, #tpu.memory_space<semaphore_mem>>)
      %add3A_104 = arith.constant 1 : i32
      %add3A_105 = arith.addi %mul3A_83, %add3A_104 : i32
      %dma_wait3A_106 = arith.constant 0 : i32
      %dma_wait3A_107 = tpu.memref_slice %arg6[%add3A_105, %dma_wait3A_106] : memref<80x128xi32, #tpu.memory_space<vmem>> -> memref<1x128xi32, #tpu.memory_space<vmem>>
      %dma_wait3A_108 = tpu.memref_squeeze %dma_wait3A_107 : memref<1x128xi32, #tpu.memory_space<vmem>> -> memref<128xi32, #tpu.memory_space<vmem>>
      %dma_wait3A_109 = arith.constant 0 : i32
      %dma_wait3A_110 = arith.constant 0 : i32
      %dma_wait3A_111 = tpu.memref_slice %arg2[%dma_wait3A_109, %dma_wait3A_110] : memref<10240x64xf32, #tpu.memory_space<hbm>> -> memref<10240x64xf32, #tpu.memory_space<hbm>>
      tpu.wait_indirect_dma semaphore(%arg15 : memref<!tpu.dma_semaphore, #tpu.memory_space<semaphore_mem>>) src(%dma_wait3A_111 : memref<10240x64xf32, #tpu.memory_space<hbm>>) dst(%arg9 : memref<128x64xf32, #tpu.memory_space<vmem>>)
      %add3A_112 = arith.constant 1 : i32
      %add3A_113 = arith.addi %mul3A_83, %add3A_112 : i32
      "tpu.region"() ({
        %run_scoped3A_164 = tpu.sem_alloc : memref<!tpu.dma_semaphore, #tpu.memory_space<semaphore_mem>>
        %dma_start3A_165 = arith.constant 0 : i32
        %dma_start3A_166 = tpu.memref_slice %arg7[%add3A_113, %dma_start3A_165] : memref<80x128xi32, #tpu.memory_space<vmem>> -> memref<1x128xi32, #tpu.memory_space<vmem>>
        %dma_start3A_167 = tpu.memref_squeeze %dma_start3A_166 : memref<1x128xi32, #tpu.memory_space<vmem>> -> memref<128xi32, #tpu.memory_space<vmem>>
        %dma_start3A_168 = arith.constant 0 : i32
        %dma_start3A_169 = arith.constant 0 : i32
        %dma_start3A_170 = tpu.memref_slice %arg13[%dma_start3A_168, %dma_start3A_169] : memref<10240x64xf32, #tpu.memory_space<vmem_shared>> -> memref<10240x64xf32, #tpu.memory_space<vmem_shared>>
        tpu.enqueue_indirect_dma source(%arg9 : memref<128x64xf32, #tpu.memory_space<vmem>>) target(%dma_start3A_170 : memref<10240x64xf32, #tpu.memory_space<vmem_shared>>) offsets(%dma_start3A_167 : memref<128xi32, #tpu.memory_space<vmem>>) semaphore(%run_scoped3A_164 : memref<!tpu.dma_semaphore, #tpu.memory_space<semaphore_mem>>) {add = true}
        %dma_wait3A_171 = arith.constant 0 : i32
        %dma_wait3A_172 = tpu.memref_slice %arg7[%add3A_113, %dma_wait3A_171] : memref<80x128xi32, #tpu.memory_space<vmem>> -> memref<1x128xi32, #tpu.memory_space<vmem>>
        %dma_wait3A_173 = tpu.memref_squeeze %dma_wait3A_172 : memref<1x128xi32, #tpu.memory_space<vmem>> -> memref<128xi32, #tpu.memory_space<vmem>>
        %dma_wait3A_174 = arith.constant 0 : i32
        %dma_wait3A_175 = arith.constant 0 : i32
        %dma_wait3A_176 = tpu.memref_slice %arg13[%dma_wait3A_174, %dma_wait3A_175] : memref<10240x64xf32, #tpu.memory_space<vmem_shared>> -> memref<10240x64xf32, #tpu.memory_space<vmem_shared>>
        tpu.wait_indirect_dma semaphore(%run_scoped3A_164 : memref<!tpu.dma_semaphore, #tpu.memory_space<semaphore_mem>>) src(%arg9 : memref<128x64xf32, #tpu.memory_space<vmem>>) dst(%dma_wait3A_176 : memref<10240x64xf32, #tpu.memory_space<vmem_shared>>)
        tpu.yield
      }) : () -> ()
      %add3A_114 = arith.constant 4 : i32
      %add3A_115 = arith.addi %mul3A_83, %add3A_114 : i32
      %add3A_116 = arith.constant 1 : i32
      %add3A_117 = arith.addi %add3A_115, %add3A_116 : i32
      %dma_start3A_118 = arith.constant 0 : i32
      %dma_start3A_119 = tpu.memref_slice %arg6[%add3A_117, %dma_start3A_118] : memref<80x128xi32, #tpu.memory_space<vmem>> -> memref<1x128xi32, #tpu.memory_space<vmem>>
      %dma_start3A_120 = tpu.memref_squeeze %dma_start3A_119 : memref<1x128xi32, #tpu.memory_space<vmem>> -> memref<128xi32, #tpu.memory_space<vmem>>
      %dma_start3A_121 = arith.constant 0 : i32
      %dma_start3A_122 = arith.constant 0 : i32
      %dma_start3A_123 = tpu.memref_slice %arg2[%dma_start3A_121, %dma_start3A_122] : memref<10240x64xf32, #tpu.memory_space<hbm>> -> memref<10240x64xf32, #tpu.memory_space<hbm>>
      tpu.enqueue_indirect_dma source(%dma_start3A_123 : memref<10240x64xf32, #tpu.memory_space<hbm>>) target(%arg9 : memref<128x64xf32, #tpu.memory_space<vmem>>) offsets(%dma_start3A_120 : memref<128xi32, #tpu.memory_space<vmem>>) semaphore(%arg15 : memref<!tpu.dma_semaphore, #tpu.memory_space<semaphore_mem>>)
      %add3A_124 = arith.constant 2 : i32
      %add3A_125 = arith.addi %mul3A_83, %add3A_124 : i32
      %dma_wait3A_126 = arith.constant 0 : i32
      %dma_wait3A_127 = tpu.memref_slice %arg6[%add3A_125, %dma_wait3A_126] : memref<80x128xi32, #tpu.memory_space<vmem>> -> memref<1x128xi32, #tpu.memory_space<vmem>>
      %dma_wait3A_128 = tpu.memref_squeeze %dma_wait3A_127 : memref<1x128xi32, #tpu.memory_space<vmem>> -> memref<128xi32, #tpu.memory_space<vmem>>
      %dma_wait3A_129 = arith.constant 0 : i32
      %dma_wait3A_130 = arith.constant 0 : i32
      %dma_wait3A_131 = tpu.memref_slice %arg2[%dma_wait3A_129, %dma_wait3A_130] : memref<10240x64xf32, #tpu.memory_space<hbm>> -> memref<10240x64xf32, #tpu.memory_space<hbm>>
      tpu.wait_indirect_dma semaphore(%arg16 : memref<!tpu.dma_semaphore, #tpu.memory_space<semaphore_mem>>) src(%dma_wait3A_131 : memref<10240x64xf32, #tpu.memory_space<hbm>>) dst(%arg10 : memref<128x64xf32, #tpu.memory_space<vmem>>)
      %add3A_132 = arith.constant 2 : i32
      %add3A_133 = arith.addi %mul3A_83, %add3A_132 : i32
      "tpu.region"() ({
        %run_scoped3A_164 = tpu.sem_alloc : memref<!tpu.dma_semaphore, #tpu.memory_space<semaphore_mem>>
        %dma_start3A_165 = arith.constant 0 : i32
        %dma_start3A_166 = tpu.memref_slice %arg7[%add3A_133, %dma_start3A_165] : memref<80x128xi32, #tpu.memory_space<vmem>> -> memref<1x128xi32, #tpu.memory_space<vmem>>
        %dma_start3A_167 = tpu.memref_squeeze %dma_start3A_166 : memref<1x128xi32, #tpu.memory_space<vmem>> -> memref<128xi32, #tpu.memory_space<vmem>>
        %dma_start3A_168 = arith.constant 0 : i32
        %dma_start3A_169 = arith.constant 0 : i32
        %dma_start3A_170 = tpu.memref_slice %arg13[%dma_start3A_168, %dma_start3A_169] : memref<10240x64xf32, #tpu.memory_space<vmem_shared>> -> memref<10240x64xf32, #tpu.memory_space<vmem_shared>>
        tpu.enqueue_indirect_dma source(%arg10 : memref<128x64xf32, #tpu.memory_space<vmem>>) target(%dma_start3A_170 : memref<10240x64xf32, #tpu.memory_space<vmem_shared>>) offsets(%dma_start3A_167 : memref<128xi32, #tpu.memory_space<vmem>>) semaphore(%run_scoped3A_164 : memref<!tpu.dma_semaphore, #tpu.memory_space<semaphore_mem>>) {add = true}
        %dma_wait3A_171 = arith.constant 0 : i32
        %dma_wait3A_172 = tpu.memref_slice %arg7[%add3A_133, %dma_wait3A_171] : memref<80x128xi32, #tpu.memory_space<vmem>> -> memref<1x128xi32, #tpu.memory_space<vmem>>
        %dma_wait3A_173 = tpu.memref_squeeze %dma_wait3A_172 : memref<1x128xi32, #tpu.memory_space<vmem>> -> memref<128xi32, #tpu.memory_space<vmem>>
        %dma_wait3A_174 = arith.constant 0 : i32
        %dma_wait3A_175 = arith.constant 0 : i32
        %dma_wait3A_176 = tpu.memref_slice %arg13[%dma_wait3A_174, %dma_wait3A_175] : memref<10240x64xf32, #tpu.memory_space<vmem_shared>> -> memref<10240x64xf32, #tpu.memory_space<vmem_shared>>
        tpu.wait_indirect_dma semaphore(%run_scoped3A_164 : memref<!tpu.dma_semaphore, #tpu.memory_space<semaphore_mem>>) src(%arg10 : memref<128x64xf32, #tpu.memory_space<vmem>>) dst(%dma_wait3A_176 : memref<10240x64xf32, #tpu.memory_space<vmem_shared>>)
        tpu.yield
      }) : () -> ()
      %add3A_134 = arith.constant 4 : i32
      %add3A_135 = arith.addi %mul3A_83, %add3A_134 : i32
      %add3A_136 = arith.constant 2 : i32
      %add3A_137 = arith.addi %add3A_135, %add3A_136 : i32
      %dma_start3A_138 = arith.constant 0 : i32
      %dma_start3A_139 = tpu.memref_slice %arg6[%add3A_137, %dma_start3A_138] : memref<80x128xi32, #tpu.memory_space<vmem>> -> memref<1x128xi32, #tpu.memory_space<vmem>>
      %dma_start3A_140 = tpu.memref_squeeze %dma_start3A_139 : memref<1x128xi32, #tpu.memory_space<vmem>> -> memref<128xi32, #tpu.memory_space<vmem>>
      %dma_start3A_141 = arith.constant 0 : i32
      %dma_start3A_142 = arith.constant 0 : i32
      %dma_start3A_143 = tpu.memref_slice %arg2[%dma_start3A_141, %dma_start3A_142] : memref<10240x64xf32, #tpu.memory_space<hbm>> -> memref<10240x64xf32, #tpu.memory_space<hbm>>
      tpu.enqueue_indirect_dma source(%dma_start3A_143 : memref<10240x64xf32, #tpu.memory_space<hbm>>) target(%arg10 : memref<128x64xf32, #tpu.memory_space<vmem>>) offsets(%dma_start3A_140 : memref<128xi32, #tpu.memory_space<vmem>>) semaphore(%arg16 : memref<!tpu.dma_semaphore, #tpu.memory_space<semaphore_mem>>)
      %add3A_144 = arith.constant 3 : i32
      %add3A_145 = arith.addi %mul3A_83, %add3A_144 : i32
      %dma_wait3A_146 = arith.constant 0 : i32
      %dma_wait3A_147 = tpu.memref_slice %arg6[%add3A_145, %dma_wait3A_146] : memref<80x128xi32, #tpu.memory_space<vmem>> -> memref<1x128xi32, #tpu.memory_space<vmem>>
      %dma_wait3A_148 = tpu.memref_squeeze %dma_wait3A_147 : memref<1x128xi32, #tpu.memory_space<vmem>> -> memref<128xi32, #tpu.memory_space<vmem>>
      %dma_wait3A_149 = arith.constant 0 : i32
      %dma_wait3A_150 = arith.constant 0 : i32
      %dma_wait3A_151 = tpu.memref_slice %arg2[%dma_wait3A_149, %dma_wait3A_150] : memref<10240x64xf32, #tpu.memory_space<hbm>> -> memref<10240x64xf32, #tpu.memory_space<hbm>>
      tpu.wait_indirect_dma semaphore(%arg17 : memref<!tpu.dma_semaphore, #tpu.memory_space<semaphore_mem>>) src(%dma_wait3A_151 : memref<10240x64xf32, #tpu.memory_space<hbm>>) dst(%arg11 : memref<128x64xf32, #tpu.memory_space<vmem>>)
      %add3A_152 = arith.constant 3 : i32
      %add3A_153 = arith.addi %mul3A_83, %add3A_152 : i32
      "tpu.region"() ({
        %run_scoped3A_164 = tpu.sem_alloc : memref<!tpu.dma_semaphore, #tpu.memory_space<semaphore_mem>>
        %dma_start3A_165 = arith.constant 0 : i32
        %dma_start3A_166 = tpu.memref_slice %arg7[%add3A_153, %dma_start3A_165] : memref<80x128xi32, #tpu.memory_space<vmem>> -> memref<1x128xi32, #tpu.memory_space<vmem>>
        %dma_start3A_167 = tpu.memref_squeeze %dma_start3A_166 : memref<1x128xi32, #tpu.memory_space<vmem>> -> memref<128xi32, #tpu.memory_space<vmem>>
        %dma_start3A_168 = arith.constant 0 : i32
        %dma_start3A_169 = arith.constant 0 : i32
        %dma_start3A_170 = tpu.memref_slice %arg13[%dma_start3A_168, %dma_start3A_169] : memref<10240x64xf32, #tpu.memory_space<vmem_shared>> -> memref<10240x64xf32, #tpu.memory_space<vmem_shared>>
        tpu.enqueue_indirect_dma source(%arg11 : memref<128x64xf32, #tpu.memory_space<vmem>>) target(%dma_start3A_170 : memref<10240x64xf32, #tpu.memory_space<vmem_shared>>) offsets(%dma_start3A_167 : memref<128xi32, #tpu.memory_space<vmem>>) semaphore(%run_scoped3A_164 : memref<!tpu.dma_semaphore, #tpu.memory_space<semaphore_mem>>) {add = true}
        %dma_wait3A_171 = arith.constant 0 : i32
        %dma_wait3A_172 = tpu.memref_slice %arg7[%add3A_153, %dma_wait3A_171] : memref<80x128xi32, #tpu.memory_space<vmem>> -> memref<1x128xi32, #tpu.memory_space<vmem>>
        %dma_wait3A_173 = tpu.memref_squeeze %dma_wait3A_172 : memref<1x128xi32, #tpu.memory_space<vmem>> -> memref<128xi32, #tpu.memory_space<vmem>>
        %dma_wait3A_174 = arith.constant 0 : i32
        %dma_wait3A_175 = arith.constant 0 : i32
        %dma_wait3A_176 = tpu.memref_slice %arg13[%dma_wait3A_174, %dma_wait3A_175] : memref<10240x64xf32, #tpu.memory_space<vmem_shared>> -> memref<10240x64xf32, #tpu.memory_space<vmem_shared>>
        tpu.wait_indirect_dma semaphore(%run_scoped3A_164 : memref<!tpu.dma_semaphore, #tpu.memory_space<semaphore_mem>>) src(%arg11 : memref<128x64xf32, #tpu.memory_space<vmem>>) dst(%dma_wait3A_176 : memref<10240x64xf32, #tpu.memory_space<vmem_shared>>)
        tpu.yield
      }) : () -> ()
      %add3A_154 = arith.constant 4 : i32
      %add3A_155 = arith.addi %mul3A_83, %add3A_154 : i32
      %add3A_156 = arith.constant 3 : i32
      %add3A_157 = arith.addi %add3A_155, %add3A_156 : i32
      %dma_start3A_158 = arith.constant 0 : i32
      %dma_start3A_159 = tpu.memref_slice %arg6[%add3A_157, %dma_start3A_158] : memref<80x128xi32, #tpu.memory_space<vmem>> -> memref<1x128xi32, #tpu.memory_space<vmem>>
      %dma_start3A_160 = tpu.memref_squeeze %dma_start3A_159 : memref<1x128xi32, #tpu.memory_space<vmem>> -> memref<128xi32, #tpu.memory_space<vmem>>
      %dma_start3A_161 = arith.constant 0 : i32
      %dma_start3A_162 = arith.constant 0 : i32
      %dma_start3A_163 = tpu.memref_slice %arg2[%dma_start3A_161, %dma_start3A_162] : memref<10240x64xf32, #tpu.memory_space<hbm>> -> memref<10240x64xf32, #tpu.memory_space<hbm>>
      tpu.enqueue_indirect_dma source(%dma_start3A_163 : memref<10240x64xf32, #tpu.memory_space<hbm>>) target(%arg11 : memref<128x64xf32, #tpu.memory_space<vmem>>) offsets(%dma_start3A_160 : memref<128xi32, #tpu.memory_space<vmem>>) semaphore(%arg17 : memref<!tpu.dma_semaphore, #tpu.memory_space<semaphore_mem>>)
    }
    %scan3A_41 = arith.constant 19 : i32
    %dma_wait3A = arith.constant 76 : i32
    %dma_wait3A_42 = arith.constant 0 : i32
    %dma_wait3A_43 = tpu.memref_slice %arg6[%dma_wait3A, %dma_wait3A_42] : memref<80x128xi32, #tpu.memory_space<vmem>> -> memref<1x128xi32, #tpu.memory_space<vmem>>
    %dma_wait3A_44 = tpu.memref_squeeze %dma_wait3A_43 : memref<1x128xi32, #tpu.memory_space<vmem>> -> memref<128xi32, #tpu.memory_space<vmem>>
    %dma_wait3A_45 = arith.constant 0 : i32
    %dma_wait3A_46 = arith.constant 0 : i32
    %dma_wait3A_47 = tpu.memref_slice %arg2[%dma_wait3A_45, %dma_wait3A_46] : memref<10240x64xf32, #tpu.memory_space<hbm>> -> memref<10240x64xf32, #tpu.memory_space<hbm>>
    tpu.wait_indirect_dma semaphore(%arg14 : memref<!tpu.dma_semaphore, #tpu.memory_space<semaphore_mem>>) src(%dma_wait3A_47 : memref<10240x64xf32, #tpu.memory_space<hbm>>) dst(%arg8 : memref<128x64xf32, #tpu.memory_space<vmem>>)
    %run_scoped3A = arith.constant 76 : i32
    "tpu.region"() ({
      %run_scoped3A_77 = tpu.sem_alloc : memref<!tpu.dma_semaphore, #tpu.memory_space<semaphore_mem>>
      %dma_start3A_78 = arith.constant 0 : i32
      %dma_start3A_79 = tpu.memref_slice %arg7[%run_scoped3A, %dma_start3A_78] : memref<80x128xi32, #tpu.memory_space<vmem>> -> memref<1x128xi32, #tpu.memory_space<vmem>>
      %dma_start3A_80 = tpu.memref_squeeze %dma_start3A_79 : memref<1x128xi32, #tpu.memory_space<vmem>> -> memref<128xi32, #tpu.memory_space<vmem>>
      %dma_start3A_81 = arith.constant 0 : i32
      %dma_start3A_82 = arith.constant 0 : i32
      %dma_start3A_83 = tpu.memref_slice %arg13[%dma_start3A_81, %dma_start3A_82] : memref<10240x64xf32, #tpu.memory_space<vmem_shared>> -> memref<10240x64xf32, #tpu.memory_space<vmem_shared>>
      tpu.enqueue_indirect_dma source(%arg8 : memref<128x64xf32, #tpu.memory_space<vmem>>) target(%dma_start3A_83 : memref<10240x64xf32, #tpu.memory_space<vmem_shared>>) offsets(%dma_start3A_80 : memref<128xi32, #tpu.memory_space<vmem>>) semaphore(%run_scoped3A_77 : memref<!tpu.dma_semaphore, #tpu.memory_space<semaphore_mem>>) {add = true}
      %dma_wait3A_84 = arith.constant 0 : i32
      %dma_wait3A_85 = tpu.memref_slice %arg7[%run_scoped3A, %dma_wait3A_84] : memref<80x128xi32, #tpu.memory_space<vmem>> -> memref<1x128xi32, #tpu.memory_space<vmem>>
      %dma_wait3A_86 = tpu.memref_squeeze %dma_wait3A_85 : memref<1x128xi32, #tpu.memory_space<vmem>> -> memref<128xi32, #tpu.memory_space<vmem>>
      %dma_wait3A_87 = arith.constant 0 : i32
      %dma_wait3A_88 = arith.constant 0 : i32
      %dma_wait3A_89 = tpu.memref_slice %arg13[%dma_wait3A_87, %dma_wait3A_88] : memref<10240x64xf32, #tpu.memory_space<vmem_shared>> -> memref<10240x64xf32, #tpu.memory_space<vmem_shared>>
      tpu.wait_indirect_dma semaphore(%run_scoped3A_77 : memref<!tpu.dma_semaphore, #tpu.memory_space<semaphore_mem>>) src(%arg8 : memref<128x64xf32, #tpu.memory_space<vmem>>) dst(%dma_wait3A_89 : memref<10240x64xf32, #tpu.memory_space<vmem_shared>>)
      tpu.yield
    }) : () -> ()
    %dma_wait3A_48 = arith.constant 77 : i32
    %dma_wait3A_49 = arith.constant 0 : i32
    %dma_wait3A_50 = tpu.memref_slice %arg6[%dma_wait3A_48, %dma_wait3A_49] : memref<80x128xi32, #tpu.memory_space<vmem>> -> memref<1x128xi32, #tpu.memory_space<vmem>>
    %dma_wait3A_51 = tpu.memref_squeeze %dma_wait3A_50 : memref<1x128xi32, #tpu.memory_space<vmem>> -> memref<128xi32, #tpu.memory_space<vmem>>
    %dma_wait3A_52 = arith.constant 0 : i32
    %dma_wait3A_53 = arith.constant 0 : i32
    %dma_wait3A_54 = tpu.memref_slice %arg2[%dma_wait3A_52, %dma_wait3A_53] : memref<10240x64xf32, #tpu.memory_space<hbm>> -> memref<10240x64xf32, #tpu.memory_space<hbm>>
    tpu.wait_indirect_dma semaphore(%arg15 : memref<!tpu.dma_semaphore, #tpu.memory_space<semaphore_mem>>) src(%dma_wait3A_54 : memref<10240x64xf32, #tpu.memory_space<hbm>>) dst(%arg9 : memref<128x64xf32, #tpu.memory_space<vmem>>)
    %run_scoped3A_55 = arith.constant 77 : i32
    "tpu.region"() ({
      %run_scoped3A_77 = tpu.sem_alloc : memref<!tpu.dma_semaphore, #tpu.memory_space<semaphore_mem>>
      %dma_start3A_78 = arith.constant 0 : i32
      %dma_start3A_79 = tpu.memref_slice %arg7[%run_scoped3A_55, %dma_start3A_78] : memref<80x128xi32, #tpu.memory_space<vmem>> -> memref<1x128xi32, #tpu.memory_space<vmem>>
      %dma_start3A_80 = tpu.memref_squeeze %dma_start3A_79 : memref<1x128xi32, #tpu.memory_space<vmem>> -> memref<128xi32, #tpu.memory_space<vmem>>
      %dma_start3A_81 = arith.constant 0 : i32
      %dma_start3A_82 = arith.constant 0 : i32
      %dma_start3A_83 = tpu.memref_slice %arg13[%dma_start3A_81, %dma_start3A_82] : memref<10240x64xf32, #tpu.memory_space<vmem_shared>> -> memref<10240x64xf32, #tpu.memory_space<vmem_shared>>
      tpu.enqueue_indirect_dma source(%arg9 : memref<128x64xf32, #tpu.memory_space<vmem>>) target(%dma_start3A_83 : memref<10240x64xf32, #tpu.memory_space<vmem_shared>>) offsets(%dma_start3A_80 : memref<128xi32, #tpu.memory_space<vmem>>) semaphore(%run_scoped3A_77 : memref<!tpu.dma_semaphore, #tpu.memory_space<semaphore_mem>>) {add = true}
      %dma_wait3A_84 = arith.constant 0 : i32
      %dma_wait3A_85 = tpu.memref_slice %arg7[%run_scoped3A_55, %dma_wait3A_84] : memref<80x128xi32, #tpu.memory_space<vmem>> -> memref<1x128xi32, #tpu.memory_space<vmem>>
      %dma_wait3A_86 = tpu.memref_squeeze %dma_wait3A_85 : memref<1x128xi32, #tpu.memory_space<vmem>> -> memref<128xi32, #tpu.memory_space<vmem>>
      %dma_wait3A_87 = arith.constant 0 : i32
      %dma_wait3A_88 = arith.constant 0 : i32
      %dma_wait3A_89 = tpu.memref_slice %arg13[%dma_wait3A_87, %dma_wait3A_88] : memref<10240x64xf32, #tpu.memory_space<vmem_shared>> -> memref<10240x64xf32, #tpu.memory_space<vmem_shared>>
      tpu.wait_indirect_dma semaphore(%run_scoped3A_77 : memref<!tpu.dma_semaphore, #tpu.memory_space<semaphore_mem>>) src(%arg9 : memref<128x64xf32, #tpu.memory_space<vmem>>) dst(%dma_wait3A_89 : memref<10240x64xf32, #tpu.memory_space<vmem_shared>>)
      tpu.yield
    }) : () -> ()
    %dma_wait3A_56 = arith.constant 78 : i32
    %dma_wait3A_57 = arith.constant 0 : i32
    %dma_wait3A_58 = tpu.memref_slice %arg6[%dma_wait3A_56, %dma_wait3A_57] : memref<80x128xi32, #tpu.memory_space<vmem>> -> memref<1x128xi32, #tpu.memory_space<vmem>>
    %dma_wait3A_59 = tpu.memref_squeeze %dma_wait3A_58 : memref<1x128xi32, #tpu.memory_space<vmem>> -> memref<128xi32, #tpu.memory_space<vmem>>
    %dma_wait3A_60 = arith.constant 0 : i32
    %dma_wait3A_61 = arith.constant 0 : i32
    %dma_wait3A_62 = tpu.memref_slice %arg2[%dma_wait3A_60, %dma_wait3A_61] : memref<10240x64xf32, #tpu.memory_space<hbm>> -> memref<10240x64xf32, #tpu.memory_space<hbm>>
    tpu.wait_indirect_dma semaphore(%arg16 : memref<!tpu.dma_semaphore, #tpu.memory_space<semaphore_mem>>) src(%dma_wait3A_62 : memref<10240x64xf32, #tpu.memory_space<hbm>>) dst(%arg10 : memref<128x64xf32, #tpu.memory_space<vmem>>)
    %run_scoped3A_63 = arith.constant 78 : i32
    "tpu.region"() ({
      %run_scoped3A_77 = tpu.sem_alloc : memref<!tpu.dma_semaphore, #tpu.memory_space<semaphore_mem>>
      %dma_start3A_78 = arith.constant 0 : i32
      %dma_start3A_79 = tpu.memref_slice %arg7[%run_scoped3A_63, %dma_start3A_78] : memref<80x128xi32, #tpu.memory_space<vmem>> -> memref<1x128xi32, #tpu.memory_space<vmem>>
      %dma_start3A_80 = tpu.memref_squeeze %dma_start3A_79 : memref<1x128xi32, #tpu.memory_space<vmem>> -> memref<128xi32, #tpu.memory_space<vmem>>
      %dma_start3A_81 = arith.constant 0 : i32
      %dma_start3A_82 = arith.constant 0 : i32
      %dma_start3A_83 = tpu.memref_slice %arg13[%dma_start3A_81, %dma_start3A_82] : memref<10240x64xf32, #tpu.memory_space<vmem_shared>> -> memref<10240x64xf32, #tpu.memory_space<vmem_shared>>
      tpu.enqueue_indirect_dma source(%arg10 : memref<128x64xf32, #tpu.memory_space<vmem>>) target(%dma_start3A_83 : memref<10240x64xf32, #tpu.memory_space<vmem_shared>>) offsets(%dma_start3A_80 : memref<128xi32, #tpu.memory_space<vmem>>) semaphore(%run_scoped3A_77 : memref<!tpu.dma_semaphore, #tpu.memory_space<semaphore_mem>>) {add = true}
      %dma_wait3A_84 = arith.constant 0 : i32
      %dma_wait3A_85 = tpu.memref_slice %arg7[%run_scoped3A_63, %dma_wait3A_84] : memref<80x128xi32, #tpu.memory_space<vmem>> -> memref<1x128xi32, #tpu.memory_space<vmem>>
      %dma_wait3A_86 = tpu.memref_squeeze %dma_wait3A_85 : memref<1x128xi32, #tpu.memory_space<vmem>> -> memref<128xi32, #tpu.memory_space<vmem>>
      %dma_wait3A_87 = arith.constant 0 : i32
      %dma_wait3A_88 = arith.constant 0 : i32
      %dma_wait3A_89 = tpu.memref_slice %arg13[%dma_wait3A_87, %dma_wait3A_88] : memref<10240x64xf32, #tpu.memory_space<vmem_shared>> -> memref<10240x64xf32, #tpu.memory_space<vmem_shared>>
      tpu.wait_indirect_dma semaphore(%run_scoped3A_77 : memref<!tpu.dma_semaphore, #tpu.memory_space<semaphore_mem>>) src(%arg10 : memref<128x64xf32, #tpu.memory_space<vmem>>) dst(%dma_wait3A_89 : memref<10240x64xf32, #tpu.memory_space<vmem_shared>>)
      tpu.yield
    }) : () -> ()
    %dma_wait3A_64 = arith.constant 79 : i32
    %dma_wait3A_65 = arith.constant 0 : i32
    %dma_wait3A_66 = tpu.memref_slice %arg6[%dma_wait3A_64, %dma_wait3A_65] : memref<80x128xi32, #tpu.memory_space<vmem>> -> memref<1x128xi32, #tpu.memory_space<vmem>>
    %dma_wait3A_67 = tpu.memref_squeeze %dma_wait3A_66 : memref<1x128xi32, #tpu.memory_space<vmem>> -> memref<128xi32, #tpu.memory_space<vmem>>
    %dma_wait3A_68 = arith.constant 0 : i32
    %dma_wait3A_69 = arith.constant 0 : i32
    %dma_wait3A_70 = tpu.memref_slice %arg2[%dma_wait3A_68, %dma_wait3A_69] : memref<10240x64xf32, #tpu.memory_space<hbm>> -> memref<10240x64xf32, #tpu.memory_space<hbm>>
    tpu.wait_indirect_dma semaphore(%arg17 : memref<!tpu.dma_semaphore, #tpu.memory_space<semaphore_mem>>) src(%dma_wait3A_70 : memref<10240x64xf32, #tpu.memory_space<hbm>>) dst(%arg11 : memref<128x64xf32, #tpu.memory_space<vmem>>)
    %run_scoped3A_71 = arith.constant 79 : i32
    "tpu.region"() ({
      %run_scoped3A_77 = tpu.sem_alloc : memref<!tpu.dma_semaphore, #tpu.memory_space<semaphore_mem>>
      %dma_start3A_78 = arith.constant 0 : i32
      %dma_start3A_79 = tpu.memref_slice %arg7[%run_scoped3A_71, %dma_start3A_78] : memref<80x128xi32, #tpu.memory_space<vmem>> -> memref<1x128xi32, #tpu.memory_space<vmem>>
      %dma_start3A_80 = tpu.memref_squeeze %dma_start3A_79 : memref<1x128xi32, #tpu.memory_space<vmem>> -> memref<128xi32, #tpu.memory_space<vmem>>
      %dma_start3A_81 = arith.constant 0 : i32
      %dma_start3A_82 = arith.constant 0 : i32
      %dma_start3A_83 = tpu.memref_slice %arg13[%dma_start3A_81, %dma_start3A_82] : memref<10240x64xf32, #tpu.memory_space<vmem_shared>> -> memref<10240x64xf32, #tpu.memory_space<vmem_shared>>
      tpu.enqueue_indirect_dma source(%arg11 : memref<128x64xf32, #tpu.memory_space<vmem>>) target(%dma_start3A_83 : memref<10240x64xf32, #tpu.memory_space<vmem_shared>>) offsets(%dma_start3A_80 : memref<128xi32, #tpu.memory_space<vmem>>) semaphore(%run_scoped3A_77 : memref<!tpu.dma_semaphore, #tpu.memory_space<semaphore_mem>>) {add = true}
      %dma_wait3A_84 = arith.constant 0 : i32
      %dma_wait3A_85 = tpu.memref_slice %arg7[%run_scoped3A_71, %dma_wait3A_84] : memref<80x128xi32, #tpu.memory_space<vmem>> -> memref<1x128xi32, #tpu.memory_space<vmem>>
      %dma_wait3A_86 = tpu.memref_squeeze %dma_wait3A_85 : memref<1x128xi32, #tpu.memory_space<vmem>> -> memref<128xi32, #tpu.memory_space<vmem>>
      %dma_wait3A_87 = arith.constant 0 : i32
      %dma_wait3A_88 = arith.constant 0 : i32
      %dma_wait3A_89 = tpu.memref_slice %arg13[%dma_wait3A_87, %dma_wait3A_88] : memref<10240x64xf32, #tpu.memory_space<vmem_shared>> -> memref<10240x64xf32, #tpu.memory_space<vmem_shared>>
      tpu.wait_indirect_dma semaphore(%run_scoped3A_77 : memref<!tpu.dma_semaphore, #tpu.memory_space<semaphore_mem>>) src(%arg11 : memref<128x64xf32, #tpu.memory_space<vmem>>) dst(%dma_wait3A_89 : memref<10240x64xf32, #tpu.memory_space<vmem_shared>>)
      tpu.yield
    }) : () -> ()
    %barrier3A_72 = arith.constant 0 : index
    tpu.barrier barrier_id(%barrier3A_72)
    %mul3A_73 = arith.constant 640 : i32
    %mul3A_74 = arith.muli %arg1, %mul3A_73 : i32
    %mul3A_75 = arith.constant 640 : i32
    %mul3A_76 = arith.muli %arg1, %mul3A_75 : i32
    "tpu.region"() ({
      %run_scoped3A_77 = tpu.sem_alloc : memref<!tpu.dma_semaphore, #tpu.memory_space<semaphore_mem>>
      %dma_start3A_78 = arith.constant 0 : i32
      %dma_start3A_79 = arith.constant 0 : i32
      %dma_start3A_80 = tpu.memref_slice %arg5[%arg0, %dma_start3A_78, %dma_start3A_79] : memref<2x10240x64xf32, #tpu.memory_space<hbm>> -> memref<1x10240x64xf32, #tpu.memory_space<hbm>>
      %dma_start3A_81 = tpu.memref_squeeze %dma_start3A_80 : memref<1x10240x64xf32, #tpu.memory_space<hbm>> -> memref<10240x64xf32, #tpu.memory_space<hbm>>
      %dma_start3A_82 = arith.constant 0 : i32
      %dma_start3A_83 = tpu.memref_slice %dma_start3A_81[%mul3A_76, %dma_start3A_82] : memref<10240x64xf32, #tpu.memory_space<hbm>> -> memref<640x64xf32, #tpu.memory_space<hbm>>
      %dma_start3A_84 = arith.constant 0 : i32
      %dma_start3A_85 = tpu.memref_slice %arg13[%mul3A_74, %dma_start3A_84] : memref<10240x64xf32, #tpu.memory_space<vmem_shared>> -> memref<640x64xf32, #tpu.memory_space<vmem_shared>>
      tpu.enqueue_dma source(%dma_start3A_85 : memref<640x64xf32, #tpu.memory_space<vmem_shared>>) target(%dma_start3A_83 : memref<640x64xf32, #tpu.memory_space<hbm>>) target_semaphore(%run_scoped3A_77 : memref<!tpu.dma_semaphore, #tpu.memory_space<semaphore_mem>>)
      %dma_wait3A_86 = arith.constant 0 : i32
      %dma_wait3A_87 = arith.constant 0 : i32
      %dma_wait3A_88 = tpu.memref_slice %arg5[%arg0, %dma_wait3A_86, %dma_wait3A_87] : memref<2x10240x64xf32, #tpu.memory_space<hbm>> -> memref<1x10240x64xf32, #tpu.memory_space<hbm>>
      %dma_wait3A_89 = tpu.memref_squeeze %dma_wait3A_88 : memref<1x10240x64xf32, #tpu.memory_space<hbm>> -> memref<10240x64xf32, #tpu.memory_space<hbm>>
      %dma_wait3A_90 = arith.constant 0 : i32
      %dma_wait3A_91 = tpu.memref_slice %dma_wait3A_89[%mul3A_76, %dma_wait3A_90] : memref<10240x64xf32, #tpu.memory_space<hbm>> -> memref<640x64xf32, #tpu.memory_space<hbm>>
      %dma_wait3A_92 = arith.constant 0 : i32
      %dma_wait3A_93 = tpu.memref_slice %arg13[%mul3A_74, %dma_wait3A_92] : memref<10240x64xf32, #tpu.memory_space<vmem_shared>> -> memref<640x64xf32, #tpu.memory_space<vmem_shared>>
      tpu.wait_dma2 semaphore(%run_scoped3A_77 : memref<!tpu.dma_semaphore, #tpu.memory_space<semaphore_mem>>) src(%dma_wait3A_93 : memref<640x64xf32, #tpu.memory_space<vmem_shared>>) dst(%dma_wait3A_91 : memref<640x64xf32, #tpu.memory_space<hbm>>)
      tpu.yield
    }) : () -> ()
    return
  }
}

#map = affine_map<(d0, d1) -> (0, 0)>
#map1 = affine_map<(d0, d1) -> (0, 0, 0)>
module attributes {stable_mosaic.version = 14 : i64} {
  func.func @_prop(%arg0: i32, %arg1: i32, %arg2: memref<10240x64xf32, #tpu.memory_space<hbm>>, %arg3: memref<32x80x128xi32, #tpu.memory_space<hbm>>, %arg4: memref<32x80x128xi32, #tpu.memory_space<hbm>>, %arg5: memref<2x10240x64xf32, #tpu.memory_space<hbm>>, %arg6: memref<80x128xi32, #tpu.memory_space<vmem>>, %arg7: memref<80x128xi32, #tpu.memory_space<vmem>>, %arg8: memref<128x64xf32, #tpu.memory_space<vmem>>, %arg9: memref<128x64xf32, #tpu.memory_space<vmem>>, %arg10: memref<128x64xf32, #tpu.memory_space<vmem>>, %arg11: memref<128x64xf32, #tpu.memory_space<vmem>>, %arg12: memref<128x64xf32, #tpu.memory_space<vmem>>, %arg13: memref<10240x64xf32, #tpu.memory_space<vmem_shared>>, %arg14: memref<!tpu.dma_semaphore, #tpu.memory_space<semaphore_mem>>, %arg15: memref<!tpu.dma_semaphore, #tpu.memory_space<semaphore_mem>>, %arg16: memref<!tpu.dma_semaphore, #tpu.memory_space<semaphore_mem>>, %arg17: memref<!tpu.dma_semaphore, #tpu.memory_space<semaphore_mem>>) attributes {dimension_semantics = [#tpu.dimension_semantics<core_parallel>, #tpu.dimension_semantics<subcore_parallel>], iteration_bounds = array<i64: 2, 16>, scalar_prefetch = 0 : i64, scratch_operands = 12 : i64, tpu.core_type = #tpu.core_type<sc_vector_subcore>, window_params = [{transform_indices = #map}, {transform_indices = #map1}, {transform_indices = #map1}, {transform_indices = #map1}]} {
    %mul3A = arith.constant 16 : i32
    %mul3A_0 = arith.muli %arg0, %mul3A : i32
    %add3A = arith.addi %mul3A_0, %arg1 : i32
    %scan3A = arith.constant 0 : i32
    %scan3A_1 = arith.constant 128 : i32
    %scan3A_2 = arith.addi %scan3A, %scan3A_1 : i32
    %scan3A_3 = arith.constant 1 : i32
    scf.for %scan3A_77 = %scan3A to %scan3A_2 step %scan3A_3  : i32 {
      %mul3A_78 = arith.constant 1 : i32
      %mul3A_79 = arith.muli %scan3A_77, %mul3A_78 : i32
      %add3A_80 = arith.constant 0 : i32
      %add3A_81 = arith.addi %add3A_80, %mul3A_79 : i32
      %scan3A_82 = arith.constant 0 : i32
      %scan3A_83 = arith.constant 4 : i32
      %scan3A_84 = arith.addi %scan3A_82, %scan3A_83 : i32
      %scan3A_85 = arith.constant 1 : i32
      scf.for %scan3A_87 = %scan3A_82 to %scan3A_84 step %scan3A_85  : i32 {
        %mul3A_88 = arith.constant 1 : i32
        %mul3A_89 = arith.muli %scan3A_87, %mul3A_88 : i32
        %add3A_90 = arith.constant 0 : i32
        %add3A_91 = arith.addi %add3A_90, %mul3A_89 : i32
        %broadcast_in_dim3A = arith.constant 0.000000e+00 : f32
        %broadcast_in_dim3A_92 = vector.broadcast %broadcast_in_dim3A : f32 to vector<16xf32>
        %mul3A_93 = arith.constant 16 : i32
        %mul3A_94 = arith.muli %add3A_91, %mul3A_93 : i32
        %swap3A = arith.index_cast %add3A_81 : i32 to index
        %swap3A_95 = arith.index_cast %mul3A_94 : i32 to index
        %swap3A_96 = tpu.vector_load %arg12[%swap3A, %swap3A_95] {strides = array<i32>} : memref<128x64xf32, #tpu.memory_space<vmem>>, vector<1x16xf32>,
        %swap3A_97 = vector.shape_cast %swap3A_96 : vector<1x16xf32> to vector<16xf32>
        %swap3A_98 = vector.shape_cast %broadcast_in_dim3A_92 : vector<16xf32> to vector<1x16xf32>
        tpu.vector_store %arg12[%swap3A, %swap3A_95], %swap3A_98 {strides = array<i32>} : memref<128x64xf32, #tpu.memory_space<vmem>>, vector<1x16xf32>,
      }
      %scan3A_86 = arith.constant 4 : i32
    }
    %scan3A_4 = arith.constant 128 : i32
    "tpu.region"() ({
      %run_scoped3A_77 = tpu.sem_alloc : memref<!tpu.dma_semaphore, #tpu.memory_space<semaphore_mem>>
      %dma_start3A_78 = arith.constant 0 : i32
      %dma_start3A_79 = arith.constant 0 : i32
      %dma_start3A_80 = tpu.memref_slice %arg3[%add3A, %dma_start3A_78, %dma_start3A_79] : memref<32x80x128xi32, #tpu.memory_space<hbm>> -> memref<1x80x128xi32, #tpu.memory_space<hbm>>
      %dma_start3A_81 = tpu.memref_squeeze %dma_start3A_80 : memref<1x80x128xi32, #tpu.memory_space<hbm>> -> memref<80x128xi32, #tpu.memory_space<hbm>>
      %dma_start3A_82 = arith.constant 0 : i32
      %dma_start3A_83 = arith.constant 0 : i32
      %dma_start3A_84 = tpu.memref_slice %arg3[%add3A, %dma_start3A_82, %dma_start3A_83] : memref<32x80x128xi32, #tpu.memory_space<hbm>> -> memref<1x80x128xi32, #tpu.memory_space<hbm>>
      %dma_start3A_85 = tpu.memref_squeeze %dma_start3A_84 : memref<1x80x128xi32, #tpu.memory_space<hbm>> -> memref<80x128xi32, #tpu.memory_space<hbm>>
      tpu.enqueue_dma source(%dma_start3A_85 : memref<80x128xi32, #tpu.memory_space<hbm>>) target(%arg6 : memref<80x128xi32, #tpu.memory_space<vmem>>) target_semaphore(%run_scoped3A_77 : memref<!tpu.dma_semaphore, #tpu.memory_space<semaphore_mem>>)
      %dma_wait3A_86 = arith.constant 0 : i32
      %dma_wait3A_87 = arith.constant 0 : i32
      %dma_wait3A_88 = tpu.memref_slice %arg3[%add3A, %dma_wait3A_86, %dma_wait3A_87] : memref<32x80x128xi32, #tpu.memory_space<hbm>> -> memref<1x80x128xi32, #tpu.memory_space<hbm>>
      %dma_wait3A_89 = tpu.memref_squeeze %dma_wait3A_88 : memref<1x80x128xi32, #tpu.memory_space<hbm>> -> memref<80x128xi32, #tpu.memory_space<hbm>>
      %dma_wait3A_90 = arith.constant 0 : i32
      %dma_wait3A_91 = arith.constant 0 : i32
      %dma_wait3A_92 = tpu.memref_slice %arg3[%add3A, %dma_wait3A_90, %dma_wait3A_91] : memref<32x80x128xi32, #tpu.memory_space<hbm>> -> memref<1x80x128xi32, #tpu.memory_space<hbm>>
      %dma_wait3A_93 = tpu.memref_squeeze %dma_wait3A_92 : memref<1x80x128xi32, #tpu.memory_space<hbm>> -> memref<80x128xi32, #tpu.memory_space<hbm>>
      tpu.wait_dma2 semaphore(%run_scoped3A_77 : memref<!tpu.dma_semaphore, #tpu.memory_space<semaphore_mem>>) src(%dma_wait3A_93 : memref<80x128xi32, #tpu.memory_space<hbm>>) dst(%arg6 : memref<80x128xi32, #tpu.memory_space<vmem>>)
      tpu.yield
    }) : () -> ()
    "tpu.region"() ({
      %run_scoped3A_77 = tpu.sem_alloc : memref<!tpu.dma_semaphore, #tpu.memory_space<semaphore_mem>>
      %dma_start3A_78 = arith.constant 0 : i32
      %dma_start3A_79 = arith.constant 0 : i32
      %dma_start3A_80 = tpu.memref_slice %arg4[%add3A, %dma_start3A_78, %dma_start3A_79] : memref<32x80x128xi32, #tpu.memory_space<hbm>> -> memref<1x80x128xi32, #tpu.memory_space<hbm>>
      %dma_start3A_81 = tpu.memref_squeeze %dma_start3A_80 : memref<1x80x128xi32, #tpu.memory_space<hbm>> -> memref<80x128xi32, #tpu.memory_space<hbm>>
      %dma_start3A_82 = arith.constant 0 : i32
      %dma_start3A_83 = arith.constant 0 : i32
      %dma_start3A_84 = tpu.memref_slice %arg4[%add3A, %dma_start3A_82, %dma_start3A_83] : memref<32x80x128xi32, #tpu.memory_space<hbm>> -> memref<1x80x128xi32, #tpu.memory_space<hbm>>
      %dma_start3A_85 = tpu.memref_squeeze %dma_start3A_84 : memref<1x80x128xi32, #tpu.memory_space<hbm>> -> memref<80x128xi32, #tpu.memory_space<hbm>>
      tpu.enqueue_dma source(%dma_start3A_85 : memref<80x128xi32, #tpu.memory_space<hbm>>) target(%arg7 : memref<80x128xi32, #tpu.memory_space<vmem>>) target_semaphore(%run_scoped3A_77 : memref<!tpu.dma_semaphore, #tpu.memory_space<semaphore_mem>>)
      %dma_wait3A_86 = arith.constant 0 : i32
      %dma_wait3A_87 = arith.constant 0 : i32
      %dma_wait3A_88 = tpu.memref_slice %arg4[%add3A, %dma_wait3A_86, %dma_wait3A_87] : memref<32x80x128xi32, #tpu.memory_space<hbm>> -> memref<1x80x128xi32, #tpu.memory_space<hbm>>
      %dma_wait3A_89 = tpu.memref_squeeze %dma_wait3A_88 : memref<1x80x128xi32, #tpu.memory_space<hbm>> -> memref<80x128xi32, #tpu.memory_space<hbm>>
      %dma_wait3A_90 = arith.constant 0 : i32
      %dma_wait3A_91 = arith.constant 0 : i32
      %dma_wait3A_92 = tpu.memref_slice %arg4[%add3A, %dma_wait3A_90, %dma_wait3A_91] : memref<32x80x128xi32, #tpu.memory_space<hbm>> -> memref<1x80x128xi32, #tpu.memory_space<hbm>>
      %dma_wait3A_93 = tpu.memref_squeeze %dma_wait3A_92 : memref<1x80x128xi32, #tpu.memory_space<hbm>> -> memref<80x128xi32, #tpu.memory_space<hbm>>
      tpu.wait_dma2 semaphore(%run_scoped3A_77 : memref<!tpu.dma_semaphore, #tpu.memory_space<semaphore_mem>>) src(%dma_wait3A_93 : memref<80x128xi32, #tpu.memory_space<hbm>>) dst(%arg7 : memref<80x128xi32, #tpu.memory_space<vmem>>)
      tpu.yield
    }) : () -> ()
    %scan3A_5 = arith.constant 0 : i32
    %scan3A_6 = arith.constant 5 : i32
    %scan3A_7 = arith.addi %scan3A_5, %scan3A_6 : i32
    %scan3A_8 = arith.constant 1 : i32
    scf.for %scan3A_77 = %scan3A_5 to %scan3A_7 step %scan3A_8  : i32 {
      %mul3A_78 = arith.constant 1 : i32
      %mul3A_79 = arith.muli %scan3A_77, %mul3A_78 : i32
      %add3A_80 = arith.constant 0 : i32
      %add3A_81 = arith.addi %add3A_80, %mul3A_79 : i32
      %mul3A_82 = arith.constant 640 : i32
      %mul3A_83 = arith.muli %arg1, %mul3A_82 : i32
      %mul3A_84 = arith.constant 128 : i32
      %mul3A_85 = arith.muli %add3A_81, %mul3A_84 : i32
      %add3A_86 = arith.addi %mul3A_83, %mul3A_85 : i32
      "tpu.region"() ({
        %run_scoped3A_87 = tpu.sem_alloc : memref<!tpu.dma_semaphore, #tpu.memory_space<semaphore_mem>>
        %dma_start3A_88 = arith.constant 0 : i32
        %dma_start3A_89 = tpu.memref_slice %arg13[%add3A_86, %dma_start3A_88] : memref<10240x64xf32, #tpu.memory_space<vmem_shared>> -> memref<128x64xf32, #tpu.memory_space<vmem_shared>>
        %dma_start3A_90 = arith.constant 0 : i32
        %dma_start3A_91 = tpu.memref_slice %arg13[%add3A_86, %dma_start3A_90] : memref<10240x64xf32, #tpu.memory_space<vmem_shared>> -> memref<128x64xf32, #tpu.memory_space<vmem_shared>>
        tpu.enqueue_dma source(%arg12 : memref<128x64xf32, #tpu.memory_space<vmem>>) target(%dma_start3A_91 : memref<128x64xf32, #tpu.memory_space<vmem_shared>>) target_semaphore(%run_scoped3A_87 : memref<!tpu.dma_semaphore, #tpu.memory_space<semaphore_mem>>)
        %dma_wait3A_92 = arith.constant 0 : i32
        %dma_wait3A_93 = tpu.memref_slice %arg13[%add3A_86, %dma_wait3A_92] : memref<10240x64xf32, #tpu.memory_space<vmem_shared>> -> memref<128x64xf32, #tpu.memory_space<vmem_shared>>
        %dma_wait3A_94 = arith.constant 0 : i32
        %dma_wait3A_95 = tpu.memref_slice %arg13[%add3A_86, %dma_wait3A_94] : memref<10240x64xf32, #tpu.memory_space<vmem_shared>> -> memref<128x64xf32, #tpu.memory_space<vmem_shared>>
        tpu.wait_dma2 semaphore(%run_scoped3A_87 : memref<!tpu.dma_semaphore, #tpu.memory_space<semaphore_mem>>) src(%arg12 : memref<128x64xf32, #tpu.memory_space<vmem>>) dst(%dma_wait3A_95 : memref<128x64xf32, #tpu.memory_space<vmem_shared>>)
        tpu.yield
      }) : () -> ()
    }
    %scan3A_9 = arith.constant 5 : i32
    %barrier3A = arith.constant 0 : index
    tpu.barrier barrier_id(%barrier3A)
    %dma_start3A = arith.constant 0 : i32
    %dma_start3A_10 = arith.constant 0 : i32
    %dma_start3A_11 = tpu.memref_slice %arg6[%dma_start3A, %dma_start3A_10] : memref<80x128xi32, #tpu.memory_space<vmem>> -> memref<1x128xi32, #tpu.memory_space<vmem>>
    %dma_start3A_12 = tpu.memref_squeeze %dma_start3A_11 : memref<1x128xi32, #tpu.memory_space<vmem>> -> memref<128xi32, #tpu.memory_space<vmem>>
    %dma_start3A_13 = arith.constant 0 : i32
    %dma_start3A_14 = arith.constant 0 : i32
    %dma_start3A_15 = tpu.memref_slice %arg2[%dma_start3A_13, %dma_start3A_14] : memref<10240x64xf32, #tpu.memory_space<hbm>> -> memref<10240x64xf32, #tpu.memory_space<hbm>>
    tpu.enqueue_indirect_dma source(%dma_start3A_15 : memref<10240x64xf32, #tpu.memory_space<hbm>>) target(%arg8 : memref<128x64xf32, #tpu.memory_space<vmem>>) offsets(%dma_start3A_12 : memref<128xi32, #tpu.memory_space<vmem>>) semaphore(%arg14 : memref<!tpu.dma_semaphore, #tpu.memory_space<semaphore_mem>>)
    %dma_start3A_16 = arith.constant 1 : i32
    %dma_start3A_17 = arith.constant 0 : i32
    %dma_start3A_18 = tpu.memref_slice %arg6[%dma_start3A_16, %dma_start3A_17] : memref<80x128xi32, #tpu.memory_space<vmem>> -> memref<1x128xi32, #tpu.memory_space<vmem>>
    %dma_start3A_19 = tpu.memref_squeeze %dma_start3A_18 : memref<1x128xi32, #tpu.memory_space<vmem>> -> memref<128xi32, #tpu.memory_space<vmem>>
    %dma_start3A_20 = arith.constant 0 : i32
    %dma_start3A_21 = arith.constant 0 : i32
    %dma_start3A_22 = tpu.memref_slice %arg2[%dma_start3A_20, %dma_start3A_21] : memref<10240x64xf32, #tpu.memory_space<hbm>> -> memref<10240x64xf32, #tpu.memory_space<hbm>>
    tpu.enqueue_indirect_dma source(%dma_start3A_22 : memref<10240x64xf32, #tpu.memory_space<hbm>>) target(%arg9 : memref<128x64xf32, #tpu.memory_space<vmem>>) offsets(%dma_start3A_19 : memref<128xi32, #tpu.memory_space<vmem>>) semaphore(%arg15 : memref<!tpu.dma_semaphore, #tpu.memory_space<semaphore_mem>>)
    %dma_start3A_23 = arith.constant 2 : i32
    %dma_start3A_24 = arith.constant 0 : i32
    %dma_start3A_25 = tpu.memref_slice %arg6[%dma_start3A_23, %dma_start3A_24] : memref<80x128xi32, #tpu.memory_space<vmem>> -> memref<1x128xi32, #tpu.memory_space<vmem>>
    %dma_start3A_26 = tpu.memref_squeeze %dma_start3A_25 : memref<1x128xi32, #tpu.memory_space<vmem>> -> memref<128xi32, #tpu.memory_space<vmem>>
    %dma_start3A_27 = arith.constant 0 : i32
    %dma_start3A_28 = arith.constant 0 : i32
    %dma_start3A_29 = tpu.memref_slice %arg2[%dma_start3A_27, %dma_start3A_28] : memref<10240x64xf32, #tpu.memory_space<hbm>> -> memref<10240x64xf32, #tpu.memory_space<hbm>>
    tpu.enqueue_indirect_dma source(%dma_start3A_29 : memref<10240x64xf32, #tpu.memory_space<hbm>>) target(%arg10 : memref<128x64xf32, #tpu.memory_space<vmem>>) offsets(%dma_start3A_26 : memref<128xi32, #tpu.memory_space<vmem>>) semaphore(%arg16 : memref<!tpu.dma_semaphore, #tpu.memory_space<semaphore_mem>>)
    %dma_start3A_30 = arith.constant 3 : i32
    %dma_start3A_31 = arith.constant 0 : i32
    %dma_start3A_32 = tpu.memref_slice %arg6[%dma_start3A_30, %dma_start3A_31] : memref<80x128xi32, #tpu.memory_space<vmem>> -> memref<1x128xi32, #tpu.memory_space<vmem>>
    %dma_start3A_33 = tpu.memref_squeeze %dma_start3A_32 : memref<1x128xi32, #tpu.memory_space<vmem>> -> memref<128xi32, #tpu.memory_space<vmem>>
    %dma_start3A_34 = arith.constant 0 : i32
    %dma_start3A_35 = arith.constant 0 : i32
    %dma_start3A_36 = tpu.memref_slice %arg2[%dma_start3A_34, %dma_start3A_35] : memref<10240x64xf32, #tpu.memory_space<hbm>> -> memref<10240x64xf32, #tpu.memory_space<hbm>>
    tpu.enqueue_indirect_dma source(%dma_start3A_36 : memref<10240x64xf32, #tpu.memory_space<hbm>>) target(%arg11 : memref<128x64xf32, #tpu.memory_space<vmem>>) offsets(%dma_start3A_33 : memref<128xi32, #tpu.memory_space<vmem>>) semaphore(%arg17 : memref<!tpu.dma_semaphore, #tpu.memory_space<semaphore_mem>>)
    %scan3A_37 = arith.constant 0 : i32
    %scan3A_38 = arith.constant 19 : i32
    %scan3A_39 = arith.addi %scan3A_37, %scan3A_38 : i32
    %scan3A_40 = arith.constant 1 : i32
    scf.for %scan3A_77 = %scan3A_37 to %scan3A_39 step %scan3A_40  : i32 {
      %mul3A_78 = arith.constant 1 : i32
      %mul3A_79 = arith.muli %scan3A_77, %mul3A_78 : i32
      %add3A_80 = arith.constant 0 : i32
      %add3A_81 = arith.addi %add3A_80, %mul3A_79 : i32
      %mul3A_82 = arith.constant 4 : i32
      %mul3A_83 = arith.muli %add3A_81, %mul3A_82 : i32
      %add3A_84 = arith.constant 0 : i32
      %add3A_85 = arith.addi %mul3A_83, %add3A_84 : i32
      %dma_wait3A_86 = arith.constant 0 : i32
      %dma_wait3A_87 = tpu.memref_slice %arg6[%add3A_85, %dma_wait3A_86] : memref<80x128xi32, #tpu.memory_space<vmem>> -> memref<1x128xi32, #tpu.memory_space<vmem>>
      %dma_wait3A_88 = tpu.memref_squeeze %dma_wait3A_87 : memref<1x128xi32, #tpu.memory_space<vmem>> -> memref<128xi32, #tpu.memory_space<vmem>>
      %dma_wait3A_89 = arith.constant 0 : i32
      %dma_wait3A_90 = arith.constant 0 : i32
      %dma_wait3A_91 = tpu.memref_slice %arg2[%dma_wait3A_89, %dma_wait3A_90] : memref<10240x64xf32, #tpu.memory_space<hbm>> -> memref<10240x64xf32, #tpu.memory_space<hbm>>
      tpu.wait_indirect_dma semaphore(%arg14 : memref<!tpu.dma_semaphore, #tpu.memory_space<semaphore_mem>>) src(%dma_wait3A_91 : memref<10240x64xf32, #tpu.memory_space<hbm>>) dst(%arg8 : memref<128x64xf32, #tpu.memory_space<vmem>>)
      %add3A_92 = arith.constant 0 : i32
      %add3A_93 = arith.addi %mul3A_83, %add3A_92 : i32
      "tpu.region"() ({
        %run_scoped3A_164 = tpu.sem_alloc : memref<!tpu.dma_semaphore, #tpu.memory_space<semaphore_mem>>
        %dma_start3A_165 = arith.constant 0 : i32
        %dma_start3A_166 = tpu.memref_slice %arg7[%add3A_93, %dma_start3A_165] : memref<80x128xi32, #tpu.memory_space<vmem>> -> memref<1x128xi32, #tpu.memory_space<vmem>>
        %dma_start3A_167 = tpu.memref_squeeze %dma_start3A_166 : memref<1x128xi32, #tpu.memory_space<vmem>> -> memref<128xi32, #tpu.memory_space<vmem>>
        %dma_start3A_168 = arith.constant 0 : i32
        %dma_start3A_169 = arith.constant 0 : i32
        %dma_start3A_170 = tpu.memref_slice %arg13[%dma_start3A_168, %dma_start3A_169] : memref<10240x64xf32, #tpu.memory_space<vmem_shared>> -> memref<10240x64xf32, #tpu.memory_space<vmem_shared>>
        tpu.enqueue_indirect_dma source(%arg8 : memref<128x64xf32, #tpu.memory_space<vmem>>) target(%dma_start3A_170 : memref<10240x64xf32, #tpu.memory_space<vmem_shared>>) offsets(%dma_start3A_167 : memref<128xi32, #tpu.memory_space<vmem>>) semaphore(%run_scoped3A_164 : memref<!tpu.dma_semaphore, #tpu.memory_space<semaphore_mem>>) {add = true}
        %dma_wait3A_171 = arith.constant 0 : i32
        %dma_wait3A_172 = tpu.memref_slice %arg7[%add3A_93, %dma_wait3A_171] : memref<80x128xi32, #tpu.memory_space<vmem>> -> memref<1x128xi32, #tpu.memory_space<vmem>>
        %dma_wait3A_173 = tpu.memref_squeeze %dma_wait3A_172 : memref<1x128xi32, #tpu.memory_space<vmem>> -> memref<128xi32, #tpu.memory_space<vmem>>
        %dma_wait3A_174 = arith.constant 0 : i32
        %dma_wait3A_175 = arith.constant 0 : i32
        %dma_wait3A_176 = tpu.memref_slice %arg13[%dma_wait3A_174, %dma_wait3A_175] : memref<10240x64xf32, #tpu.memory_space<vmem_shared>> -> memref<10240x64xf32, #tpu.memory_space<vmem_shared>>
        tpu.wait_indirect_dma semaphore(%run_scoped3A_164 : memref<!tpu.dma_semaphore, #tpu.memory_space<semaphore_mem>>) src(%arg8 : memref<128x64xf32, #tpu.memory_space<vmem>>) dst(%dma_wait3A_176 : memref<10240x64xf32, #tpu.memory_space<vmem_shared>>)
        tpu.yield
      }) : () -> ()
      %add3A_94 = arith.constant 4 : i32
      %add3A_95 = arith.addi %mul3A_83, %add3A_94 : i32
      %add3A_96 = arith.constant 0 : i32
      %add3A_97 = arith.addi %add3A_95, %add3A_96 : i32
      %dma_start3A_98 = arith.constant 0 : i32
      %dma_start3A_99 = tpu.memref_slice %arg6[%add3A_97, %dma_start3A_98] : memref<80x128xi32, #tpu.memory_space<vmem>> -> memref<1x128xi32, #tpu.memory_space<vmem>>
      %dma_start3A_100 = tpu.memref_squeeze %dma_start3A_99 : memref<1x128xi32, #tpu.memory_space<vmem>> -> memref<128xi32, #tpu.memory_space<vmem>>
      %dma_start3A_101 = arith.constant 0 : i32
      %dma_start3A_102 = arith.constant 0 : i32
      %dma_start3A_103 = tpu.memref_slice %arg2[%dma_start3A_101, %dma_start3A_102] : memref<10240x64xf32, #tpu.memory_space<hbm>> -> memref<10240x64xf32, #tpu.memory_space<hbm>>
      tpu.enqueue_indirect_dma source(%dma_start3A_103 : memref<10240x64xf32, #tpu.memory_space<hbm>>) target(%arg8 : memref<128x64xf32, #tpu.memory_space<vmem>>) offsets(%dma_start3A_100 : memref<128xi32, #tpu.memory_space<vmem>>) semaphore(%arg14 : memref<!tpu.dma_semaphore, #tpu.memory_space<semaphore_mem>>)
      %add3A_104 = arith.constant 1 : i32
      %add3A_105 = arith.addi %mul3A_83, %add3A_104 : i32
      %dma_wait3A_106 = arith.constant 0 : i32
      %dma_wait3A_107 = tpu.memref_slice %arg6[%add3A_105, %dma_wait3A_106] : memref<80x128xi32, #tpu.memory_space<vmem>> -> memref<1x128xi32, #tpu.memory_space<vmem>>
      %dma_wait3A_108 = tpu.memref_squeeze %dma_wait3A_107 : memref<1x128xi32, #tpu.memory_space<vmem>> -> memref<128xi32, #tpu.memory_space<vmem>>
      %dma_wait3A_109 = arith.constant 0 : i32
      %dma_wait3A_110 = arith.constant 0 : i32
      %dma_wait3A_111 = tpu.memref_slice %arg2[%dma_wait3A_109, %dma_wait3A_110] : memref<10240x64xf32, #tpu.memory_space<hbm>> -> memref<10240x64xf32, #tpu.memory_space<hbm>>
      tpu.wait_indirect_dma semaphore(%arg15 : memref<!tpu.dma_semaphore, #tpu.memory_space<semaphore_mem>>) src(%dma_wait3A_111 : memref<10240x64xf32, #tpu.memory_space<hbm>>) dst(%arg9 : memref<128x64xf32, #tpu.memory_space<vmem>>)
      %add3A_112 = arith.constant 1 : i32
      %add3A_113 = arith.addi %mul3A_83, %add3A_112 : i32
      "tpu.region"() ({
        %run_scoped3A_164 = tpu.sem_alloc : memref<!tpu.dma_semaphore, #tpu.memory_space<semaphore_mem>>
        %dma_start3A_165 = arith.constant 0 : i32
        %dma_start3A_166 = tpu.memref_slice %arg7[%add3A_113, %dma_start3A_165] : memref<80x128xi32, #tpu.memory_space<vmem>> -> memref<1x128xi32, #tpu.memory_space<vmem>>
        %dma_start3A_167 = tpu.memref_squeeze %dma_start3A_166 : memref<1x128xi32, #tpu.memory_space<vmem>> -> memref<128xi32, #tpu.memory_space<vmem>>
        %dma_start3A_168 = arith.constant 0 : i32
        %dma_start3A_169 = arith.constant 0 : i32
        %dma_start3A_170 = tpu.memref_slice %arg13[%dma_start3A_168, %dma_start3A_169] : memref<10240x64xf32, #tpu.memory_space<vmem_shared>> -> memref<10240x64xf32, #tpu.memory_space<vmem_shared>>
        tpu.enqueue_indirect_dma source(%arg9 : memref<128x64xf32, #tpu.memory_space<vmem>>) target(%dma_start3A_170 : memref<10240x64xf32, #tpu.memory_space<vmem_shared>>) offsets(%dma_start3A_167 : memref<128xi32, #tpu.memory_space<vmem>>) semaphore(%run_scoped3A_164 : memref<!tpu.dma_semaphore, #tpu.memory_space<semaphore_mem>>) {add = true}
        %dma_wait3A_171 = arith.constant 0 : i32
        %dma_wait3A_172 = tpu.memref_slice %arg7[%add3A_113, %dma_wait3A_171] : memref<80x128xi32, #tpu.memory_space<vmem>> -> memref<1x128xi32, #tpu.memory_space<vmem>>
        %dma_wait3A_173 = tpu.memref_squeeze %dma_wait3A_172 : memref<1x128xi32, #tpu.memory_space<vmem>> -> memref<128xi32, #tpu.memory_space<vmem>>
        %dma_wait3A_174 = arith.constant 0 : i32
        %dma_wait3A_175 = arith.constant 0 : i32
        %dma_wait3A_176 = tpu.memref_slice %arg13[%dma_wait3A_174, %dma_wait3A_175] : memref<10240x64xf32, #tpu.memory_space<vmem_shared>> -> memref<10240x64xf32, #tpu.memory_space<vmem_shared>>
        tpu.wait_indirect_dma semaphore(%run_scoped3A_164 : memref<!tpu.dma_semaphore, #tpu.memory_space<semaphore_mem>>) src(%arg9 : memref<128x64xf32, #tpu.memory_space<vmem>>) dst(%dma_wait3A_176 : memref<10240x64xf32, #tpu.memory_space<vmem_shared>>)
        tpu.yield
      }) : () -> ()
      %add3A_114 = arith.constant 4 : i32
      %add3A_115 = arith.addi %mul3A_83, %add3A_114 : i32
      %add3A_116 = arith.constant 1 : i32
      %add3A_117 = arith.addi %add3A_115, %add3A_116 : i32
      %dma_start3A_118 = arith.constant 0 : i32
      %dma_start3A_119 = tpu.memref_slice %arg6[%add3A_117, %dma_start3A_118] : memref<80x128xi32, #tpu.memory_space<vmem>> -> memref<1x128xi32, #tpu.memory_space<vmem>>
      %dma_start3A_120 = tpu.memref_squeeze %dma_start3A_119 : memref<1x128xi32, #tpu.memory_space<vmem>> -> memref<128xi32, #tpu.memory_space<vmem>>
      %dma_start3A_121 = arith.constant 0 : i32
      %dma_start3A_122 = arith.constant 0 : i32
      %dma_start3A_123 = tpu.memref_slice %arg2[%dma_start3A_121, %dma_start3A_122] : memref<10240x64xf32, #tpu.memory_space<hbm>> -> memref<10240x64xf32, #tpu.memory_space<hbm>>
      tpu.enqueue_indirect_dma source(%dma_start3A_123 : memref<10240x64xf32, #tpu.memory_space<hbm>>) target(%arg9 : memref<128x64xf32, #tpu.memory_space<vmem>>) offsets(%dma_start3A_120 : memref<128xi32, #tpu.memory_space<vmem>>) semaphore(%arg15 : memref<!tpu.dma_semaphore, #tpu.memory_space<semaphore_mem>>)
      %add3A_124 = arith.constant 2 : i32
      %add3A_125 = arith.addi %mul3A_83, %add3A_124 : i32
      %dma_wait3A_126 = arith.constant 0 : i32
      %dma_wait3A_127 = tpu.memref_slice %arg6[%add3A_125, %dma_wait3A_126] : memref<80x128xi32, #tpu.memory_space<vmem>> -> memref<1x128xi32, #tpu.memory_space<vmem>>
      %dma_wait3A_128 = tpu.memref_squeeze %dma_wait3A_127 : memref<1x128xi32, #tpu.memory_space<vmem>> -> memref<128xi32, #tpu.memory_space<vmem>>
      %dma_wait3A_129 = arith.constant 0 : i32
      %dma_wait3A_130 = arith.constant 0 : i32
      %dma_wait3A_131 = tpu.memref_slice %arg2[%dma_wait3A_129, %dma_wait3A_130] : memref<10240x64xf32, #tpu.memory_space<hbm>> -> memref<10240x64xf32, #tpu.memory_space<hbm>>
      tpu.wait_indirect_dma semaphore(%arg16 : memref<!tpu.dma_semaphore, #tpu.memory_space<semaphore_mem>>) src(%dma_wait3A_131 : memref<10240x64xf32, #tpu.memory_space<hbm>>) dst(%arg10 : memref<128x64xf32, #tpu.memory_space<vmem>>)
      %add3A_132 = arith.constant 2 : i32
      %add3A_133 = arith.addi %mul3A_83, %add3A_132 : i32
      "tpu.region"() ({
        %run_scoped3A_164 = tpu.sem_alloc : memref<!tpu.dma_semaphore, #tpu.memory_space<semaphore_mem>>
        %dma_start3A_165 = arith.constant 0 : i32
        %dma_start3A_166 = tpu.memref_slice %arg7[%add3A_133, %dma_start3A_165] : memref<80x128xi32, #tpu.memory_space<vmem>> -> memref<1x128xi32, #tpu.memory_space<vmem>>
        %dma_start3A_167 = tpu.memref_squeeze %dma_start3A_166 : memref<1x128xi32, #tpu.memory_space<vmem>> -> memref<128xi32, #tpu.memory_space<vmem>>
        %dma_start3A_168 = arith.constant 0 : i32
        %dma_start3A_169 = arith.constant 0 : i32
        %dma_start3A_170 = tpu.memref_slice %arg13[%dma_start3A_168, %dma_start3A_169] : memref<10240x64xf32, #tpu.memory_space<vmem_shared>> -> memref<10240x64xf32, #tpu.memory_space<vmem_shared>>
        tpu.enqueue_indirect_dma source(%arg10 : memref<128x64xf32, #tpu.memory_space<vmem>>) target(%dma_start3A_170 : memref<10240x64xf32, #tpu.memory_space<vmem_shared>>) offsets(%dma_start3A_167 : memref<128xi32, #tpu.memory_space<vmem>>) semaphore(%run_scoped3A_164 : memref<!tpu.dma_semaphore, #tpu.memory_space<semaphore_mem>>) {add = true}
        %dma_wait3A_171 = arith.constant 0 : i32
        %dma_wait3A_172 = tpu.memref_slice %arg7[%add3A_133, %dma_wait3A_171] : memref<80x128xi32, #tpu.memory_space<vmem>> -> memref<1x128xi32, #tpu.memory_space<vmem>>
        %dma_wait3A_173 = tpu.memref_squeeze %dma_wait3A_172 : memref<1x128xi32, #tpu.memory_space<vmem>> -> memref<128xi32, #tpu.memory_space<vmem>>
        %dma_wait3A_174 = arith.constant 0 : i32
        %dma_wait3A_175 = arith.constant 0 : i32
        %dma_wait3A_176 = tpu.memref_slice %arg13[%dma_wait3A_174, %dma_wait3A_175] : memref<10240x64xf32, #tpu.memory_space<vmem_shared>> -> memref<10240x64xf32, #tpu.memory_space<vmem_shared>>
        tpu.wait_indirect_dma semaphore(%run_scoped3A_164 : memref<!tpu.dma_semaphore, #tpu.memory_space<semaphore_mem>>) src(%arg10 : memref<128x64xf32, #tpu.memory_space<vmem>>) dst(%dma_wait3A_176 : memref<10240x64xf32, #tpu.memory_space<vmem_shared>>)
        tpu.yield
      }) : () -> ()
      %add3A_134 = arith.constant 4 : i32
      %add3A_135 = arith.addi %mul3A_83, %add3A_134 : i32
      %add3A_136 = arith.constant 2 : i32
      %add3A_137 = arith.addi %add3A_135, %add3A_136 : i32
      %dma_start3A_138 = arith.constant 0 : i32
      %dma_start3A_139 = tpu.memref_slice %arg6[%add3A_137, %dma_start3A_138] : memref<80x128xi32, #tpu.memory_space<vmem>> -> memref<1x128xi32, #tpu.memory_space<vmem>>
      %dma_start3A_140 = tpu.memref_squeeze %dma_start3A_139 : memref<1x128xi32, #tpu.memory_space<vmem>> -> memref<128xi32, #tpu.memory_space<vmem>>
      %dma_start3A_141 = arith.constant 0 : i32
      %dma_start3A_142 = arith.constant 0 : i32
      %dma_start3A_143 = tpu.memref_slice %arg2[%dma_start3A_141, %dma_start3A_142] : memref<10240x64xf32, #tpu.memory_space<hbm>> -> memref<10240x64xf32, #tpu.memory_space<hbm>>
      tpu.enqueue_indirect_dma source(%dma_start3A_143 : memref<10240x64xf32, #tpu.memory_space<hbm>>) target(%arg10 : memref<128x64xf32, #tpu.memory_space<vmem>>) offsets(%dma_start3A_140 : memref<128xi32, #tpu.memory_space<vmem>>) semaphore(%arg16 : memref<!tpu.dma_semaphore, #tpu.memory_space<semaphore_mem>>)
      %add3A_144 = arith.constant 3 : i32
      %add3A_145 = arith.addi %mul3A_83, %add3A_144 : i32
      %dma_wait3A_146 = arith.constant 0 : i32
      %dma_wait3A_147 = tpu.memref_slice %arg6[%add3A_145, %dma_wait3A_146] : memref<80x128xi32, #tpu.memory_space<vmem>> -> memref<1x128xi32, #tpu.memory_space<vmem>>
      %dma_wait3A_148 = tpu.memref_squeeze %dma_wait3A_147 : memref<1x128xi32, #tpu.memory_space<vmem>> -> memref<128xi32, #tpu.memory_space<vmem>>
      %dma_wait3A_149 = arith.constant 0 : i32
      %dma_wait3A_150 = arith.constant 0 : i32
      %dma_wait3A_151 = tpu.memref_slice %arg2[%dma_wait3A_149, %dma_wait3A_150] : memref<10240x64xf32, #tpu.memory_space<hbm>> -> memref<10240x64xf32, #tpu.memory_space<hbm>>
      tpu.wait_indirect_dma semaphore(%arg17 : memref<!tpu.dma_semaphore, #tpu.memory_space<semaphore_mem>>) src(%dma_wait3A_151 : memref<10240x64xf32, #tpu.memory_space<hbm>>) dst(%arg11 : memref<128x64xf32, #tpu.memory_space<vmem>>)
      %add3A_152 = arith.constant 3 : i32
      %add3A_153 = arith.addi %mul3A_83, %add3A_152 : i32
      "tpu.region"() ({
        %run_scoped3A_164 = tpu.sem_alloc : memref<!tpu.dma_semaphore, #tpu.memory_space<semaphore_mem>>
        %dma_start3A_165 = arith.constant 0 : i32
        %dma_start3A_166 = tpu.memref_slice %arg7[%add3A_153, %dma_start3A_165] : memref<80x128xi32, #tpu.memory_space<vmem>> -> memref<1x128xi32, #tpu.memory_space<vmem>>
        %dma_start3A_167 = tpu.memref_squeeze %dma_start3A_166 : memref<1x128xi32, #tpu.memory_space<vmem>> -> memref<128xi32, #tpu.memory_space<vmem>>
        %dma_start3A_168 = arith.constant 0 : i32
        %dma_start3A_169 = arith.constant 0 : i32
        %dma_start3A_170 = tpu.memref_slice %arg13[%dma_start3A_168, %dma_start3A_169] : memref<10240x64xf32, #tpu.memory_space<vmem_shared>> -> memref<10240x64xf32, #tpu.memory_space<vmem_shared>>
        tpu.enqueue_indirect_dma source(%arg11 : memref<128x64xf32, #tpu.memory_space<vmem>>) target(%dma_start3A_170 : memref<10240x64xf32, #tpu.memory_space<vmem_shared>>) offsets(%dma_start3A_167 : memref<128xi32, #tpu.memory_space<vmem>>) semaphore(%run_scoped3A_164 : memref<!tpu.dma_semaphore, #tpu.memory_space<semaphore_mem>>) {add = true}
        %dma_wait3A_171 = arith.constant 0 : i32
        %dma_wait3A_172 = tpu.memref_slice %arg7[%add3A_153, %dma_wait3A_171] : memref<80x128xi32, #tpu.memory_space<vmem>> -> memref<1x128xi32, #tpu.memory_space<vmem>>
        %dma_wait3A_173 = tpu.memref_squeeze %dma_wait3A_172 : memref<1x128xi32, #tpu.memory_space<vmem>> -> memref<128xi32, #tpu.memory_space<vmem>>
        %dma_wait3A_174 = arith.constant 0 : i32
        %dma_wait3A_175 = arith.constant 0 : i32
        %dma_wait3A_176 = tpu.memref_slice %arg13[%dma_wait3A_174, %dma_wait3A_175] : memref<10240x64xf32, #tpu.memory_space<vmem_shared>> -> memref<10240x64xf32, #tpu.memory_space<vmem_shared>>
        tpu.wait_indirect_dma semaphore(%run_scoped3A_164 : memref<!tpu.dma_semaphore, #tpu.memory_space<semaphore_mem>>) src(%arg11 : memref<128x64xf32, #tpu.memory_space<vmem>>) dst(%dma_wait3A_176 : memref<10240x64xf32, #tpu.memory_space<vmem_shared>>)
        tpu.yield
      }) : () -> ()
      %add3A_154 = arith.constant 4 : i32
      %add3A_155 = arith.addi %mul3A_83, %add3A_154 : i32
      %add3A_156 = arith.constant 3 : i32
      %add3A_157 = arith.addi %add3A_155, %add3A_156 : i32
      %dma_start3A_158 = arith.constant 0 : i32
      %dma_start3A_159 = tpu.memref_slice %arg6[%add3A_157, %dma_start3A_158] : memref<80x128xi32, #tpu.memory_space<vmem>> -> memref<1x128xi32, #tpu.memory_space<vmem>>
      %dma_start3A_160 = tpu.memref_squeeze %dma_start3A_159 : memref<1x128xi32, #tpu.memory_space<vmem>> -> memref<128xi32, #tpu.memory_space<vmem>>
      %dma_start3A_161 = arith.constant 0 : i32
      %dma_start3A_162 = arith.constant 0 : i32
      %dma_start3A_163 = tpu.memref_slice %arg2[%dma_start3A_161, %dma_start3A_162] : memref<10240x64xf32, #tpu.memory_space<hbm>> -> memref<10240x64xf32, #tpu.memory_space<hbm>>
      tpu.enqueue_indirect_dma source(%dma_start3A_163 : memref<10240x64xf32, #tpu.memory_space<hbm>>) target(%arg11 : memref<128x64xf32, #tpu.memory_space<vmem>>) offsets(%dma_start3A_160 : memref<128xi32, #tpu.memory_space<vmem>>) semaphore(%arg17 : memref<!tpu.dma_semaphore, #tpu.memory_space<semaphore_mem>>)
    }
    %scan3A_41 = arith.constant 19 : i32
    %dma_wait3A = arith.constant 76 : i32
    %dma_wait3A_42 = arith.constant 0 : i32
    %dma_wait3A_43 = tpu.memref_slice %arg6[%dma_wait3A, %dma_wait3A_42] : memref<80x128xi32, #tpu.memory_space<vmem>> -> memref<1x128xi32, #tpu.memory_space<vmem>>
    %dma_wait3A_44 = tpu.memref_squeeze %dma_wait3A_43 : memref<1x128xi32, #tpu.memory_space<vmem>> -> memref<128xi32, #tpu.memory_space<vmem>>
    %dma_wait3A_45 = arith.constant 0 : i32
    %dma_wait3A_46 = arith.constant 0 : i32
    %dma_wait3A_47 = tpu.memref_slice %arg2[%dma_wait3A_45, %dma_wait3A_46] : memref<10240x64xf32, #tpu.memory_space<hbm>> -> memref<10240x64xf32, #tpu.memory_space<hbm>>
    tpu.wait_indirect_dma semaphore(%arg14 : memref<!tpu.dma_semaphore, #tpu.memory_space<semaphore_mem>>) src(%dma_wait3A_47 : memref<10240x64xf32, #tpu.memory_space<hbm>>) dst(%arg8 : memref<128x64xf32, #tpu.memory_space<vmem>>)
    %run_scoped3A = arith.constant 76 : i32
    "tpu.region"() ({
      %run_scoped3A_77 = tpu.sem_alloc : memref<!tpu.dma_semaphore, #tpu.memory_space<semaphore_mem>>
      %dma_start3A_78 = arith.constant 0 : i32
      %dma_start3A_79 = tpu.memref_slice %arg7[%run_scoped3A, %dma_start3A_78] : memref<80x128xi32, #tpu.memory_space<vmem>> -> memref<1x128xi32, #tpu.memory_space<vmem>>
      %dma_start3A_80 = tpu.memref_squeeze %dma_start3A_79 : memref<1x128xi32, #tpu.memory_space<vmem>> -> memref<128xi32, #tpu.memory_space<vmem>>
      %dma_start3A_81 = arith.constant 0 : i32
      %dma_start3A_82 = arith.constant 0 : i32
      %dma_start3A_83 = tpu.memref_slice %arg13[%dma_start3A_81, %dma_start3A_82] : memref<10240x64xf32, #tpu.memory_space<vmem_shared>> -> memref<10240x64xf32, #tpu.memory_space<vmem_shared>>
      tpu.enqueue_indirect_dma source(%arg8 : memref<128x64xf32, #tpu.memory_space<vmem>>) target(%dma_start3A_83 : memref<10240x64xf32, #tpu.memory_space<vmem_shared>>) offsets(%dma_start3A_80 : memref<128xi32, #tpu.memory_space<vmem>>) semaphore(%run_scoped3A_77 : memref<!tpu.dma_semaphore, #tpu.memory_space<semaphore_mem>>) {add = true}
      %dma_wait3A_84 = arith.constant 0 : i32
      %dma_wait3A_85 = tpu.memref_slice %arg7[%run_scoped3A, %dma_wait3A_84] : memref<80x128xi32, #tpu.memory_space<vmem>> -> memref<1x128xi32, #tpu.memory_space<vmem>>
      %dma_wait3A_86 = tpu.memref_squeeze %dma_wait3A_85 : memref<1x128xi32, #tpu.memory_space<vmem>> -> memref<128xi32, #tpu.memory_space<vmem>>
      %dma_wait3A_87 = arith.constant 0 : i32
      %dma_wait3A_88 = arith.constant 0 : i32
      %dma_wait3A_89 = tpu.memref_slice %arg13[%dma_wait3A_87, %dma_wait3A_88] : memref<10240x64xf32, #tpu.memory_space<vmem_shared>> -> memref<10240x64xf32, #tpu.memory_space<vmem_shared>>
      tpu.wait_indirect_dma semaphore(%run_scoped3A_77 : memref<!tpu.dma_semaphore, #tpu.memory_space<semaphore_mem>>) src(%arg8 : memref<128x64xf32, #tpu.memory_space<vmem>>) dst(%dma_wait3A_89 : memref<10240x64xf32, #tpu.memory_space<vmem_shared>>)
      tpu.yield
    }) : () -> ()
    %dma_wait3A_48 = arith.constant 77 : i32
    %dma_wait3A_49 = arith.constant 0 : i32
    %dma_wait3A_50 = tpu.memref_slice %arg6[%dma_wait3A_48, %dma_wait3A_49] : memref<80x128xi32, #tpu.memory_space<vmem>> -> memref<1x128xi32, #tpu.memory_space<vmem>>
    %dma_wait3A_51 = tpu.memref_squeeze %dma_wait3A_50 : memref<1x128xi32, #tpu.memory_space<vmem>> -> memref<128xi32, #tpu.memory_space<vmem>>
    %dma_wait3A_52 = arith.constant 0 : i32
    %dma_wait3A_53 = arith.constant 0 : i32
    %dma_wait3A_54 = tpu.memref_slice %arg2[%dma_wait3A_52, %dma_wait3A_53] : memref<10240x64xf32, #tpu.memory_space<hbm>> -> memref<10240x64xf32, #tpu.memory_space<hbm>>
    tpu.wait_indirect_dma semaphore(%arg15 : memref<!tpu.dma_semaphore, #tpu.memory_space<semaphore_mem>>) src(%dma_wait3A_54 : memref<10240x64xf32, #tpu.memory_space<hbm>>) dst(%arg9 : memref<128x64xf32, #tpu.memory_space<vmem>>)
    %run_scoped3A_55 = arith.constant 77 : i32
    "tpu.region"() ({
      %run_scoped3A_77 = tpu.sem_alloc : memref<!tpu.dma_semaphore, #tpu.memory_space<semaphore_mem>>
      %dma_start3A_78 = arith.constant 0 : i32
      %dma_start3A_79 = tpu.memref_slice %arg7[%run_scoped3A_55, %dma_start3A_78] : memref<80x128xi32, #tpu.memory_space<vmem>> -> memref<1x128xi32, #tpu.memory_space<vmem>>
      %dma_start3A_80 = tpu.memref_squeeze %dma_start3A_79 : memref<1x128xi32, #tpu.memory_space<vmem>> -> memref<128xi32, #tpu.memory_space<vmem>>
      %dma_start3A_81 = arith.constant 0 : i32
      %dma_start3A_82 = arith.constant 0 : i32
      %dma_start3A_83 = tpu.memref_slice %arg13[%dma_start3A_81, %dma_start3A_82] : memref<10240x64xf32, #tpu.memory_space<vmem_shared>> -> memref<10240x64xf32, #tpu.memory_space<vmem_shared>>
      tpu.enqueue_indirect_dma source(%arg9 : memref<128x64xf32, #tpu.memory_space<vmem>>) target(%dma_start3A_83 : memref<10240x64xf32, #tpu.memory_space<vmem_shared>>) offsets(%dma_start3A_80 : memref<128xi32, #tpu.memory_space<vmem>>) semaphore(%run_scoped3A_77 : memref<!tpu.dma_semaphore, #tpu.memory_space<semaphore_mem>>) {add = true}
      %dma_wait3A_84 = arith.constant 0 : i32
      %dma_wait3A_85 = tpu.memref_slice %arg7[%run_scoped3A_55, %dma_wait3A_84] : memref<80x128xi32, #tpu.memory_space<vmem>> -> memref<1x128xi32, #tpu.memory_space<vmem>>
      %dma_wait3A_86 = tpu.memref_squeeze %dma_wait3A_85 : memref<1x128xi32, #tpu.memory_space<vmem>> -> memref<128xi32, #tpu.memory_space<vmem>>
      %dma_wait3A_87 = arith.constant 0 : i32
      %dma_wait3A_88 = arith.constant 0 : i32
      %dma_wait3A_89 = tpu.memref_slice %arg13[%dma_wait3A_87, %dma_wait3A_88] : memref<10240x64xf32, #tpu.memory_space<vmem_shared>> -> memref<10240x64xf32, #tpu.memory_space<vmem_shared>>
      tpu.wait_indirect_dma semaphore(%run_scoped3A_77 : memref<!tpu.dma_semaphore, #tpu.memory_space<semaphore_mem>>) src(%arg9 : memref<128x64xf32, #tpu.memory_space<vmem>>) dst(%dma_wait3A_89 : memref<10240x64xf32, #tpu.memory_space<vmem_shared>>)
      tpu.yield
    }) : () -> ()
    %dma_wait3A_56 = arith.constant 78 : i32
    %dma_wait3A_57 = arith.constant 0 : i32
    %dma_wait3A_58 = tpu.memref_slice %arg6[%dma_wait3A_56, %dma_wait3A_57] : memref<80x128xi32, #tpu.memory_space<vmem>> -> memref<1x128xi32, #tpu.memory_space<vmem>>
    %dma_wait3A_59 = tpu.memref_squeeze %dma_wait3A_58 : memref<1x128xi32, #tpu.memory_space<vmem>> -> memref<128xi32, #tpu.memory_space<vmem>>
    %dma_wait3A_60 = arith.constant 0 : i32
    %dma_wait3A_61 = arith.constant 0 : i32
    %dma_wait3A_62 = tpu.memref_slice %arg2[%dma_wait3A_60, %dma_wait3A_61] : memref<10240x64xf32, #tpu.memory_space<hbm>> -> memref<10240x64xf32, #tpu.memory_space<hbm>>
    tpu.wait_indirect_dma semaphore(%arg16 : memref<!tpu.dma_semaphore, #tpu.memory_space<semaphore_mem>>) src(%dma_wait3A_62 : memref<10240x64xf32, #tpu.memory_space<hbm>>) dst(%arg10 : memref<128x64xf32, #tpu.memory_space<vmem>>)
    %run_scoped3A_63 = arith.constant 78 : i32
    "tpu.region"() ({
      %run_scoped3A_77 = tpu.sem_alloc : memref<!tpu.dma_semaphore, #tpu.memory_space<semaphore_mem>>
      %dma_start3A_78 = arith.constant 0 : i32
      %dma_start3A_79 = tpu.memref_slice %arg7[%run_scoped3A_63, %dma_start3A_78] : memref<80x128xi32, #tpu.memory_space<vmem>> -> memref<1x128xi32, #tpu.memory_space<vmem>>
      %dma_start3A_80 = tpu.memref_squeeze %dma_start3A_79 : memref<1x128xi32, #tpu.memory_space<vmem>> -> memref<128xi32, #tpu.memory_space<vmem>>
      %dma_start3A_81 = arith.constant 0 : i32
      %dma_start3A_82 = arith.constant 0 : i32
      %dma_start3A_83 = tpu.memref_slice %arg13[%dma_start3A_81, %dma_start3A_82] : memref<10240x64xf32, #tpu.memory_space<vmem_shared>> -> memref<10240x64xf32, #tpu.memory_space<vmem_shared>>
      tpu.enqueue_indirect_dma source(%arg10 : memref<128x64xf32, #tpu.memory_space<vmem>>) target(%dma_start3A_83 : memref<10240x64xf32, #tpu.memory_space<vmem_shared>>) offsets(%dma_start3A_80 : memref<128xi32, #tpu.memory_space<vmem>>) semaphore(%run_scoped3A_77 : memref<!tpu.dma_semaphore, #tpu.memory_space<semaphore_mem>>) {add = true}
      %dma_wait3A_84 = arith.constant 0 : i32
      %dma_wait3A_85 = tpu.memref_slice %arg7[%run_scoped3A_63, %dma_wait3A_84] : memref<80x128xi32, #tpu.memory_space<vmem>> -> memref<1x128xi32, #tpu.memory_space<vmem>>
      %dma_wait3A_86 = tpu.memref_squeeze %dma_wait3A_85 : memref<1x128xi32, #tpu.memory_space<vmem>> -> memref<128xi32, #tpu.memory_space<vmem>>
      %dma_wait3A_87 = arith.constant 0 : i32
      %dma_wait3A_88 = arith.constant 0 : i32
      %dma_wait3A_89 = tpu.memref_slice %arg13[%dma_wait3A_87, %dma_wait3A_88] : memref<10240x64xf32, #tpu.memory_space<vmem_shared>> -> memref<10240x64xf32, #tpu.memory_space<vmem_shared>>
      tpu.wait_indirect_dma semaphore(%run_scoped3A_77 : memref<!tpu.dma_semaphore, #tpu.memory_space<semaphore_mem>>) src(%arg10 : memref<128x64xf32, #tpu.memory_space<vmem>>) dst(%dma_wait3A_89 : memref<10240x64xf32, #tpu.memory_space<vmem_shared>>)
      tpu.yield
    }) : () -> ()
    %dma_wait3A_64 = arith.constant 79 : i32
    %dma_wait3A_65 = arith.constant 0 : i32
    %dma_wait3A_66 = tpu.memref_slice %arg6[%dma_wait3A_64, %dma_wait3A_65] : memref<80x128xi32, #tpu.memory_space<vmem>> -> memref<1x128xi32, #tpu.memory_space<vmem>>
    %dma_wait3A_67 = tpu.memref_squeeze %dma_wait3A_66 : memref<1x128xi32, #tpu.memory_space<vmem>> -> memref<128xi32, #tpu.memory_space<vmem>>
    %dma_wait3A_68 = arith.constant 0 : i32
    %dma_wait3A_69 = arith.constant 0 : i32
    %dma_wait3A_70 = tpu.memref_slice %arg2[%dma_wait3A_68, %dma_wait3A_69] : memref<10240x64xf32, #tpu.memory_space<hbm>> -> memref<10240x64xf32, #tpu.memory_space<hbm>>
    tpu.wait_indirect_dma semaphore(%arg17 : memref<!tpu.dma_semaphore, #tpu.memory_space<semaphore_mem>>) src(%dma_wait3A_70 : memref<10240x64xf32, #tpu.memory_space<hbm>>) dst(%arg11 : memref<128x64xf32, #tpu.memory_space<vmem>>)
    %run_scoped3A_71 = arith.constant 79 : i32
    "tpu.region"() ({
      %run_scoped3A_77 = tpu.sem_alloc : memref<!tpu.dma_semaphore, #tpu.memory_space<semaphore_mem>>
      %dma_start3A_78 = arith.constant 0 : i32
      %dma_start3A_79 = tpu.memref_slice %arg7[%run_scoped3A_71, %dma_start3A_78] : memref<80x128xi32, #tpu.memory_space<vmem>> -> memref<1x128xi32, #tpu.memory_space<vmem>>
      %dma_start3A_80 = tpu.memref_squeeze %dma_start3A_79 : memref<1x128xi32, #tpu.memory_space<vmem>> -> memref<128xi32, #tpu.memory_space<vmem>>
      %dma_start3A_81 = arith.constant 0 : i32
      %dma_start3A_82 = arith.constant 0 : i32
      %dma_start3A_83 = tpu.memref_slice %arg13[%dma_start3A_81, %dma_start3A_82] : memref<10240x64xf32, #tpu.memory_space<vmem_shared>> -> memref<10240x64xf32, #tpu.memory_space<vmem_shared>>
      tpu.enqueue_indirect_dma source(%arg11 : memref<128x64xf32, #tpu.memory_space<vmem>>) target(%dma_start3A_83 : memref<10240x64xf32, #tpu.memory_space<vmem_shared>>) offsets(%dma_start3A_80 : memref<128xi32, #tpu.memory_space<vmem>>) semaphore(%run_scoped3A_77 : memref<!tpu.dma_semaphore, #tpu.memory_space<semaphore_mem>>) {add = true}
      %dma_wait3A_84 = arith.constant 0 : i32
      %dma_wait3A_85 = tpu.memref_slice %arg7[%run_scoped3A_71, %dma_wait3A_84] : memref<80x128xi32, #tpu.memory_space<vmem>> -> memref<1x128xi32, #tpu.memory_space<vmem>>
      %dma_wait3A_86 = tpu.memref_squeeze %dma_wait3A_85 : memref<1x128xi32, #tpu.memory_space<vmem>> -> memref<128xi32, #tpu.memory_space<vmem>>
      %dma_wait3A_87 = arith.constant 0 : i32
      %dma_wait3A_88 = arith.constant 0 : i32
      %dma_wait3A_89 = tpu.memref_slice %arg13[%dma_wait3A_87, %dma_wait3A_88] : memref<10240x64xf32, #tpu.memory_space<vmem_shared>> -> memref<10240x64xf32, #tpu.memory_space<vmem_shared>>
      tpu.wait_indirect_dma semaphore(%run_scoped3A_77 : memref<!tpu.dma_semaphore, #tpu.memory_space<semaphore_mem>>) src(%arg11 : memref<128x64xf32, #tpu.memory_space<vmem>>) dst(%dma_wait3A_89 : memref<10240x64xf32, #tpu.memory_space<vmem_shared>>)
      tpu.yield
    }) : () -> ()
    %barrier3A_72 = arith.constant 0 : index
    tpu.barrier barrier_id(%barrier3A_72)
    %mul3A_73 = arith.constant 640 : i32
    %mul3A_74 = arith.muli %arg1, %mul3A_73 : i32
    %mul3A_75 = arith.constant 640 : i32
    %mul3A_76 = arith.muli %arg1, %mul3A_75 : i32
    "tpu.region"() ({
      %run_scoped3A_77 = tpu.sem_alloc : memref<!tpu.dma_semaphore, #tpu.memory_space<semaphore_mem>>
      %dma_start3A_78 = arith.constant 0 : i32
      %dma_start3A_79 = arith.constant 0 : i32
      %dma_start3A_80 = tpu.memref_slice %arg5[%arg0, %dma_start3A_78, %dma_start3A_79] : memref<2x10240x64xf32, #tpu.memory_space<hbm>> -> memref<1x10240x64xf32, #tpu.memory_space<hbm>>
      %dma_start3A_81 = tpu.memref_squeeze %dma_start3A_80 : memref<1x10240x64xf32, #tpu.memory_space<hbm>> -> memref<10240x64xf32, #tpu.memory_space<hbm>>
      %dma_start3A_82 = arith.constant 0 : i32
      %dma_start3A_83 = tpu.memref_slice %dma_start3A_81[%mul3A_76, %dma_start3A_82] : memref<10240x64xf32, #tpu.memory_space<hbm>> -> memref<640x64xf32, #tpu.memory_space<hbm>>
      %dma_start3A_84 = arith.constant 0 : i32
      %dma_start3A_85 = tpu.memref_slice %arg13[%mul3A_74, %dma_start3A_84] : memref<10240x64xf32, #tpu.memory_space<vmem_shared>> -> memref<640x64xf32, #tpu.memory_space<vmem_shared>>
      tpu.enqueue_dma source(%dma_start3A_85 : memref<640x64xf32, #tpu.memory_space<vmem_shared>>) target(%dma_start3A_83 : memref<640x64xf32, #tpu.memory_space<hbm>>) target_semaphore(%run_scoped3A_77 : memref<!tpu.dma_semaphore, #tpu.memory_space<semaphore_mem>>)
      %dma_wait3A_86 = arith.constant 0 : i32
      %dma_wait3A_87 = arith.constant 0 : i32
      %dma_wait3A_88 = tpu.memref_slice %arg5[%arg0, %dma_wait3A_86, %dma_wait3A_87] : memref<2x10240x64xf32, #tpu.memory_space<hbm>> -> memref<1x10240x64xf32, #tpu.memory_space<hbm>>
      %dma_wait3A_89 = tpu.memref_squeeze %dma_wait3A_88 : memref<1x10240x64xf32, #tpu.memory_space<hbm>> -> memref<10240x64xf32, #tpu.memory_space<hbm>>
      %dma_wait3A_90 = arith.constant 0 : i32
      %dma_wait3A_91 = tpu.memref_slice %dma_wait3A_89[%mul3A_76, %dma_wait3A_90] : memref<10240x64xf32, #tpu.memory_space<hbm>> -> memref<640x64xf32, #tpu.memory_space<hbm>>
      %dma_wait3A_92 = arith.constant 0 : i32
      %dma_wait3A_93 = tpu.memref_slice %arg13[%mul3A_74, %dma_wait3A_92] : memref<10240x64xf32, #tpu.memory_space<vmem_shared>> -> memref<640x64xf32, #tpu.memory_space<vmem_shared>>
      tpu.wait_dma2 semaphore(%run_scoped3A_77 : memref<!tpu.dma_semaphore, #tpu.memory_space<semaphore_mem>>) src(%dma_wait3A_93 : memref<640x64xf32, #tpu.memory_space<vmem_shared>>) dst(%dma_wait3A_91 : memref<640x64xf32, #tpu.memory_space<hbm>>)
      tpu.yield
    }) : () -> ()
    return
  }
}

#map = affine_map<(d0, d1) -> (0, 0)>
#map1 = affine_map<(d0, d1) -> (0, 0, 0)>
module attributes {stable_mosaic.version = 14 : i64} {
  func.func @_prop(%arg0: i32, %arg1: i32, %arg2: memref<10240x64xf32, #tpu.memory_space<hbm>>, %arg3: memref<32x80x128xi32, #tpu.memory_space<hbm>>, %arg4: memref<32x80x128xi32, #tpu.memory_space<hbm>>, %arg5: memref<2x10240x64xf32, #tpu.memory_space<hbm>>, %arg6: memref<80x128xi32, #tpu.memory_space<vmem>>, %arg7: memref<80x128xi32, #tpu.memory_space<vmem>>, %arg8: memref<128x64xf32, #tpu.memory_space<vmem>>, %arg9: memref<128x64xf32, #tpu.memory_space<vmem>>, %arg10: memref<128x64xf32, #tpu.memory_space<vmem>>, %arg11: memref<128x64xf32, #tpu.memory_space<vmem>>, %arg12: memref<128x64xf32, #tpu.memory_space<vmem>>, %arg13: memref<10240x64xf32, #tpu.memory_space<vmem_shared>>, %arg14: memref<!tpu.dma_semaphore, #tpu.memory_space<semaphore_mem>>, %arg15: memref<!tpu.dma_semaphore, #tpu.memory_space<semaphore_mem>>, %arg16: memref<!tpu.dma_semaphore, #tpu.memory_space<semaphore_mem>>, %arg17: memref<!tpu.dma_semaphore, #tpu.memory_space<semaphore_mem>>) attributes {dimension_semantics = [#tpu.dimension_semantics<core_parallel>, #tpu.dimension_semantics<subcore_parallel>], iteration_bounds = array<i64: 2, 16>, scalar_prefetch = 0 : i64, scratch_operands = 12 : i64, tpu.core_type = #tpu.core_type<sc_vector_subcore>, window_params = [{transform_indices = #map}, {transform_indices = #map1}, {transform_indices = #map1}, {transform_indices = #map1}]} {
    %mul3A = arith.constant 16 : i32
    %mul3A_0 = arith.muli %arg0, %mul3A : i32
    %add3A = arith.addi %mul3A_0, %arg1 : i32
    %scan3A = arith.constant 0 : i32
    %scan3A_1 = arith.constant 128 : i32
    %scan3A_2 = arith.addi %scan3A, %scan3A_1 : i32
    %scan3A_3 = arith.constant 1 : i32
    scf.for %scan3A_77 = %scan3A to %scan3A_2 step %scan3A_3  : i32 {
      %mul3A_78 = arith.constant 1 : i32
      %mul3A_79 = arith.muli %scan3A_77, %mul3A_78 : i32
      %add3A_80 = arith.constant 0 : i32
      %add3A_81 = arith.addi %add3A_80, %mul3A_79 : i32
      %scan3A_82 = arith.constant 0 : i32
      %scan3A_83 = arith.constant 4 : i32
      %scan3A_84 = arith.addi %scan3A_82, %scan3A_83 : i32
      %scan3A_85 = arith.constant 1 : i32
      scf.for %scan3A_87 = %scan3A_82 to %scan3A_84 step %scan3A_85  : i32 {
        %mul3A_88 = arith.constant 1 : i32
        %mul3A_89 = arith.muli %scan3A_87, %mul3A_88 : i32
        %add3A_90 = arith.constant 0 : i32
        %add3A_91 = arith.addi %add3A_90, %mul3A_89 : i32
        %broadcast_in_dim3A = arith.constant 0.000000e+00 : f32
        %broadcast_in_dim3A_92 = vector.broadcast %broadcast_in_dim3A : f32 to vector<16xf32>
        %mul3A_93 = arith.constant 16 : i32
        %mul3A_94 = arith.muli %add3A_91, %mul3A_93 : i32
        %swap3A = arith.index_cast %add3A_81 : i32 to index
        %swap3A_95 = arith.index_cast %mul3A_94 : i32 to index
        %swap3A_96 = tpu.vector_load %arg12[%swap3A, %swap3A_95] {strides = array<i32>} : memref<128x64xf32, #tpu.memory_space<vmem>>, vector<1x16xf32>,
        %swap3A_97 = vector.shape_cast %swap3A_96 : vector<1x16xf32> to vector<16xf32>
        %swap3A_98 = vector.shape_cast %broadcast_in_dim3A_92 : vector<16xf32> to vector<1x16xf32>
        tpu.vector_store %arg12[%swap3A, %swap3A_95], %swap3A_98 {strides = array<i32>} : memref<128x64xf32, #tpu.memory_space<vmem>>, vector<1x16xf32>,
      }
      %scan3A_86 = arith.constant 4 : i32
    }
    %scan3A_4 = arith.constant 128 : i32
    "tpu.region"() ({
      %run_scoped3A_77 = tpu.sem_alloc : memref<!tpu.dma_semaphore, #tpu.memory_space<semaphore_mem>>
      %dma_start3A_78 = arith.constant 0 : i32
      %dma_start3A_79 = arith.constant 0 : i32
      %dma_start3A_80 = tpu.memref_slice %arg3[%add3A, %dma_start3A_78, %dma_start3A_79] : memref<32x80x128xi32, #tpu.memory_space<hbm>> -> memref<1x80x128xi32, #tpu.memory_space<hbm>>
      %dma_start3A_81 = tpu.memref_squeeze %dma_start3A_80 : memref<1x80x128xi32, #tpu.memory_space<hbm>> -> memref<80x128xi32, #tpu.memory_space<hbm>>
      %dma_start3A_82 = arith.constant 0 : i32
      %dma_start3A_83 = arith.constant 0 : i32
      %dma_start3A_84 = tpu.memref_slice %arg3[%add3A, %dma_start3A_82, %dma_start3A_83] : memref<32x80x128xi32, #tpu.memory_space<hbm>> -> memref<1x80x128xi32, #tpu.memory_space<hbm>>
      %dma_start3A_85 = tpu.memref_squeeze %dma_start3A_84 : memref<1x80x128xi32, #tpu.memory_space<hbm>> -> memref<80x128xi32, #tpu.memory_space<hbm>>
      tpu.enqueue_dma source(%dma_start3A_85 : memref<80x128xi32, #tpu.memory_space<hbm>>) target(%arg6 : memref<80x128xi32, #tpu.memory_space<vmem>>) target_semaphore(%run_scoped3A_77 : memref<!tpu.dma_semaphore, #tpu.memory_space<semaphore_mem>>)
      %dma_wait3A_86 = arith.constant 0 : i32
      %dma_wait3A_87 = arith.constant 0 : i32
      %dma_wait3A_88 = tpu.memref_slice %arg3[%add3A, %dma_wait3A_86, %dma_wait3A_87] : memref<32x80x128xi32, #tpu.memory_space<hbm>> -> memref<1x80x128xi32, #tpu.memory_space<hbm>>
      %dma_wait3A_89 = tpu.memref_squeeze %dma_wait3A_88 : memref<1x80x128xi32, #tpu.memory_space<hbm>> -> memref<80x128xi32, #tpu.memory_space<hbm>>
      %dma_wait3A_90 = arith.constant 0 : i32
      %dma_wait3A_91 = arith.constant 0 : i32
      %dma_wait3A_92 = tpu.memref_slice %arg3[%add3A, %dma_wait3A_90, %dma_wait3A_91] : memref<32x80x128xi32, #tpu.memory_space<hbm>> -> memref<1x80x128xi32, #tpu.memory_space<hbm>>
      %dma_wait3A_93 = tpu.memref_squeeze %dma_wait3A_92 : memref<1x80x128xi32, #tpu.memory_space<hbm>> -> memref<80x128xi32, #tpu.memory_space<hbm>>
      tpu.wait_dma2 semaphore(%run_scoped3A_77 : memref<!tpu.dma_semaphore, #tpu.memory_space<semaphore_mem>>) src(%dma_wait3A_93 : memref<80x128xi32, #tpu.memory_space<hbm>>) dst(%arg6 : memref<80x128xi32, #tpu.memory_space<vmem>>)
      tpu.yield
    }) : () -> ()
    "tpu.region"() ({
      %run_scoped3A_77 = tpu.sem_alloc : memref<!tpu.dma_semaphore, #tpu.memory_space<semaphore_mem>>
      %dma_start3A_78 = arith.constant 0 : i32
      %dma_start3A_79 = arith.constant 0 : i32
      %dma_start3A_80 = tpu.memref_slice %arg4[%add3A, %dma_start3A_78, %dma_start3A_79] : memref<32x80x128xi32, #tpu.memory_space<hbm>> -> memref<1x80x128xi32, #tpu.memory_space<hbm>>
      %dma_start3A_81 = tpu.memref_squeeze %dma_start3A_80 : memref<1x80x128xi32, #tpu.memory_space<hbm>> -> memref<80x128xi32, #tpu.memory_space<hbm>>
      %dma_start3A_82 = arith.constant 0 : i32
      %dma_start3A_83 = arith.constant 0 : i32
      %dma_start3A_84 = tpu.memref_slice %arg4[%add3A, %dma_start3A_82, %dma_start3A_83] : memref<32x80x128xi32, #tpu.memory_space<hbm>> -> memref<1x80x128xi32, #tpu.memory_space<hbm>>
      %dma_start3A_85 = tpu.memref_squeeze %dma_start3A_84 : memref<1x80x128xi32, #tpu.memory_space<hbm>> -> memref<80x128xi32, #tpu.memory_space<hbm>>
      tpu.enqueue_dma source(%dma_start3A_85 : memref<80x128xi32, #tpu.memory_space<hbm>>) target(%arg7 : memref<80x128xi32, #tpu.memory_space<vmem>>) target_semaphore(%run_scoped3A_77 : memref<!tpu.dma_semaphore, #tpu.memory_space<semaphore_mem>>)
      %dma_wait3A_86 = arith.constant 0 : i32
      %dma_wait3A_87 = arith.constant 0 : i32
      %dma_wait3A_88 = tpu.memref_slice %arg4[%add3A, %dma_wait3A_86, %dma_wait3A_87] : memref<32x80x128xi32, #tpu.memory_space<hbm>> -> memref<1x80x128xi32, #tpu.memory_space<hbm>>
      %dma_wait3A_89 = tpu.memref_squeeze %dma_wait3A_88 : memref<1x80x128xi32, #tpu.memory_space<hbm>> -> memref<80x128xi32, #tpu.memory_space<hbm>>
      %dma_wait3A_90 = arith.constant 0 : i32
      %dma_wait3A_91 = arith.constant 0 : i32
      %dma_wait3A_92 = tpu.memref_slice %arg4[%add3A, %dma_wait3A_90, %dma_wait3A_91] : memref<32x80x128xi32, #tpu.memory_space<hbm>> -> memref<1x80x128xi32, #tpu.memory_space<hbm>>
      %dma_wait3A_93 = tpu.memref_squeeze %dma_wait3A_92 : memref<1x80x128xi32, #tpu.memory_space<hbm>> -> memref<80x128xi32, #tpu.memory_space<hbm>>
      tpu.wait_dma2 semaphore(%run_scoped3A_77 : memref<!tpu.dma_semaphore, #tpu.memory_space<semaphore_mem>>) src(%dma_wait3A_93 : memref<80x128xi32, #tpu.memory_space<hbm>>) dst(%arg7 : memref<80x128xi32, #tpu.memory_space<vmem>>)
      tpu.yield
    }) : () -> ()
    %scan3A_5 = arith.constant 0 : i32
    %scan3A_6 = arith.constant 5 : i32
    %scan3A_7 = arith.addi %scan3A_5, %scan3A_6 : i32
    %scan3A_8 = arith.constant 1 : i32
    scf.for %scan3A_77 = %scan3A_5 to %scan3A_7 step %scan3A_8  : i32 {
      %mul3A_78 = arith.constant 1 : i32
      %mul3A_79 = arith.muli %scan3A_77, %mul3A_78 : i32
      %add3A_80 = arith.constant 0 : i32
      %add3A_81 = arith.addi %add3A_80, %mul3A_79 : i32
      %mul3A_82 = arith.constant 640 : i32
      %mul3A_83 = arith.muli %arg1, %mul3A_82 : i32
      %mul3A_84 = arith.constant 128 : i32
      %mul3A_85 = arith.muli %add3A_81, %mul3A_84 : i32
      %add3A_86 = arith.addi %mul3A_83, %mul3A_85 : i32
      "tpu.region"() ({
        %run_scoped3A_87 = tpu.sem_alloc : memref<!tpu.dma_semaphore, #tpu.memory_space<semaphore_mem>>
        %dma_start3A_88 = arith.constant 0 : i32
        %dma_start3A_89 = tpu.memref_slice %arg13[%add3A_86, %dma_start3A_88] : memref<10240x64xf32, #tpu.memory_space<vmem_shared>> -> memref<128x64xf32, #tpu.memory_space<vmem_shared>>
        %dma_start3A_90 = arith.constant 0 : i32
        %dma_start3A_91 = tpu.memref_slice %arg13[%add3A_86, %dma_start3A_90] : memref<10240x64xf32, #tpu.memory_space<vmem_shared>> -> memref<128x64xf32, #tpu.memory_space<vmem_shared>>
        tpu.enqueue_dma source(%arg12 : memref<128x64xf32, #tpu.memory_space<vmem>>) target(%dma_start3A_91 : memref<128x64xf32, #tpu.memory_space<vmem_shared>>) target_semaphore(%run_scoped3A_87 : memref<!tpu.dma_semaphore, #tpu.memory_space<semaphore_mem>>)
        %dma_wait3A_92 = arith.constant 0 : i32
        %dma_wait3A_93 = tpu.memref_slice %arg13[%add3A_86, %dma_wait3A_92] : memref<10240x64xf32, #tpu.memory_space<vmem_shared>> -> memref<128x64xf32, #tpu.memory_space<vmem_shared>>
        %dma_wait3A_94 = arith.constant 0 : i32
        %dma_wait3A_95 = tpu.memref_slice %arg13[%add3A_86, %dma_wait3A_94] : memref<10240x64xf32, #tpu.memory_space<vmem_shared>> -> memref<128x64xf32, #tpu.memory_space<vmem_shared>>
        tpu.wait_dma2 semaphore(%run_scoped3A_87 : memref<!tpu.dma_semaphore, #tpu.memory_space<semaphore_mem>>) src(%arg12 : memref<128x64xf32, #tpu.memory_space<vmem>>) dst(%dma_wait3A_95 : memref<128x64xf32, #tpu.memory_space<vmem_shared>>)
        tpu.yield
      }) : () -> ()
    }
    %scan3A_9 = arith.constant 5 : i32
    %barrier3A = arith.constant 0 : index
    tpu.barrier barrier_id(%barrier3A)
    %dma_start3A = arith.constant 0 : i32
    %dma_start3A_10 = arith.constant 0 : i32
    %dma_start3A_11 = tpu.memref_slice %arg6[%dma_start3A, %dma_start3A_10] : memref<80x128xi32, #tpu.memory_space<vmem>> -> memref<1x128xi32, #tpu.memory_space<vmem>>
    %dma_start3A_12 = tpu.memref_squeeze %dma_start3A_11 : memref<1x128xi32, #tpu.memory_space<vmem>> -> memref<128xi32, #tpu.memory_space<vmem>>
    %dma_start3A_13 = arith.constant 0 : i32
    %dma_start3A_14 = arith.constant 0 : i32
    %dma_start3A_15 = tpu.memref_slice %arg2[%dma_start3A_13, %dma_start3A_14] : memref<10240x64xf32, #tpu.memory_space<hbm>> -> memref<10240x64xf32, #tpu.memory_space<hbm>>
    tpu.enqueue_indirect_dma source(%dma_start3A_15 : memref<10240x64xf32, #tpu.memory_space<hbm>>) target(%arg8 : memref<128x64xf32, #tpu.memory_space<vmem>>) offsets(%dma_start3A_12 : memref<128xi32, #tpu.memory_space<vmem>>) semaphore(%arg14 : memref<!tpu.dma_semaphore, #tpu.memory_space<semaphore_mem>>)
    %dma_start3A_16 = arith.constant 1 : i32
    %dma_start3A_17 = arith.constant 0 : i32
    %dma_start3A_18 = tpu.memref_slice %arg6[%dma_start3A_16, %dma_start3A_17] : memref<80x128xi32, #tpu.memory_space<vmem>> -> memref<1x128xi32, #tpu.memory_space<vmem>>
    %dma_start3A_19 = tpu.memref_squeeze %dma_start3A_18 : memref<1x128xi32, #tpu.memory_space<vmem>> -> memref<128xi32, #tpu.memory_space<vmem>>
    %dma_start3A_20 = arith.constant 0 : i32
    %dma_start3A_21 = arith.constant 0 : i32
    %dma_start3A_22 = tpu.memref_slice %arg2[%dma_start3A_20, %dma_start3A_21] : memref<10240x64xf32, #tpu.memory_space<hbm>> -> memref<10240x64xf32, #tpu.memory_space<hbm>>
    tpu.enqueue_indirect_dma source(%dma_start3A_22 : memref<10240x64xf32, #tpu.memory_space<hbm>>) target(%arg9 : memref<128x64xf32, #tpu.memory_space<vmem>>) offsets(%dma_start3A_19 : memref<128xi32, #tpu.memory_space<vmem>>) semaphore(%arg15 : memref<!tpu.dma_semaphore, #tpu.memory_space<semaphore_mem>>)
    %dma_start3A_23 = arith.constant 2 : i32
    %dma_start3A_24 = arith.constant 0 : i32
    %dma_start3A_25 = tpu.memref_slice %arg6[%dma_start3A_23, %dma_start3A_24] : memref<80x128xi32, #tpu.memory_space<vmem>> -> memref<1x128xi32, #tpu.memory_space<vmem>>
    %dma_start3A_26 = tpu.memref_squeeze %dma_start3A_25 : memref<1x128xi32, #tpu.memory_space<vmem>> -> memref<128xi32, #tpu.memory_space<vmem>>
    %dma_start3A_27 = arith.constant 0 : i32
    %dma_start3A_28 = arith.constant 0 : i32
    %dma_start3A_29 = tpu.memref_slice %arg2[%dma_start3A_27, %dma_start3A_28] : memref<10240x64xf32, #tpu.memory_space<hbm>> -> memref<10240x64xf32, #tpu.memory_space<hbm>>
    tpu.enqueue_indirect_dma source(%dma_start3A_29 : memref<10240x64xf32, #tpu.memory_space<hbm>>) target(%arg10 : memref<128x64xf32, #tpu.memory_space<vmem>>) offsets(%dma_start3A_26 : memref<128xi32, #tpu.memory_space<vmem>>) semaphore(%arg16 : memref<!tpu.dma_semaphore, #tpu.memory_space<semaphore_mem>>)
    %dma_start3A_30 = arith.constant 3 : i32
    %dma_start3A_31 = arith.constant 0 : i32
    %dma_start3A_32 = tpu.memref_slice %arg6[%dma_start3A_30, %dma_start3A_31] : memref<80x128xi32, #tpu.memory_space<vmem>> -> memref<1x128xi32, #tpu.memory_space<vmem>>
    %dma_start3A_33 = tpu.memref_squeeze %dma_start3A_32 : memref<1x128xi32, #tpu.memory_space<vmem>> -> memref<128xi32, #tpu.memory_space<vmem>>
    %dma_start3A_34 = arith.constant 0 : i32
    %dma_start3A_35 = arith.constant 0 : i32
    %dma_start3A_36 = tpu.memref_slice %arg2[%dma_start3A_34, %dma_start3A_35] : memref<10240x64xf32, #tpu.memory_space<hbm>> -> memref<10240x64xf32, #tpu.memory_space<hbm>>
    tpu.enqueue_indirect_dma source(%dma_start3A_36 : memref<10240x64xf32, #tpu.memory_space<hbm>>) target(%arg11 : memref<128x64xf32, #tpu.memory_space<vmem>>) offsets(%dma_start3A_33 : memref<128xi32, #tpu.memory_space<vmem>>) semaphore(%arg17 : memref<!tpu.dma_semaphore, #tpu.memory_space<semaphore_mem>>)
    %scan3A_37 = arith.constant 0 : i32
    %scan3A_38 = arith.constant 19 : i32
    %scan3A_39 = arith.addi %scan3A_37, %scan3A_38 : i32
    %scan3A_40 = arith.constant 1 : i32
    scf.for %scan3A_77 = %scan3A_37 to %scan3A_39 step %scan3A_40  : i32 {
      %mul3A_78 = arith.constant 1 : i32
      %mul3A_79 = arith.muli %scan3A_77, %mul3A_78 : i32
      %add3A_80 = arith.constant 0 : i32
      %add3A_81 = arith.addi %add3A_80, %mul3A_79 : i32
      %mul3A_82 = arith.constant 4 : i32
      %mul3A_83 = arith.muli %add3A_81, %mul3A_82 : i32
      %add3A_84 = arith.constant 0 : i32
      %add3A_85 = arith.addi %mul3A_83, %add3A_84 : i32
      %dma_wait3A_86 = arith.constant 0 : i32
      %dma_wait3A_87 = tpu.memref_slice %arg6[%add3A_85, %dma_wait3A_86] : memref<80x128xi32, #tpu.memory_space<vmem>> -> memref<1x128xi32, #tpu.memory_space<vmem>>
      %dma_wait3A_88 = tpu.memref_squeeze %dma_wait3A_87 : memref<1x128xi32, #tpu.memory_space<vmem>> -> memref<128xi32, #tpu.memory_space<vmem>>
      %dma_wait3A_89 = arith.constant 0 : i32
      %dma_wait3A_90 = arith.constant 0 : i32
      %dma_wait3A_91 = tpu.memref_slice %arg2[%dma_wait3A_89, %dma_wait3A_90] : memref<10240x64xf32, #tpu.memory_space<hbm>> -> memref<10240x64xf32, #tpu.memory_space<hbm>>
      tpu.wait_indirect_dma semaphore(%arg14 : memref<!tpu.dma_semaphore, #tpu.memory_space<semaphore_mem>>) src(%dma_wait3A_91 : memref<10240x64xf32, #tpu.memory_space<hbm>>) dst(%arg8 : memref<128x64xf32, #tpu.memory_space<vmem>>)
      %add3A_92 = arith.constant 0 : i32
      %add3A_93 = arith.addi %mul3A_83, %add3A_92 : i32
      "tpu.region"() ({
        %run_scoped3A_164 = tpu.sem_alloc : memref<!tpu.dma_semaphore, #tpu.memory_space<semaphore_mem>>
        %dma_start3A_165 = arith.constant 0 : i32
        %dma_start3A_166 = tpu.memref_slice %arg7[%add3A_93, %dma_start3A_165] : memref<80x128xi32, #tpu.memory_space<vmem>> -> memref<1x128xi32, #tpu.memory_space<vmem>>
        %dma_start3A_167 = tpu.memref_squeeze %dma_start3A_166 : memref<1x128xi32, #tpu.memory_space<vmem>> -> memref<128xi32, #tpu.memory_space<vmem>>
        %dma_start3A_168 = arith.constant 0 : i32
        %dma_start3A_169 = arith.constant 0 : i32
        %dma_start3A_170 = tpu.memref_slice %arg13[%dma_start3A_168, %dma_start3A_169] : memref<10240x64xf32, #tpu.memory_space<vmem_shared>> -> memref<10240x64xf32, #tpu.memory_space<vmem_shared>>
        tpu.enqueue_indirect_dma source(%arg8 : memref<128x64xf32, #tpu.memory_space<vmem>>) target(%dma_start3A_170 : memref<10240x64xf32, #tpu.memory_space<vmem_shared>>) offsets(%dma_start3A_167 : memref<128xi32, #tpu.memory_space<vmem>>) semaphore(%run_scoped3A_164 : memref<!tpu.dma_semaphore, #tpu.memory_space<semaphore_mem>>) {add = true}
        %dma_wait3A_171 = arith.constant 0 : i32
        %dma_wait3A_172 = tpu.memref_slice %arg7[%add3A_93, %dma_wait3A_171] : memref<80x128xi32, #tpu.memory_space<vmem>> -> memref<1x128xi32, #tpu.memory_space<vmem>>
        %dma_wait3A_173 = tpu.memref_squeeze %dma_wait3A_172 : memref<1x128xi32, #tpu.memory_space<vmem>> -> memref<128xi32, #tpu.memory_space<vmem>>
        %dma_wait3A_174 = arith.constant 0 : i32
        %dma_wait3A_175 = arith.constant 0 : i32
        %dma_wait3A_176 = tpu.memref_slice %arg13[%dma_wait3A_174, %dma_wait3A_175] : memref<10240x64xf32, #tpu.memory_space<vmem_shared>> -> memref<10240x64xf32, #tpu.memory_space<vmem_shared>>
        tpu.wait_indirect_dma semaphore(%run_scoped3A_164 : memref<!tpu.dma_semaphore, #tpu.memory_space<semaphore_mem>>) src(%arg8 : memref<128x64xf32, #tpu.memory_space<vmem>>) dst(%dma_wait3A_176 : memref<10240x64xf32, #tpu.memory_space<vmem_shared>>)
        tpu.yield
      }) : () -> ()
      %add3A_94 = arith.constant 4 : i32
      %add3A_95 = arith.addi %mul3A_83, %add3A_94 : i32
      %add3A_96 = arith.constant 0 : i32
      %add3A_97 = arith.addi %add3A_95, %add3A_96 : i32
      %dma_start3A_98 = arith.constant 0 : i32
      %dma_start3A_99 = tpu.memref_slice %arg6[%add3A_97, %dma_start3A_98] : memref<80x128xi32, #tpu.memory_space<vmem>> -> memref<1x128xi32, #tpu.memory_space<vmem>>
      %dma_start3A_100 = tpu.memref_squeeze %dma_start3A_99 : memref<1x128xi32, #tpu.memory_space<vmem>> -> memref<128xi32, #tpu.memory_space<vmem>>
      %dma_start3A_101 = arith.constant 0 : i32
      %dma_start3A_102 = arith.constant 0 : i32
      %dma_start3A_103 = tpu.memref_slice %arg2[%dma_start3A_101, %dma_start3A_102] : memref<10240x64xf32, #tpu.memory_space<hbm>> -> memref<10240x64xf32, #tpu.memory_space<hbm>>
      tpu.enqueue_indirect_dma source(%dma_start3A_103 : memref<10240x64xf32, #tpu.memory_space<hbm>>) target(%arg8 : memref<128x64xf32, #tpu.memory_space<vmem>>) offsets(%dma_start3A_100 : memref<128xi32, #tpu.memory_space<vmem>>) semaphore(%arg14 : memref<!tpu.dma_semaphore, #tpu.memory_space<semaphore_mem>>)
      %add3A_104 = arith.constant 1 : i32
      %add3A_105 = arith.addi %mul3A_83, %add3A_104 : i32
      %dma_wait3A_106 = arith.constant 0 : i32
      %dma_wait3A_107 = tpu.memref_slice %arg6[%add3A_105, %dma_wait3A_106] : memref<80x128xi32, #tpu.memory_space<vmem>> -> memref<1x128xi32, #tpu.memory_space<vmem>>
      %dma_wait3A_108 = tpu.memref_squeeze %dma_wait3A_107 : memref<1x128xi32, #tpu.memory_space<vmem>> -> memref<128xi32, #tpu.memory_space<vmem>>
      %dma_wait3A_109 = arith.constant 0 : i32
      %dma_wait3A_110 = arith.constant 0 : i32
      %dma_wait3A_111 = tpu.memref_slice %arg2[%dma_wait3A_109, %dma_wait3A_110] : memref<10240x64xf32, #tpu.memory_space<hbm>> -> memref<10240x64xf32, #tpu.memory_space<hbm>>
      tpu.wait_indirect_dma semaphore(%arg15 : memref<!tpu.dma_semaphore, #tpu.memory_space<semaphore_mem>>) src(%dma_wait3A_111 : memref<10240x64xf32, #tpu.memory_space<hbm>>) dst(%arg9 : memref<128x64xf32, #tpu.memory_space<vmem>>)
      %add3A_112 = arith.constant 1 : i32
      %add3A_113 = arith.addi %mul3A_83, %add3A_112 : i32
      "tpu.region"() ({
        %run_scoped3A_164 = tpu.sem_alloc : memref<!tpu.dma_semaphore, #tpu.memory_space<semaphore_mem>>
        %dma_start3A_165 = arith.constant 0 : i32
        %dma_start3A_166 = tpu.memref_slice %arg7[%add3A_113, %dma_start3A_165] : memref<80x128xi32, #tpu.memory_space<vmem>> -> memref<1x128xi32, #tpu.memory_space<vmem>>
        %dma_start3A_167 = tpu.memref_squeeze %dma_start3A_166 : memref<1x128xi32, #tpu.memory_space<vmem>> -> memref<128xi32, #tpu.memory_space<vmem>>
        %dma_start3A_168 = arith.constant 0 : i32
        %dma_start3A_169 = arith.constant 0 : i32
        %dma_start3A_170 = tpu.memref_slice %arg13[%dma_start3A_168, %dma_start3A_169] : memref<10240x64xf32, #tpu.memory_space<vmem_shared>> -> memref<10240x64xf32, #tpu.memory_space<vmem_shared>>
        tpu.enqueue_indirect_dma source(%arg9 : memref<128x64xf32, #tpu.memory_space<vmem>>) target(%dma_start3A_170 : memref<10240x64xf32, #tpu.memory_space<vmem_shared>>) offsets(%dma_start3A_167 : memref<128xi32, #tpu.memory_space<vmem>>) semaphore(%run_scoped3A_164 : memref<!tpu.dma_semaphore, #tpu.memory_space<semaphore_mem>>) {add = true}
        %dma_wait3A_171 = arith.constant 0 : i32
        %dma_wait3A_172 = tpu.memref_slice %arg7[%add3A_113, %dma_wait3A_171] : memref<80x128xi32, #tpu.memory_space<vmem>> -> memref<1x128xi32, #tpu.memory_space<vmem>>
        %dma_wait3A_173 = tpu.memref_squeeze %dma_wait3A_172 : memref<1x128xi32, #tpu.memory_space<vmem>> -> memref<128xi32, #tpu.memory_space<vmem>>
        %dma_wait3A_174 = arith.constant 0 : i32
        %dma_wait3A_175 = arith.constant 0 : i32
        %dma_wait3A_176 = tpu.memref_slice %arg13[%dma_wait3A_174, %dma_wait3A_175] : memref<10240x64xf32, #tpu.memory_space<vmem_shared>> -> memref<10240x64xf32, #tpu.memory_space<vmem_shared>>
        tpu.wait_indirect_dma semaphore(%run_scoped3A_164 : memref<!tpu.dma_semaphore, #tpu.memory_space<semaphore_mem>>) src(%arg9 : memref<128x64xf32, #tpu.memory_space<vmem>>) dst(%dma_wait3A_176 : memref<10240x64xf32, #tpu.memory_space<vmem_shared>>)
        tpu.yield
      }) : () -> ()
      %add3A_114 = arith.constant 4 : i32
      %add3A_115 = arith.addi %mul3A_83, %add3A_114 : i32
      %add3A_116 = arith.constant 1 : i32
      %add3A_117 = arith.addi %add3A_115, %add3A_116 : i32
      %dma_start3A_118 = arith.constant 0 : i32
      %dma_start3A_119 = tpu.memref_slice %arg6[%add3A_117, %dma_start3A_118] : memref<80x128xi32, #tpu.memory_space<vmem>> -> memref<1x128xi32, #tpu.memory_space<vmem>>
      %dma_start3A_120 = tpu.memref_squeeze %dma_start3A_119 : memref<1x128xi32, #tpu.memory_space<vmem>> -> memref<128xi32, #tpu.memory_space<vmem>>
      %dma_start3A_121 = arith.constant 0 : i32
      %dma_start3A_122 = arith.constant 0 : i32
      %dma_start3A_123 = tpu.memref_slice %arg2[%dma_start3A_121, %dma_start3A_122] : memref<10240x64xf32, #tpu.memory_space<hbm>> -> memref<10240x64xf32, #tpu.memory_space<hbm>>
      tpu.enqueue_indirect_dma source(%dma_start3A_123 : memref<10240x64xf32, #tpu.memory_space<hbm>>) target(%arg9 : memref<128x64xf32, #tpu.memory_space<vmem>>) offsets(%dma_start3A_120 : memref<128xi32, #tpu.memory_space<vmem>>) semaphore(%arg15 : memref<!tpu.dma_semaphore, #tpu.memory_space<semaphore_mem>>)
      %add3A_124 = arith.constant 2 : i32
      %add3A_125 = arith.addi %mul3A_83, %add3A_124 : i32
      %dma_wait3A_126 = arith.constant 0 : i32
      %dma_wait3A_127 = tpu.memref_slice %arg6[%add3A_125, %dma_wait3A_126] : memref<80x128xi32, #tpu.memory_space<vmem>> -> memref<1x128xi32, #tpu.memory_space<vmem>>
      %dma_wait3A_128 = tpu.memref_squeeze %dma_wait3A_127 : memref<1x128xi32, #tpu.memory_space<vmem>> -> memref<128xi32, #tpu.memory_space<vmem>>
      %dma_wait3A_129 = arith.constant 0 : i32
      %dma_wait3A_130 = arith.constant 0 : i32
      %dma_wait3A_131 = tpu.memref_slice %arg2[%dma_wait3A_129, %dma_wait3A_130] : memref<10240x64xf32, #tpu.memory_space<hbm>> -> memref<10240x64xf32, #tpu.memory_space<hbm>>
      tpu.wait_indirect_dma semaphore(%arg16 : memref<!tpu.dma_semaphore, #tpu.memory_space<semaphore_mem>>) src(%dma_wait3A_131 : memref<10240x64xf32, #tpu.memory_space<hbm>>) dst(%arg10 : memref<128x64xf32, #tpu.memory_space<vmem>>)
      %add3A_132 = arith.constant 2 : i32
      %add3A_133 = arith.addi %mul3A_83, %add3A_132 : i32
      "tpu.region"() ({
        %run_scoped3A_164 = tpu.sem_alloc : memref<!tpu.dma_semaphore, #tpu.memory_space<semaphore_mem>>
        %dma_start3A_165 = arith.constant 0 : i32
        %dma_start3A_166 = tpu.memref_slice %arg7[%add3A_133, %dma_start3A_165] : memref<80x128xi32, #tpu.memory_space<vmem>> -> memref<1x128xi32, #tpu.memory_space<vmem>>
        %dma_start3A_167 = tpu.memref_squeeze %dma_start3A_166 : memref<1x128xi32, #tpu.memory_space<vmem>> -> memref<128xi32, #tpu.memory_space<vmem>>
        %dma_start3A_168 = arith.constant 0 : i32
        %dma_start3A_169 = arith.constant 0 : i32
        %dma_start3A_170 = tpu.memref_slice %arg13[%dma_start3A_168, %dma_start3A_169] : memref<10240x64xf32, #tpu.memory_space<vmem_shared>> -> memref<10240x64xf32, #tpu.memory_space<vmem_shared>>
        tpu.enqueue_indirect_dma source(%arg10 : memref<128x64xf32, #tpu.memory_space<vmem>>) target(%dma_start3A_170 : memref<10240x64xf32, #tpu.memory_space<vmem_shared>>) offsets(%dma_start3A_167 : memref<128xi32, #tpu.memory_space<vmem>>) semaphore(%run_scoped3A_164 : memref<!tpu.dma_semaphore, #tpu.memory_space<semaphore_mem>>) {add = true}
        %dma_wait3A_171 = arith.constant 0 : i32
        %dma_wait3A_172 = tpu.memref_slice %arg7[%add3A_133, %dma_wait3A_171] : memref<80x128xi32, #tpu.memory_space<vmem>> -> memref<1x128xi32, #tpu.memory_space<vmem>>
        %dma_wait3A_173 = tpu.memref_squeeze %dma_wait3A_172 : memref<1x128xi32, #tpu.memory_space<vmem>> -> memref<128xi32, #tpu.memory_space<vmem>>
        %dma_wait3A_174 = arith.constant 0 : i32
        %dma_wait3A_175 = arith.constant 0 : i32
        %dma_wait3A_176 = tpu.memref_slice %arg13[%dma_wait3A_174, %dma_wait3A_175] : memref<10240x64xf32, #tpu.memory_space<vmem_shared>> -> memref<10240x64xf32, #tpu.memory_space<vmem_shared>>
        tpu.wait_indirect_dma semaphore(%run_scoped3A_164 : memref<!tpu.dma_semaphore, #tpu.memory_space<semaphore_mem>>) src(%arg10 : memref<128x64xf32, #tpu.memory_space<vmem>>) dst(%dma_wait3A_176 : memref<10240x64xf32, #tpu.memory_space<vmem_shared>>)
        tpu.yield
      }) : () -> ()
      %add3A_134 = arith.constant 4 : i32
      %add3A_135 = arith.addi %mul3A_83, %add3A_134 : i32
      %add3A_136 = arith.constant 2 : i32
      %add3A_137 = arith.addi %add3A_135, %add3A_136 : i32
      %dma_start3A_138 = arith.constant 0 : i32
      %dma_start3A_139 = tpu.memref_slice %arg6[%add3A_137, %dma_start3A_138] : memref<80x128xi32, #tpu.memory_space<vmem>> -> memref<1x128xi32, #tpu.memory_space<vmem>>
      %dma_start3A_140 = tpu.memref_squeeze %dma_start3A_139 : memref<1x128xi32, #tpu.memory_space<vmem>> -> memref<128xi32, #tpu.memory_space<vmem>>
      %dma_start3A_141 = arith.constant 0 : i32
      %dma_start3A_142 = arith.constant 0 : i32
      %dma_start3A_143 = tpu.memref_slice %arg2[%dma_start3A_141, %dma_start3A_142] : memref<10240x64xf32, #tpu.memory_space<hbm>> -> memref<10240x64xf32, #tpu.memory_space<hbm>>
      tpu.enqueue_indirect_dma source(%dma_start3A_143 : memref<10240x64xf32, #tpu.memory_space<hbm>>) target(%arg10 : memref<128x64xf32, #tpu.memory_space<vmem>>) offsets(%dma_start3A_140 : memref<128xi32, #tpu.memory_space<vmem>>) semaphore(%arg16 : memref<!tpu.dma_semaphore, #tpu.memory_space<semaphore_mem>>)
      %add3A_144 = arith.constant 3 : i32
      %add3A_145 = arith.addi %mul3A_83, %add3A_144 : i32
      %dma_wait3A_146 = arith.constant 0 : i32
      %dma_wait3A_147 = tpu.memref_slice %arg6[%add3A_145, %dma_wait3A_146] : memref<80x128xi32, #tpu.memory_space<vmem>> -> memref<1x128xi32, #tpu.memory_space<vmem>>
      %dma_wait3A_148 = tpu.memref_squeeze %dma_wait3A_147 : memref<1x128xi32, #tpu.memory_space<vmem>> -> memref<128xi32, #tpu.memory_space<vmem>>
      %dma_wait3A_149 = arith.constant 0 : i32
      %dma_wait3A_150 = arith.constant 0 : i32
      %dma_wait3A_151 = tpu.memref_slice %arg2[%dma_wait3A_149, %dma_wait3A_150] : memref<10240x64xf32, #tpu.memory_space<hbm>> -> memref<10240x64xf32, #tpu.memory_space<hbm>>
      tpu.wait_indirect_dma semaphore(%arg17 : memref<!tpu.dma_semaphore, #tpu.memory_space<semaphore_mem>>) src(%dma_wait3A_151 : memref<10240x64xf32, #tpu.memory_space<hbm>>) dst(%arg11 : memref<128x64xf32, #tpu.memory_space<vmem>>)
      %add3A_152 = arith.constant 3 : i32
      %add3A_153 = arith.addi %mul3A_83, %add3A_152 : i32
      "tpu.region"() ({
        %run_scoped3A_164 = tpu.sem_alloc : memref<!tpu.dma_semaphore, #tpu.memory_space<semaphore_mem>>
        %dma_start3A_165 = arith.constant 0 : i32
        %dma_start3A_166 = tpu.memref_slice %arg7[%add3A_153, %dma_start3A_165] : memref<80x128xi32, #tpu.memory_space<vmem>> -> memref<1x128xi32, #tpu.memory_space<vmem>>
        %dma_start3A_167 = tpu.memref_squeeze %dma_start3A_166 : memref<1x128xi32, #tpu.memory_space<vmem>> -> memref<128xi32, #tpu.memory_space<vmem>>
        %dma_start3A_168 = arith.constant 0 : i32
        %dma_start3A_169 = arith.constant 0 : i32
        %dma_start3A_170 = tpu.memref_slice %arg13[%dma_start3A_168, %dma_start3A_169] : memref<10240x64xf32, #tpu.memory_space<vmem_shared>> -> memref<10240x64xf32, #tpu.memory_space<vmem_shared>>
        tpu.enqueue_indirect_dma source(%arg11 : memref<128x64xf32, #tpu.memory_space<vmem>>) target(%dma_start3A_170 : memref<10240x64xf32, #tpu.memory_space<vmem_shared>>) offsets(%dma_start3A_167 : memref<128xi32, #tpu.memory_space<vmem>>) semaphore(%run_scoped3A_164 : memref<!tpu.dma_semaphore, #tpu.memory_space<semaphore_mem>>) {add = true}
        %dma_wait3A_171 = arith.constant 0 : i32
        %dma_wait3A_172 = tpu.memref_slice %arg7[%add3A_153, %dma_wait3A_171] : memref<80x128xi32, #tpu.memory_space<vmem>> -> memref<1x128xi32, #tpu.memory_space<vmem>>
        %dma_wait3A_173 = tpu.memref_squeeze %dma_wait3A_172 : memref<1x128xi32, #tpu.memory_space<vmem>> -> memref<128xi32, #tpu.memory_space<vmem>>
        %dma_wait3A_174 = arith.constant 0 : i32
        %dma_wait3A_175 = arith.constant 0 : i32
        %dma_wait3A_176 = tpu.memref_slice %arg13[%dma_wait3A_174, %dma_wait3A_175] : memref<10240x64xf32, #tpu.memory_space<vmem_shared>> -> memref<10240x64xf32, #tpu.memory_space<vmem_shared>>
        tpu.wait_indirect_dma semaphore(%run_scoped3A_164 : memref<!tpu.dma_semaphore, #tpu.memory_space<semaphore_mem>>) src(%arg11 : memref<128x64xf32, #tpu.memory_space<vmem>>) dst(%dma_wait3A_176 : memref<10240x64xf32, #tpu.memory_space<vmem_shared>>)
        tpu.yield
      }) : () -> ()
      %add3A_154 = arith.constant 4 : i32
      %add3A_155 = arith.addi %mul3A_83, %add3A_154 : i32
      %add3A_156 = arith.constant 3 : i32
      %add3A_157 = arith.addi %add3A_155, %add3A_156 : i32
      %dma_start3A_158 = arith.constant 0 : i32
      %dma_start3A_159 = tpu.memref_slice %arg6[%add3A_157, %dma_start3A_158] : memref<80x128xi32, #tpu.memory_space<vmem>> -> memref<1x128xi32, #tpu.memory_space<vmem>>
      %dma_start3A_160 = tpu.memref_squeeze %dma_start3A_159 : memref<1x128xi32, #tpu.memory_space<vmem>> -> memref<128xi32, #tpu.memory_space<vmem>>
      %dma_start3A_161 = arith.constant 0 : i32
      %dma_start3A_162 = arith.constant 0 : i32
      %dma_start3A_163 = tpu.memref_slice %arg2[%dma_start3A_161, %dma_start3A_162] : memref<10240x64xf32, #tpu.memory_space<hbm>> -> memref<10240x64xf32, #tpu.memory_space<hbm>>
      tpu.enqueue_indirect_dma source(%dma_start3A_163 : memref<10240x64xf32, #tpu.memory_space<hbm>>) target(%arg11 : memref<128x64xf32, #tpu.memory_space<vmem>>) offsets(%dma_start3A_160 : memref<128xi32, #tpu.memory_space<vmem>>) semaphore(%arg17 : memref<!tpu.dma_semaphore, #tpu.memory_space<semaphore_mem>>)
    }
    %scan3A_41 = arith.constant 19 : i32
    %dma_wait3A = arith.constant 76 : i32
    %dma_wait3A_42 = arith.constant 0 : i32
    %dma_wait3A_43 = tpu.memref_slice %arg6[%dma_wait3A, %dma_wait3A_42] : memref<80x128xi32, #tpu.memory_space<vmem>> -> memref<1x128xi32, #tpu.memory_space<vmem>>
    %dma_wait3A_44 = tpu.memref_squeeze %dma_wait3A_43 : memref<1x128xi32, #tpu.memory_space<vmem>> -> memref<128xi32, #tpu.memory_space<vmem>>
    %dma_wait3A_45 = arith.constant 0 : i32
    %dma_wait3A_46 = arith.constant 0 : i32
    %dma_wait3A_47 = tpu.memref_slice %arg2[%dma_wait3A_45, %dma_wait3A_46] : memref<10240x64xf32, #tpu.memory_space<hbm>> -> memref<10240x64xf32, #tpu.memory_space<hbm>>
    tpu.wait_indirect_dma semaphore(%arg14 : memref<!tpu.dma_semaphore, #tpu.memory_space<semaphore_mem>>) src(%dma_wait3A_47 : memref<10240x64xf32, #tpu.memory_space<hbm>>) dst(%arg8 : memref<128x64xf32, #tpu.memory_space<vmem>>)
    %run_scoped3A = arith.constant 76 : i32
    "tpu.region"() ({
      %run_scoped3A_77 = tpu.sem_alloc : memref<!tpu.dma_semaphore, #tpu.memory_space<semaphore_mem>>
      %dma_start3A_78 = arith.constant 0 : i32
      %dma_start3A_79 = tpu.memref_slice %arg7[%run_scoped3A, %dma_start3A_78] : memref<80x128xi32, #tpu.memory_space<vmem>> -> memref<1x128xi32, #tpu.memory_space<vmem>>
      %dma_start3A_80 = tpu.memref_squeeze %dma_start3A_79 : memref<1x128xi32, #tpu.memory_space<vmem>> -> memref<128xi32, #tpu.memory_space<vmem>>
      %dma_start3A_81 = arith.constant 0 : i32
      %dma_start3A_82 = arith.constant 0 : i32
      %dma_start3A_83 = tpu.memref_slice %arg13[%dma_start3A_81, %dma_start3A_82] : memref<10240x64xf32, #tpu.memory_space<vmem_shared>> -> memref<10240x64xf32, #tpu.memory_space<vmem_shared>>
      tpu.enqueue_indirect_dma source(%arg8 : memref<128x64xf32, #tpu.memory_space<vmem>>) target(%dma_start3A_83 : memref<10240x64xf32, #tpu.memory_space<vmem_shared>>) offsets(%dma_start3A_80 : memref<128xi32, #tpu.memory_space<vmem>>) semaphore(%run_scoped3A_77 : memref<!tpu.dma_semaphore, #tpu.memory_space<semaphore_mem>>) {add = true}
      %dma_wait3A_84 = arith.constant 0 : i32
      %dma_wait3A_85 = tpu.memref_slice %arg7[%run_scoped3A, %dma_wait3A_84] : memref<80x128xi32, #tpu.memory_space<vmem>> -> memref<1x128xi32, #tpu.memory_space<vmem>>
      %dma_wait3A_86 = tpu.memref_squeeze %dma_wait3A_85 : memref<1x128xi32, #tpu.memory_space<vmem>> -> memref<128xi32, #tpu.memory_space<vmem>>
      %dma_wait3A_87 = arith.constant 0 : i32
      %dma_wait3A_88 = arith.constant 0 : i32
      %dma_wait3A_89 = tpu.memref_slice %arg13[%dma_wait3A_87, %dma_wait3A_88] : memref<10240x64xf32, #tpu.memory_space<vmem_shared>> -> memref<10240x64xf32, #tpu.memory_space<vmem_shared>>
      tpu.wait_indirect_dma semaphore(%run_scoped3A_77 : memref<!tpu.dma_semaphore, #tpu.memory_space<semaphore_mem>>) src(%arg8 : memref<128x64xf32, #tpu.memory_space<vmem>>) dst(%dma_wait3A_89 : memref<10240x64xf32, #tpu.memory_space<vmem_shared>>)
      tpu.yield
    }) : () -> ()
    %dma_wait3A_48 = arith.constant 77 : i32
    %dma_wait3A_49 = arith.constant 0 : i32
    %dma_wait3A_50 = tpu.memref_slice %arg6[%dma_wait3A_48, %dma_wait3A_49] : memref<80x128xi32, #tpu.memory_space<vmem>> -> memref<1x128xi32, #tpu.memory_space<vmem>>
    %dma_wait3A_51 = tpu.memref_squeeze %dma_wait3A_50 : memref<1x128xi32, #tpu.memory_space<vmem>> -> memref<128xi32, #tpu.memory_space<vmem>>
    %dma_wait3A_52 = arith.constant 0 : i32
    %dma_wait3A_53 = arith.constant 0 : i32
    %dma_wait3A_54 = tpu.memref_slice %arg2[%dma_wait3A_52, %dma_wait3A_53] : memref<10240x64xf32, #tpu.memory_space<hbm>> -> memref<10240x64xf32, #tpu.memory_space<hbm>>
    tpu.wait_indirect_dma semaphore(%arg15 : memref<!tpu.dma_semaphore, #tpu.memory_space<semaphore_mem>>) src(%dma_wait3A_54 : memref<10240x64xf32, #tpu.memory_space<hbm>>) dst(%arg9 : memref<128x64xf32, #tpu.memory_space<vmem>>)
    %run_scoped3A_55 = arith.constant 77 : i32
    "tpu.region"() ({
      %run_scoped3A_77 = tpu.sem_alloc : memref<!tpu.dma_semaphore, #tpu.memory_space<semaphore_mem>>
      %dma_start3A_78 = arith.constant 0 : i32
      %dma_start3A_79 = tpu.memref_slice %arg7[%run_scoped3A_55, %dma_start3A_78] : memref<80x128xi32, #tpu.memory_space<vmem>> -> memref<1x128xi32, #tpu.memory_space<vmem>>
      %dma_start3A_80 = tpu.memref_squeeze %dma_start3A_79 : memref<1x128xi32, #tpu.memory_space<vmem>> -> memref<128xi32, #tpu.memory_space<vmem>>
      %dma_start3A_81 = arith.constant 0 : i32
      %dma_start3A_82 = arith.constant 0 : i32
      %dma_start3A_83 = tpu.memref_slice %arg13[%dma_start3A_81, %dma_start3A_82] : memref<10240x64xf32, #tpu.memory_space<vmem_shared>> -> memref<10240x64xf32, #tpu.memory_space<vmem_shared>>
      tpu.enqueue_indirect_dma source(%arg9 : memref<128x64xf32, #tpu.memory_space<vmem>>) target(%dma_start3A_83 : memref<10240x64xf32, #tpu.memory_space<vmem_shared>>) offsets(%dma_start3A_80 : memref<128xi32, #tpu.memory_space<vmem>>) semaphore(%run_scoped3A_77 : memref<!tpu.dma_semaphore, #tpu.memory_space<semaphore_mem>>) {add = true}
      %dma_wait3A_84 = arith.constant 0 : i32
      %dma_wait3A_85 = tpu.memref_slice %arg7[%run_scoped3A_55, %dma_wait3A_84] : memref<80x128xi32, #tpu.memory_space<vmem>> -> memref<1x128xi32, #tpu.memory_space<vmem>>
      %dma_wait3A_86 = tpu.memref_squeeze %dma_wait3A_85 : memref<1x128xi32, #tpu.memory_space<vmem>> -> memref<128xi32, #tpu.memory_space<vmem>>
      %dma_wait3A_87 = arith.constant 0 : i32
      %dma_wait3A_88 = arith.constant 0 : i32
      %dma_wait3A_89 = tpu.memref_slice %arg13[%dma_wait3A_87, %dma_wait3A_88] : memref<10240x64xf32, #tpu.memory_space<vmem_shared>> -> memref<10240x64xf32, #tpu.memory_space<vmem_shared>>
      tpu.wait_indirect_dma semaphore(%run_scoped3A_77 : memref<!tpu.dma_semaphore, #tpu.memory_space<semaphore_mem>>) src(%arg9 : memref<128x64xf32, #tpu.memory_space<vmem>>) dst(%dma_wait3A_89 : memref<10240x64xf32, #tpu.memory_space<vmem_shared>>)
      tpu.yield
    }) : () -> ()
    %dma_wait3A_56 = arith.constant 78 : i32
    %dma_wait3A_57 = arith.constant 0 : i32
    %dma_wait3A_58 = tpu.memref_slice %arg6[%dma_wait3A_56, %dma_wait3A_57] : memref<80x128xi32, #tpu.memory_space<vmem>> -> memref<1x128xi32, #tpu.memory_space<vmem>>
    %dma_wait3A_59 = tpu.memref_squeeze %dma_wait3A_58 : memref<1x128xi32, #tpu.memory_space<vmem>> -> memref<128xi32, #tpu.memory_space<vmem>>
    %dma_wait3A_60 = arith.constant 0 : i32
    %dma_wait3A_61 = arith.constant 0 : i32
    %dma_wait3A_62 = tpu.memref_slice %arg2[%dma_wait3A_60, %dma_wait3A_61] : memref<10240x64xf32, #tpu.memory_space<hbm>> -> memref<10240x64xf32, #tpu.memory_space<hbm>>
    tpu.wait_indirect_dma semaphore(%arg16 : memref<!tpu.dma_semaphore, #tpu.memory_space<semaphore_mem>>) src(%dma_wait3A_62 : memref<10240x64xf32, #tpu.memory_space<hbm>>) dst(%arg10 : memref<128x64xf32, #tpu.memory_space<vmem>>)
    %run_scoped3A_63 = arith.constant 78 : i32
    "tpu.region"() ({
      %run_scoped3A_77 = tpu.sem_alloc : memref<!tpu.dma_semaphore, #tpu.memory_space<semaphore_mem>>
      %dma_start3A_78 = arith.constant 0 : i32
      %dma_start3A_79 = tpu.memref_slice %arg7[%run_scoped3A_63, %dma_start3A_78] : memref<80x128xi32, #tpu.memory_space<vmem>> -> memref<1x128xi32, #tpu.memory_space<vmem>>
      %dma_start3A_80 = tpu.memref_squeeze %dma_start3A_79 : memref<1x128xi32, #tpu.memory_space<vmem>> -> memref<128xi32, #tpu.memory_space<vmem>>
      %dma_start3A_81 = arith.constant 0 : i32
      %dma_start3A_82 = arith.constant 0 : i32
      %dma_start3A_83 = tpu.memref_slice %arg13[%dma_start3A_81, %dma_start3A_82] : memref<10240x64xf32, #tpu.memory_space<vmem_shared>> -> memref<10240x64xf32, #tpu.memory_space<vmem_shared>>
      tpu.enqueue_indirect_dma source(%arg10 : memref<128x64xf32, #tpu.memory_space<vmem>>) target(%dma_start3A_83 : memref<10240x64xf32, #tpu.memory_space<vmem_shared>>) offsets(%dma_start3A_80 : memref<128xi32, #tpu.memory_space<vmem>>) semaphore(%run_scoped3A_77 : memref<!tpu.dma_semaphore, #tpu.memory_space<semaphore_mem>>) {add = true}
      %dma_wait3A_84 = arith.constant 0 : i32
      %dma_wait3A_85 = tpu.memref_slice %arg7[%run_scoped3A_63, %dma_wait3A_84] : memref<80x128xi32, #tpu.memory_space<vmem>> -> memref<1x128xi32, #tpu.memory_space<vmem>>
      %dma_wait3A_86 = tpu.memref_squeeze %dma_wait3A_85 : memref<1x128xi32, #tpu.memory_space<vmem>> -> memref<128xi32, #tpu.memory_space<vmem>>
      %dma_wait3A_87 = arith.constant 0 : i32
      %dma_wait3A_88 = arith.constant 0 : i32
      %dma_wait3A_89 = tpu.memref_slice %arg13[%dma_wait3A_87, %dma_wait3A_88] : memref<10240x64xf32, #tpu.memory_space<vmem_shared>> -> memref<10240x64xf32, #tpu.memory_space<vmem_shared>>
      tpu.wait_indirect_dma semaphore(%run_scoped3A_77 : memref<!tpu.dma_semaphore, #tpu.memory_space<semaphore_mem>>) src(%arg10 : memref<128x64xf32, #tpu.memory_space<vmem>>) dst(%dma_wait3A_89 : memref<10240x64xf32, #tpu.memory_space<vmem_shared>>)
      tpu.yield
    }) : () -> ()
    %dma_wait3A_64 = arith.constant 79 : i32
    %dma_wait3A_65 = arith.constant 0 : i32
    %dma_wait3A_66 = tpu.memref_slice %arg6[%dma_wait3A_64, %dma_wait3A_65] : memref<80x128xi32, #tpu.memory_space<vmem>> -> memref<1x128xi32, #tpu.memory_space<vmem>>
    %dma_wait3A_67 = tpu.memref_squeeze %dma_wait3A_66 : memref<1x128xi32, #tpu.memory_space<vmem>> -> memref<128xi32, #tpu.memory_space<vmem>>
    %dma_wait3A_68 = arith.constant 0 : i32
    %dma_wait3A_69 = arith.constant 0 : i32
    %dma_wait3A_70 = tpu.memref_slice %arg2[%dma_wait3A_68, %dma_wait3A_69] : memref<10240x64xf32, #tpu.memory_space<hbm>> -> memref<10240x64xf32, #tpu.memory_space<hbm>>
    tpu.wait_indirect_dma semaphore(%arg17 : memref<!tpu.dma_semaphore, #tpu.memory_space<semaphore_mem>>) src(%dma_wait3A_70 : memref<10240x64xf32, #tpu.memory_space<hbm>>) dst(%arg11 : memref<128x64xf32, #tpu.memory_space<vmem>>)
    %run_scoped3A_71 = arith.constant 79 : i32
    "tpu.region"() ({
      %run_scoped3A_77 = tpu.sem_alloc : memref<!tpu.dma_semaphore, #tpu.memory_space<semaphore_mem>>
      %dma_start3A_78 = arith.constant 0 : i32
      %dma_start3A_79 = tpu.memref_slice %arg7[%run_scoped3A_71, %dma_start3A_78] : memref<80x128xi32, #tpu.memory_space<vmem>> -> memref<1x128xi32, #tpu.memory_space<vmem>>
      %dma_start3A_80 = tpu.memref_squeeze %dma_start3A_79 : memref<1x128xi32, #tpu.memory_space<vmem>> -> memref<128xi32, #tpu.memory_space<vmem>>
      %dma_start3A_81 = arith.constant 0 : i32
      %dma_start3A_82 = arith.constant 0 : i32
      %dma_start3A_83 = tpu.memref_slice %arg13[%dma_start3A_81, %dma_start3A_82] : memref<10240x64xf32, #tpu.memory_space<vmem_shared>> -> memref<10240x64xf32, #tpu.memory_space<vmem_shared>>
      tpu.enqueue_indirect_dma source(%arg11 : memref<128x64xf32, #tpu.memory_space<vmem>>) target(%dma_start3A_83 : memref<10240x64xf32, #tpu.memory_space<vmem_shared>>) offsets(%dma_start3A_80 : memref<128xi32, #tpu.memory_space<vmem>>) semaphore(%run_scoped3A_77 : memref<!tpu.dma_semaphore, #tpu.memory_space<semaphore_mem>>) {add = true}
      %dma_wait3A_84 = arith.constant 0 : i32
      %dma_wait3A_85 = tpu.memref_slice %arg7[%run_scoped3A_71, %dma_wait3A_84] : memref<80x128xi32, #tpu.memory_space<vmem>> -> memref<1x128xi32, #tpu.memory_space<vmem>>
      %dma_wait3A_86 = tpu.memref_squeeze %dma_wait3A_85 : memref<1x128xi32, #tpu.memory_space<vmem>> -> memref<128xi32, #tpu.memory_space<vmem>>
      %dma_wait3A_87 = arith.constant 0 : i32
      %dma_wait3A_88 = arith.constant 0 : i32
      %dma_wait3A_89 = tpu.memref_slice %arg13[%dma_wait3A_87, %dma_wait3A_88] : memref<10240x64xf32, #tpu.memory_space<vmem_shared>> -> memref<10240x64xf32, #tpu.memory_space<vmem_shared>>
      tpu.wait_indirect_dma semaphore(%run_scoped3A_77 : memref<!tpu.dma_semaphore, #tpu.memory_space<semaphore_mem>>) src(%arg11 : memref<128x64xf32, #tpu.memory_space<vmem>>) dst(%dma_wait3A_89 : memref<10240x64xf32, #tpu.memory_space<vmem_shared>>)
      tpu.yield
    }) : () -> ()
    %barrier3A_72 = arith.constant 0 : index
    tpu.barrier barrier_id(%barrier3A_72)
    %mul3A_73 = arith.constant 640 : i32
    %mul3A_74 = arith.muli %arg1, %mul3A_73 : i32
    %mul3A_75 = arith.constant 640 : i32
    %mul3A_76 = arith.muli %arg1, %mul3A_75 : i32
    "tpu.region"() ({
      %run_scoped3A_77 = tpu.sem_alloc : memref<!tpu.dma_semaphore, #tpu.memory_space<semaphore_mem>>
      %dma_start3A_78 = arith.constant 0 : i32
      %dma_start3A_79 = arith.constant 0 : i32
      %dma_start3A_80 = tpu.memref_slice %arg5[%arg0, %dma_start3A_78, %dma_start3A_79] : memref<2x10240x64xf32, #tpu.memory_space<hbm>> -> memref<1x10240x64xf32, #tpu.memory_space<hbm>>
      %dma_start3A_81 = tpu.memref_squeeze %dma_start3A_80 : memref<1x10240x64xf32, #tpu.memory_space<hbm>> -> memref<10240x64xf32, #tpu.memory_space<hbm>>
      %dma_start3A_82 = arith.constant 0 : i32
      %dma_start3A_83 = tpu.memref_slice %dma_start3A_81[%mul3A_76, %dma_start3A_82] : memref<10240x64xf32, #tpu.memory_space<hbm>> -> memref<640x64xf32, #tpu.memory_space<hbm>>
      %dma_start3A_84 = arith.constant 0 : i32
      %dma_start3A_85 = tpu.memref_slice %arg13[%mul3A_74, %dma_start3A_84] : memref<10240x64xf32, #tpu.memory_space<vmem_shared>> -> memref<640x64xf32, #tpu.memory_space<vmem_shared>>
      tpu.enqueue_dma source(%dma_start3A_85 : memref<640x64xf32, #tpu.memory_space<vmem_shared>>) target(%dma_start3A_83 : memref<640x64xf32, #tpu.memory_space<hbm>>) target_semaphore(%run_scoped3A_77 : memref<!tpu.dma_semaphore, #tpu.memory_space<semaphore_mem>>)
      %dma_wait3A_86 = arith.constant 0 : i32
      %dma_wait3A_87 = arith.constant 0 : i32
      %dma_wait3A_88 = tpu.memref_slice %arg5[%arg0, %dma_wait3A_86, %dma_wait3A_87] : memref<2x10240x64xf32, #tpu.memory_space<hbm>> -> memref<1x10240x64xf32, #tpu.memory_space<hbm>>
      %dma_wait3A_89 = tpu.memref_squeeze %dma_wait3A_88 : memref<1x10240x64xf32, #tpu.memory_space<hbm>> -> memref<10240x64xf32, #tpu.memory_space<hbm>>
      %dma_wait3A_90 = arith.constant 0 : i32
      %dma_wait3A_91 = tpu.memref_slice %dma_wait3A_89[%mul3A_76, %dma_wait3A_90] : memref<10240x64xf32, #tpu.memory_space<hbm>> -> memref<640x64xf32, #tpu.memory_space<hbm>>
      %dma_wait3A_92 = arith.constant 0 : i32
      %dma_wait3A_93 = tpu.memref_slice %arg13[%mul3A_74, %dma_wait3A_92] : memref<10240x64xf32, #tpu.memory_space<vmem_shared>> -> memref<640x64xf32, #tpu.memory_space<vmem_shared>>
      tpu.wait_dma2 semaphore(%run_scoped3A_77 : memref<!tpu.dma_semaphore, #tpu.memory_space<semaphore_mem>>) src(%dma_wait3A_93 : memref<640x64xf32, #tpu.memory_space<vmem_shared>>) dst(%dma_wait3A_91 : memref<640x64xf32, #tpu.memory_space<hbm>>)
      tpu.yield
    }) : () -> ()
    return
  }
}

module attributes {stable_mosaic.version = 14 : i64} {
  func.func @_tc1_body(%arg0: i32, %arg1: memref<512x256xf32, #tpu.memory_space<vmem>>, %arg2: memref<2x512x128xf32, #tpu.memory_space<vmem>>, %arg3: memref<256x128xf32, #tpu.memory_space<vmem>>, %arg4: memref<512x128xf32, #tpu.memory_space<vmem>>) attributes {dimension_semantics = [#tpu.dimension_semantics<arbitrary>], iteration_bounds = array<i64: 10>, scalar_prefetch = 0 : i64, scratch_operands = 0 : i64, tpu.core_type = #tpu.core_type<tc>, window_params = [{transform_indices = @transform_0, window_bounds = array<i64: 512, 256>}, {transform_indices = @transform_1, window_bounds = array<i64: 2, 512, 128>}, {pipeline_mode = #tpu.pipeline_mode<synchronous>, transform_indices = @transform_2, window_bounds = array<i64: 256, 128>}, {transform_indices = @transform_3, window_bounds = array<i64: 512, 128>}]} {
    %get3A = arith.constant 0 : index
    %get3A_0 = arith.constant 0 : index
    %get3A_1 = vector.load %arg1[%get3A, %get3A_0] : memref<512x256xf32, #tpu.memory_space<vmem>>, vector<512x256xf32>
    %get3A_2 = arith.constant 0 : index
    %get3A_3 = arith.constant 0 : index
    %get3A_4 = vector.load %arg3[%get3A_2, %get3A_3] : memref<256x128xf32, #tpu.memory_space<vmem>>, vector<256x128xf32>
    %dot_general3A = arith.constant dense<0.000000e+00> : vector<512x128xf32>
    %dot_general3A_5 = tpu.matmul %get3A_1, %get3A_4, %dot_general3A {dimension_numbers = #tpu.dot_dimension_numbers<[1], [0], [0], [1], [0, 0, 1, 1], [], []>, transpose_lhs_hint = false} : vector<512x256xf32>, vector<256x128xf32>, vector<512x128xf32> -> vector<512x128xf32>
    %get3A_6 = arith.constant 0 : index
    %get3A_7 = arith.constant 0 : index
    %get3A_8 = arith.constant 0 : index
    %get3A_9 = vector.load %arg2[%get3A_6, %get3A_7, %get3A_8] : memref<2x512x128xf32, #tpu.memory_space<vmem>>, vector<1x512x128xf32>
    %get3A_10 = vector.shape_cast %get3A_9 : vector<1x512x128xf32> to vector<512x128xf32>
    %get3A_11 = arith.constant 1 : index
    %get3A_12 = arith.constant 0 : index
    %get3A_13 = arith.constant 0 : index
    %get3A_14 = vector.load %arg2[%get3A_11, %get3A_12, %get3A_13] : memref<2x512x128xf32, #tpu.memory_space<vmem>>, vector<1x512x128xf32>
    %get3A_15 = vector.shape_cast %get3A_14 : vector<1x512x128xf32> to vector<512x128xf32>
    %add3A = arith.addf %get3A_10, %get3A_15 : vector<512x128xf32>
    %add3A_16 = arith.constant 1.000000e+00 : f32
    %add3A_17 = vector.broadcast %add3A_16 : f32 to vector<512x128xf32>
    %add3A_18 = arith.addf %add3A, %add3A_17 : vector<512x128xf32>
    %rsqrt3A = math.rsqrt %add3A_18 : vector<512x128xf32>
    %mul3A = arith.mulf %dot_general3A_5, %rsqrt3A : vector<512x128xf32>
    %swap3A = arith.constant 0 : index
    %swap3A_19 = arith.constant 0 : index
    %swap3A_20 = vector.load %arg4[%swap3A, %swap3A_19] : memref<512x128xf32, #tpu.memory_space<vmem>>, vector<512x128xf32>
    tpu.vector_store %arg4[%swap3A, %swap3A_19], %mul3A {strides = array<i32>} : memref<512x128xf32, #tpu.memory_space<vmem>>, vector<512x128xf32>,
    return
  }
  func.func @transform_0(%arg0: i32) -> (i32, i32) {
    %c0_i32 = arith.constant 0 : i32
    %c0_i32_0 = arith.constant 0 : i32
    return %arg0, %c0_i32 : i32, i32
  }
  func.func @transform_1(%arg0: i32) -> (i32, i32, i32) {
    %c0_i32 = arith.constant 0 : i32
    %c0_i32_0 = arith.constant 0 : i32
    %c0_i32_1 = arith.constant 0 : i32
    return %c0_i32, %arg0, %c0_i32_0 : i32, i32, i32
  }
  func.func @transform_2(%arg0: i32) -> (i32, i32) {
    %c0_i32 = arith.constant 0 : i32
    %c0_i32_0 = arith.constant 0 : i32
    %c0_i32_1 = arith.constant 0 : i32
    return %c0_i32, %c0_i32_0 : i32, i32
  }
  func.func @transform_3(%arg0: i32) -> (i32, i32) {
    %c0_i32 = arith.constant 0 : i32
    %c0_i32_0 = arith.constant 0 : i32
    return %arg0, %c0_i32 : i32, i32
  }
}

module attributes {stable_mosaic.version = 14 : i64} {
  func.func @_mid_body(%arg0: i32, %arg1: memref<2x512x128xf32, #tpu.memory_space<vmem>>, %arg2: memref<512x128xf32, #tpu.memory_space<vmem>>, %arg3: memref<2x512x128xf32, #tpu.memory_space<vmem>>, %arg4: memref<1x128xf32, #tpu.memory_space<vmem>>, %arg5: memref<128x128xf32, #tpu.memory_space<vmem>>, %arg6: memref<512x128xf32, #tpu.memory_space<vmem>>) attributes {dimension_semantics = [#tpu.dimension_semantics<arbitrary>], iteration_bounds = array<i64: 10>, scalar_prefetch = 0 : i64, scratch_operands = 0 : i64, tpu.core_type = #tpu.core_type<tc>, window_params = [{transform_indices = @transform_0, window_bounds = array<i64: 2, 512, 128>}, {transform_indices = @transform_1, window_bounds = array<i64: 512, 128>}, {transform_indices = @transform_2, window_bounds = array<i64: 2, 512, 128>}, {pipeline_mode = #tpu.pipeline_mode<synchronous>, transform_indices = @transform_3, window_bounds = array<i64: 1, 128>}, {pipeline_mode = #tpu.pipeline_mode<synchronous>, transform_indices = @transform_4, window_bounds = array<i64: 128, 128>}, {transform_indices = @transform_5, window_bounds = array<i64: 512, 128>}]} {
    %get3A = arith.constant 0 : index
    %get3A_0 = arith.constant 0 : index
    %get3A_1 = arith.constant 0 : index
    %get3A_2 = vector.load %arg3[%get3A, %get3A_0, %get3A_1] : memref<2x512x128xf32, #tpu.memory_space<vmem>>, vector<1x512x128xf32>
    %get3A_3 = vector.shape_cast %get3A_2 : vector<1x512x128xf32> to vector<512x128xf32>
    %get3A_4 = arith.constant 1 : index
    %get3A_5 = arith.constant 0 : index
    %get3A_6 = arith.constant 0 : index
    %get3A_7 = vector.load %arg3[%get3A_4, %get3A_5, %get3A_6] : memref<2x512x128xf32, #tpu.memory_space<vmem>>, vector<1x512x128xf32>
    %get3A_8 = vector.shape_cast %get3A_7 : vector<1x512x128xf32> to vector<512x128xf32>
    %add3A = arith.addf %get3A_3, %get3A_8 : vector<512x128xf32>
    %add3A_9 = arith.constant 1.000000e+00 : f32
    %add3A_10 = vector.broadcast %add3A_9 : f32 to vector<512x128xf32>
    %add3A_11 = arith.addf %add3A, %add3A_10 : vector<512x128xf32>
    %rsqrt3A = math.rsqrt %add3A_11 : vector<512x128xf32>
    %get3A_12 = arith.constant 0 : index
    %get3A_13 = arith.constant 0 : index
    %get3A_14 = arith.constant 0 : index
    %get3A_15 = vector.load %arg1[%get3A_12, %get3A_13, %get3A_14] : memref<2x512x128xf32, #tpu.memory_space<vmem>>, vector<1x512x128xf32>
    %get3A_16 = vector.shape_cast %get3A_15 : vector<1x512x128xf32> to vector<512x128xf32>
    %get3A_17 = arith.constant 1 : index
    %get3A_18 = arith.constant 0 : index
    %get3A_19 = arith.constant 0 : index
    %get3A_20 = vector.load %arg1[%get3A_17, %get3A_18, %get3A_19] : memref<2x512x128xf32, #tpu.memory_space<vmem>>, vector<1x512x128xf32>
    %get3A_21 = vector.shape_cast %get3A_20 : vector<1x512x128xf32> to vector<512x128xf32>
    %add3A_22 = arith.addf %get3A_16, %get3A_21 : vector<512x128xf32>
    %get3A_23 = arith.constant 0 : index
    %get3A_24 = arith.constant 0 : index
    %get3A_25 = vector.load %arg2[%get3A_23, %get3A_24] : memref<512x128xf32, #tpu.memory_space<vmem>>, vector<512x128xf32>
    %add3A_26 = arith.addf %add3A_22, %get3A_25 : vector<512x128xf32>
    %mul3A = arith.mulf %rsqrt3A, %add3A_26 : vector<512x128xf32>
    %get3A_27 = arith.constant 0 : index
    %get3A_28 = arith.constant 0 : index
    %get3A_29 = vector.load %arg4[%get3A_27, %get3A_28] : memref<1x128xf32, #tpu.memory_space<vmem>>, vector<1x128xf32>
    %add3A_30 = vector.broadcast %get3A_29 : vector<1x128xf32> to vector<512x128xf32>
    %add3A_31 = arith.addf %mul3A, %add3A_30 : vector<512x128xf32>
    %max3A = arith.constant 0.000000e+00 : f32
    %max3A_32 = vector.broadcast %max3A : f32 to vector<512x128xf32>
    %max3A_33 = arith.maximumf %add3A_31, %max3A_32 : vector<512x128xf32>
    %get3A_34 = arith.constant 0 : index
    %get3A_35 = arith.constant 0 : index
    %get3A_36 = vector.load %arg5[%get3A_34, %get3A_35] : memref<128x128xf32, #tpu.memory_space<vmem>>, vector<128x128xf32>
    %dot_general3A = arith.constant dense<0.000000e+00> : vector<512x128xf32>
    %dot_general3A_37 = tpu.matmul %max3A_33, %get3A_36, %dot_general3A {dimension_numbers = #tpu.dot_dimension_numbers<[1], [0], [0], [1], [0, 0, 1, 1], [], []>, transpose_lhs_hint = false} : vector<512x128xf32>, vector<128x128xf32>, vector<512x128xf32> -> vector<512x128xf32>
    %mul3A_38 = arith.mulf %dot_general3A_37, %rsqrt3A : vector<512x128xf32>
    %swap3A = arith.constant 0 : index
    %swap3A_39 = arith.constant 0 : index
    %swap3A_40 = vector.load %arg6[%swap3A, %swap3A_39] : memref<512x128xf32, #tpu.memory_space<vmem>>, vector<512x128xf32>
    tpu.vector_store %arg6[%swap3A, %swap3A_39], %mul3A_38 {strides = array<i32>} : memref<512x128xf32, #tpu.memory_space<vmem>>, vector<512x128xf32>,
    return
  }
  func.func @transform_0(%arg0: i32) -> (i32, i32, i32) {
    %c0_i32 = arith.constant 0 : i32
    %c0_i32_0 = arith.constant 0 : i32
    %c0_i32_1 = arith.constant 0 : i32
    return %c0_i32, %arg0, %c0_i32_0 : i32, i32, i32
  }
  func.func @transform_1(%arg0: i32) -> (i32, i32) {
    %c0_i32 = arith.constant 0 : i32
    %c0_i32_0 = arith.constant 0 : i32
    return %arg0, %c0_i32 : i32, i32
  }
  func.func @transform_2(%arg0: i32) -> (i32, i32, i32) {
    %c0_i32 = arith.constant 0 : i32
    %c0_i32_0 = arith.constant 0 : i32
    %c0_i32_1 = arith.constant 0 : i32
    return %c0_i32, %arg0, %c0_i32_0 : i32, i32, i32
  }
  func.func @transform_3(%arg0: i32) -> (i32, i32) {
    %c0_i32 = arith.constant 0 : i32
    %c0_i32_0 = arith.constant 0 : i32
    %c0_i32_1 = arith.constant 0 : i32
    return %c0_i32, %c0_i32_0 : i32, i32
  }
  func.func @transform_4(%arg0: i32) -> (i32, i32) {
    %c0_i32 = arith.constant 0 : i32
    %c0_i32_0 = arith.constant 0 : i32
    %c0_i32_1 = arith.constant 0 : i32
    return %c0_i32, %c0_i32_0 : i32, i32
  }
  func.func @transform_5(%arg0: i32) -> (i32, i32) {
    %c0_i32 = arith.constant 0 : i32
    %c0_i32_0 = arith.constant 0 : i32
    return %arg0, %c0_i32 : i32, i32
  }
}

module attributes {stable_mosaic.version = 14 : i64} {
  func.func @_fin_body(%arg0: i32, %arg1: memref<2x512x128xf32, #tpu.memory_space<vmem>>, %arg2: memref<512x128xf32, #tpu.memory_space<vmem>>, %arg3: memref<2x512x128xf32, #tpu.memory_space<vmem>>, %arg4: memref<1x128xf32, #tpu.memory_space<vmem>>, %arg5: memref<512x128xf32, #tpu.memory_space<vmem>>) attributes {dimension_semantics = [#tpu.dimension_semantics<arbitrary>], iteration_bounds = array<i64: 10>, scalar_prefetch = 0 : i64, scratch_operands = 0 : i64, tpu.core_type = #tpu.core_type<tc>, window_params = [{transform_indices = @transform_0, window_bounds = array<i64: 2, 512, 128>}, {transform_indices = @transform_1, window_bounds = array<i64: 512, 128>}, {transform_indices = @transform_2, window_bounds = array<i64: 2, 512, 128>}, {pipeline_mode = #tpu.pipeline_mode<synchronous>, transform_indices = @transform_3, window_bounds = array<i64: 1, 128>}, {transform_indices = @transform_4, window_bounds = array<i64: 512, 128>}]} {
    %get3A = arith.constant 0 : index
    %get3A_0 = arith.constant 0 : index
    %get3A_1 = arith.constant 0 : index
    %get3A_2 = vector.load %arg3[%get3A, %get3A_0, %get3A_1] : memref<2x512x128xf32, #tpu.memory_space<vmem>>, vector<1x512x128xf32>
    %get3A_3 = vector.shape_cast %get3A_2 : vector<1x512x128xf32> to vector<512x128xf32>
    %get3A_4 = arith.constant 1 : index
    %get3A_5 = arith.constant 0 : index
    %get3A_6 = arith.constant 0 : index
    %get3A_7 = vector.load %arg3[%get3A_4, %get3A_5, %get3A_6] : memref<2x512x128xf32, #tpu.memory_space<vmem>>, vector<1x512x128xf32>
    %get3A_8 = vector.shape_cast %get3A_7 : vector<1x512x128xf32> to vector<512x128xf32>
    %add3A = arith.addf %get3A_3, %get3A_8 : vector<512x128xf32>
    %add3A_9 = arith.constant 1.000000e+00 : f32
    %add3A_10 = vector.broadcast %add3A_9 : f32 to vector<512x128xf32>
    %add3A_11 = arith.addf %add3A, %add3A_10 : vector<512x128xf32>
    %rsqrt3A = math.rsqrt %add3A_11 : vector<512x128xf32>
    %get3A_12 = arith.constant 0 : index
    %get3A_13 = arith.constant 0 : index
    %get3A_14 = arith.constant 0 : index
    %get3A_15 = vector.load %arg1[%get3A_12, %get3A_13, %get3A_14] : memref<2x512x128xf32, #tpu.memory_space<vmem>>, vector<1x512x128xf32>
    %get3A_16 = vector.shape_cast %get3A_15 : vector<1x512x128xf32> to vector<512x128xf32>
    %get3A_17 = arith.constant 1 : index
    %get3A_18 = arith.constant 0 : index
    %get3A_19 = arith.constant 0 : index
    %get3A_20 = vector.load %arg1[%get3A_17, %get3A_18, %get3A_19] : memref<2x512x128xf32, #tpu.memory_space<vmem>>, vector<1x512x128xf32>
    %get3A_21 = vector.shape_cast %get3A_20 : vector<1x512x128xf32> to vector<512x128xf32>
    %add3A_22 = arith.addf %get3A_16, %get3A_21 : vector<512x128xf32>
    %get3A_23 = arith.constant 0 : index
    %get3A_24 = arith.constant 0 : index
    %get3A_25 = vector.load %arg2[%get3A_23, %get3A_24] : memref<512x128xf32, #tpu.memory_space<vmem>>, vector<512x128xf32>
    %add3A_26 = arith.addf %add3A_22, %get3A_25 : vector<512x128xf32>
    %mul3A = arith.mulf %rsqrt3A, %add3A_26 : vector<512x128xf32>
    %get3A_27 = arith.constant 0 : index
    %get3A_28 = arith.constant 0 : index
    %get3A_29 = vector.load %arg4[%get3A_27, %get3A_28] : memref<1x128xf32, #tpu.memory_space<vmem>>, vector<1x128xf32>
    %add3A_30 = vector.broadcast %get3A_29 : vector<1x128xf32> to vector<512x128xf32>
    %add3A_31 = arith.addf %mul3A, %add3A_30 : vector<512x128xf32>
    %iota3A = tpu.iota {dimensions = array<i32: 1>} : vector<512x128xi32>
    %jit3A = arith.constant 64 : i32
    %eq3A = arith.constant 0 : i32
    %eq3A_32 = arith.cmpi eq, %jit3A, %eq3A : i32
    %jit3A_33 = arith.constant 1 : i32
    %select_n3A = arith.select %eq3A_32, %jit3A_33, %jit3A : i32
    %rem3A = vector.broadcast %select_n3A : i32 to vector<512x128xi32>
    %rem3A_34 = arith.remsi %iota3A, %rem3A : vector<512x128xi32>
    %ne3A = arith.constant 0 : i32
    %ne3A_35 = vector.broadcast %ne3A : i32 to vector<512x128xi32>
    %ne3A_36 = arith.cmpi ne, %rem3A_34, %ne3A_35 : vector<512x128xi32>
    %lt3A = arith.constant 0 : i32
    %lt3A_37 = vector.broadcast %lt3A : i32 to vector<512x128xi32>
    %lt3A_38 = arith.cmpi slt, %rem3A_34, %lt3A_37 : vector<512x128xi32>
    %lt3A_39 = arith.constant 0 : i32
    %lt3A_40 = arith.cmpi slt, %select_n3A, %lt3A_39 : i32
    %ne3A_41 = vector.broadcast %lt3A_40 : i1 to vector<512x128xi1>
    %ne3A_42 = vector.broadcast %ne3A_41 : vector<512x128xi1> to vector<512x128xi1>
    %ne3A_43 = arith.xori %lt3A_38, %ne3A_42 : vector<512x128xi1>
    %and3A = arith.andi %ne3A_43, %ne3A_36 : vector<512x128xi1>
    %add3A_44 = vector.broadcast %select_n3A : i32 to vector<512x128xi32>
    %add3A_45 = arith.addi %rem3A_34, %add3A_44 : vector<512x128xi32>
    %select_n3A_46 = arith.select %and3A, %add3A_45, %rem3A_34 : vector<512x128xi1>, vector<512x128xi32>
    %lt3A_47 = arith.constant 40 : i32
    %lt3A_48 = vector.broadcast %lt3A_47 : i32 to vector<512x128xi32>
    %lt3A_49 = arith.cmpi slt, %select_n3A_46, %lt3A_48 : vector<512x128xi32>
    %jit3A_50 = arith.constant -1.000000e+30 : f32
    %broadcast_in_dim3A = vector.broadcast %jit3A_50 : f32 to vector<512x128xf32>
    %select_n3A_51 = arith.select %lt3A_49, %add3A_31, %broadcast_in_dim3A : vector<512x128xi1>, vector<512x128xf32>
    %slice3A = vector.extract_strided_slice %select_n3A_51 {offsets = [0, 0], sizes = [512, 64], strides = [1, 1]} : vector<512x128xf32> to vector<512x64xf32>
    %slice3A_52 = vector.extract_strided_slice %select_n3A_51 {offsets = [0, 64], sizes = [512, 64], strides = [1, 1]} : vector<512x128xf32> to vector<512x64xf32>
    %reduce_max3A = arith.constant dense<0xFF800000> : vector<512xf32>
    %reduce_max3A_53 = vector.multi_reduction <maximumf>, %slice3A, %reduce_max3A [1] : vector<512x64xf32> to vector<512xf32>
    %broadcast_in_dim3A_54 = vector.shape_cast %reduce_max3A_53 : vector<512xf32> to vector<512x1xf32>
    %reduce_max3A_55 = arith.constant dense<0xFF800000> : vector<512xf32>
    %reduce_max3A_56 = vector.multi_reduction <maximumf>, %slice3A_52, %reduce_max3A_55 [1] : vector<512x64xf32> to vector<512xf32>
    %broadcast_in_dim3A_57 = vector.shape_cast %reduce_max3A_56 : vector<512xf32> to vector<512x1xf32>
    %sub3A = vector.broadcast %broadcast_in_dim3A_54 : vector<512x1xf32> to vector<512x64xf32>
    %sub3A_58 = arith.subf %slice3A, %sub3A : vector<512x64xf32>
    %exp3A = math.exp %sub3A_58 : vector<512x64xf32>
    %sub3A_59 = vector.broadcast %broadcast_in_dim3A_57 : vector<512x1xf32> to vector<512x64xf32>
    %sub3A_60 = arith.subf %slice3A_52, %sub3A_59 : vector<512x64xf32>
    %exp3A_61 = math.exp %sub3A_60 : vector<512x64xf32>
    %reduce_sum3A = arith.constant dense<0.000000e+00> : vector<512xf32>
    %reduce_sum3A_62 = vector.multi_reduction <add>, %exp3A, %reduce_sum3A [1] : vector<512x64xf32> to vector<512xf32>
    %broadcast_in_dim3A_63 = vector.shape_cast %reduce_sum3A_62 : vector<512xf32> to vector<512x1xf32>
    %div3A = vector.broadcast %broadcast_in_dim3A_63 : vector<512x1xf32> to vector<512x64xf32>
    %div3A_64 = arith.divf %exp3A, %div3A : vector<512x64xf32>
    %reduce_sum3A_65 = arith.constant dense<0.000000e+00> : vector<512xf32>
    %reduce_sum3A_66 = vector.multi_reduction <add>, %exp3A_61, %reduce_sum3A_65 [1] : vector<512x64xf32> to vector<512xf32>
    %broadcast_in_dim3A_67 = vector.shape_cast %reduce_sum3A_66 : vector<512xf32> to vector<512x1xf32>
    %div3A_68 = vector.broadcast %broadcast_in_dim3A_67 : vector<512x1xf32> to vector<512x64xf32>
    %div3A_69 = arith.divf %exp3A_61, %div3A_68 : vector<512x64xf32>
    %concatenate3A = tpu.concatenate %div3A_64, %div3A_69 in 1 : vector<512x64xf32>, vector<512x64xf32> -> vector<512x128xf32>
    %swap3A = arith.constant 0 : index
    %swap3A_70 = arith.constant 0 : index
    %swap3A_71 = vector.load %arg5[%swap3A, %swap3A_70] : memref<512x128xf32, #tpu.memory_space<vmem>>, vector<512x128xf32>
    tpu.vector_store %arg5[%swap3A, %swap3A_70], %concatenate3A {strides = array<i32>} : memref<512x128xf32, #tpu.memory_space<vmem>>, vector<512x128xf32>,
    return
  }
  func.func @transform_0(%arg0: i32) -> (i32, i32, i32) {
    %c0_i32 = arith.constant 0 : i32
    %c0_i32_0 = arith.constant 0 : i32
    %c0_i32_1 = arith.constant 0 : i32
    return %c0_i32, %arg0, %c0_i32_0 : i32, i32, i32
  }
  func.func @transform_1(%arg0: i32) -> (i32, i32) {
    %c0_i32 = arith.constant 0 : i32
    %c0_i32_0 = arith.constant 0 : i32
    return %arg0, %c0_i32 : i32, i32
  }
  func.func @transform_2(%arg0: i32) -> (i32, i32, i32) {
    %c0_i32 = arith.constant 0 : i32
    %c0_i32_0 = arith.constant 0 : i32
    %c0_i32_1 = arith.constant 0 : i32
    return %c0_i32, %arg0, %c0_i32_0 : i32, i32, i32
  }
  func.func @transform_3(%arg0: i32) -> (i32, i32) {
    %c0_i32 = arith.constant 0 : i32
    %c0_i32_0 = arith.constant 0 : i32
    %c0_i32_1 = arith.constant 0 : i32
    return %c0_i32, %c0_i32_0 : i32, i32
  }
  func.func @transform_4(%arg0: i32) -> (i32, i32) {
    %c0_i32 = arith.constant 0 : i32
    %c0_i32_0 = arith.constant 0 : i32
    return %arg0, %c0_i32 : i32, i32
  }
}

</mosaic_0001>

<sc_bundles>
// kernel: kernel.10.cloned.1.call-start
scs
__scs_entry_jumppad:
0x0: {  	(pc) =	sbr.rel $0x88, $3  }
0x1: {  	(tag) =	ssettag $0x0;
	lr =	simm.s32 $0x1  }
0x2: {  	[smem:$0x3F99] =	sst lr;
	_ =	strace $0xD0000000  }
0x3: {  	_ = 	snop  }
0x4: {  	_ = 	snop  }
0x5: {  	_ = 	snop  }
0x6: {  	_ = 	snop  }
0x7: {  	_ = 	snop  }
__scs_overlays_trampoline_lowered:
0x8: {  	[smem:$0x3FA8] =	sst s0  }
0x9: {  	[smem:$0x3FA9] =	sst s1  }
0xa: {  	[smem:$0x3FAA] =	sst s2  }
0xb: {  	[smem:$0x3FAB] =	sst s3  }
0xc: {  	[smem:$0x3FAC] =	sst s4  }
0xd: {  	[smem:$0x3FAD] =	sst s5  }
0xe: {  	[smem:$0x3FAE] =	sst s6  }
0xf: {  	[smem:$0x3FAF] =	sst s7  }
0x10: {  	[smem:$0x3FB0] =	sst s8  }
0x11: {  	[smem:$0x3FB1] =	sst s9;
	s0 =	simm.s32 @!p0 $0x0  }
0x12: {  	s1 =	sld [smem:$0x3F97];
	s0 =	simm.s32 @p0 $0x1  }
0x13: {  	[smem:$0x3FB2] =	sst s0;
	s0 =	simm.s32 @!p1 $0x0  }
0x14: {  	s2 =	sld [smem:$0x3F96];
	s0 =	simm.s32 @p1 $0x1  }
0x15: {  	[smem:$0x3FB3] =	sst s0;
	s0 =	simm.s32 @!p2 $0x0  }
0x16: {  	s3 =	sld [smem:$0x3FDB];
	s0 =	simm.s32 @p2 $0x1  }
0x17: {  	s4 =	simm.s32 $0x1BF5;
	[smem:$0x3FB5] =	sst s0  }
0x18: {  	s0 =	sld [smem:$0x3F98];
	_ =	swait.ge [sflag:s4], $0x0  }
0x19: {  	s7 =	sld [smem:$0x3F99]  }
0x1a: {  	s8 =	sadd.s32 $0xFFFFE003, lr  }
0x1b: {  	s9 =	sadd.s32 $0xFFFFFEF7, lr;
	s5 =	simm.s32 $0xFFFFFFFF;
	p2 =	slt.u32 s8, $0xFFFFF086  }
0x1c: {  	p1 =	slt.u32 s9, $0xF7A;
	s5 =	simm.s32 @!p2 $0x0  }
0x1d: {  	s5 =	simm.s32 @p1 $0x1;
	p0 =	seq.s32 s7, s2  }
0x1e: {  	s7 =	smul.u32 @!p0 $0xF7A, s2;
	p2 =	seq.s32 @!p0 s5, $0x0  }
0x1f: {  	s9 =	smul.u32 $0xF7A, s1;
	s8 =	simm.s32 @!p0 $0x1BF5;
	p2 =	por !p2, p0  }
0x20: {  	[sflag:s8] =	ssyncset.s32 @!p0 $0xFFFFF086;
	s6 =	sadd.s32 @!p0 s3, s7;
	s7 =	simm.s32 @!p0 $0x108  }
0x21: {  	s3 =	sadd.s32 s3, s9;
	s6 =	sadd.s32 @!p0 $0x88, s6;
	s7 =	simm.s32 @p2 $0x1082  }
0x22: {  	[simem:s7], [sflag:s8] =	dma.local @!p0 [hbm:s6], $0xF7A  }
0x23: {  	s9 =	sor.u32 $0xD0000000, s2;
	s6 =	simm.s32 $0x108;
	_ =	swait.ge @!p0 [sflag:s8], $0x0  }
0x24: {  	s3 =	sadd.s32 $0x88, s3;
	s6 =	simm.s32 @!p1 $0x1082;
	[sflag:s4] =	ssyncset.s32 $0xFFFFF086  }
0x25: {  	[simem:s6], [sflag:s4] =	dma.local [hbm:s3], $0xF7A  }
0x26: {  	[smem:$0x3F99] =	sst s1;
	(tag) =	ssettag s2;
	_ =	strace s9  }
0x27: {  	s1 =	sld [smem:$0x3FA9]  }
0x28: {  	s2 =	sld [smem:$0x3FAA]  }
0x29: {  	s4 =	sld [smem:$0x3FAC]  }
0x2a: {  	p0 =	seq.s32 s5, $0x0;
	s5 =	sld [smem:$0x3FAD]  }
0x2b: {  	s6 =	sld [smem:$0x3FAE]  }
0x2c: {  	s7 =	sld [smem:$0x3FAF]  }
0x2d: {  	s3 =	simm.s32 $0x108;
	s8 =	sld [smem:$0x3FB0]  }
0x2e: {  	s3 =	simm.s32 @!p0 $0x1082;
	s9 =	sld [smem:$0x3FB1]  }
0x2f: {  	lr =	sadd.s32 s0, s3;
	s0 =	sld [smem:$0x3FA8]  }
0x30: {  	s3 =	sld [smem:$0x3FAB]  }
0x31: {  	[smem:$0x3FB4] =	sst s10  }
0x32: {  	s10 =	sld [smem:$0x3FB2];
	_ =	sdelay $0x3  }
0x33: {  	p0 =	seq.s32 s10, $0x1;
	s10 =	sld [smem:$0x3FB4];
	_ =	sdelay $0x3  }
0x34: {  	[smem:$0x3FB4] =	sst s10  }
0x35: {  	s10 =	sld [smem:$0x3FB3];
	_ =	sdelay $0x3  }
0x36: {  	p1 =	seq.s32 s10, $0x1;
	s10 =	sld [smem:$0x3FB4];
	_ =	sdelay $0x3  }
0x37: {  	[smem:$0x3FB4] =	sst s10  }
0x38: {  	s10 =	sld [smem:$0x3FB5]  }
0x39: {  	_ = 	snop;
	(pc) =	sbr.ind lr, $3  }
0x3a: {  	_ = 	snop  }
0x3b: {  	_ = 	snop  }
0x3c: {  	p2 =	seq.s32 s10, $0x1;
	s10 =	sld [smem:$0x3FB4]  }
0x3d: {  	_ =	shalt  }
0x3e: {  	_ =	shalt  }
0x3f: {  	_ =	shalt  }
0x40: {  	_ =	shalt  }
0x41: {  	_ =	shalt  }
0x42: {  	_ =	shalt  }
0x43: {  	_ =	shalt  }
0x44: {  	_ =	shalt  }
0x45: {  	_ =	shalt  }
0x46: {  	_ =	shalt  }
0x47: {  	_ =	shalt  }
0x48: {  	_ =	shalt  }
0x49: {  	_ =	shalt  }
0x4a: {  	_ =	shalt  }
0x4b: {  	_ =	shalt  }
0x4c: {  	_ =	shalt  }
0x4d: {  	_ =	shalt  }
0x4e: {  	_ =	shalt  }
0x4f: {  	_ =	shalt  }
0x50: {  	_ =	shalt  }
0x51: {  	_ =	shalt  }
0x52: {  	_ =	shalt  }
0x53: {  	_ =	shalt  }
0x54: {  	_ =	shalt  }
0x55: {  	_ =	shalt  }
0x56: {  	_ =	shalt  }
0x57: {  	_ =	shalt  }
0x58: {  	_ =	shalt  }
0x59: {  	_ =	shalt  }
0x5a: {  	_ =	shalt  }
0x5b: {  	_ =	shalt  }
0x5c: {  	_ =	shalt  }
0x5d: {  	_ =	shalt  }
0x5e: {  	_ =	shalt  }
0x5f: {  	_ =	shalt  }
0x60: {  	_ =	shalt  }
0x61: {  	_ =	shalt  }
0x62: {  	_ =	shalt  }
0x63: {  	_ =	shalt  }
0x64: {  	_ =	shalt  }
0x65: {  	_ =	shalt  }
0x66: {  	_ =	shalt  }
0x67: {  	_ =	shalt  }
0x68: {  	_ =	shalt  }
0x69: {  	_ =	shalt  }
0x6a: {  	_ =	shalt  }
0x6b: {  	_ =	shalt  }
0x6c: {  	_ =	shalt  }
0x6d: {  	_ =	shalt  }
0x6e: {  	_ =	shalt  }
0x6f: {  	_ =	shalt  }
0x70: {  	_ =	shalt  }
0x71: {  	_ =	shalt  }
0x72: {  	_ =	shalt  }
0x73: {  	_ =	shalt  }
0x74: {  	_ =	shalt  }
0x75: {  	_ =	shalt  }
0x76: {  	_ =	shalt  }
0x77: {  	_ =	shalt  }
0x78: {  	_ =	shalt  }
0x79: {  	_ =	shalt  }
0x7a: {  	_ =	shalt  }
0x7b: {  	_ =	shalt  }
0x7c: {  	_ =	shalt  }
0x7d: {  	_ =	shalt  }
0x7e: {  	_ =	shalt  }
0x7f: {  	_ =	shalt  }
0x80: {  	_ =	shalt  }
0x81: {  	_ =	shalt  }
0x82: {  	_ =	shalt  }
0x83: {  	_ =	shalt  }
0x84: {  	_ =	shalt  }
0x85: {  	_ =	shalt  }
0x86: {  	_ =	shalt  }
0x87: {  	_ =	shalt  }
.Lfunc_end0:
.L_simem_size_0:
called_computation_lowered:
.L_overlay_start_0:
0x88: {  	s2 =	sld [smem:$0x3FD9]  }
0x89: {  	s3 =	sld [smem:$0x3FFE];
	_ =	sdelay $0x1  }
0x8a: {  	s1 =	srdreg.scid  }
0x8b: {  	s0 =	sand.u32 $0x1, s1  }
0x8c: {  	s17 =	sshll.u32 s0, $0xA;
	s2 =	sadd.s32 s3, s2  }
0x8d: {  	s2 =	sadd.s32 s2, s17  }
0x8e: {  	[smem:$0x3FC0] =	sst s2  }
0x8f: {  	_ = 	snop  }
0x90: {  	s2 =	sld [smem:$0x3FD0];
	(tm) =	ssettm $0x1  }
0x91: {  	s18 =	sld [smem:$0x3FFB];
	_ =	sdelay $0x3  }
0x92: {  	_ =	strace s18  }
0x93: {  	s3 =	sld [smem:$0x3FFC];
	_ =	sdelay $0x3  }
0x94: {  	_ =	strace s3  }
0x95: {  	s3 =	sld [smem:$0x3FFD];
	_ =	sdelay $0x3  }
0x96: {  	_ =	strace s3  }
0x97: {  	_ =	strace $0x8FFFFFFF  }
0x98: {  	s19 =	sld [smem:$0x3FDB];
	_ =	sdelay $0x1  }
0x99: {  	s4 =	simm.s32 $_scs_section_size  }
0x9a: {  	s5 =	simm.s32 $_size__tile_overlayer_lowered;
	s6 =	simm.s32 $_tile_overlayer_lowered  }
0x9b: {  	s22 =	simm.s32 $0x1BFF;
	s21 =	sshll.u32 s6, $0x1;
	s3 =	sadd.s32 s4, s19  }
0x9c: {  	s7 =	simm.s32 $0x0;
	s20 =	sshll.u32 s5, $0x1;
	s5 =	sadd.s32 s21, s3  }
0x9d: {  	[timem:s7], [sflag:s22] =	dma.local [hbm:s5], s20  }
0x9e: {  	_ =	swait.ge [sflag:s22], s20  }
0x9f: {  	s4 =	ssub.s32 $0x0, s20;
	[sflag:s22] =	ssyncset.done $0x0  }
0xa0: {  	[sflag:s22] =	ssyncadd.s32 s4;
	_ =	sdelay $0x1  }
0xa1: {  	s23 =	simm.s32 $0x1B8B  }
0xa2: {  	_ =	swait.ge [sflag:s23], $0x1  }
0xa3: {  	[sflag:s23] =	ssyncset.done $0x0  }
0xa4: {  	s25 =	simm.s32 $0x1B8E;
	s24 =	sld [smem:$0x3FFE];
	[sflag:s23] =	ssyncadd.s32 $0xFFFFFFFF  }
0xa5: {  	s26 =	simm.s32 $execute0_lowered;
	[smem:$0x3FD2] =	sst s25  }
0xa6: {  	s5 =	sshll.u32 s26, $0x1;
	_ =	strace $0x80000046;
	[dreg:$0x1] =	wrdreg $0xFFFFFFFF  }
0xa7: {  	s28 =	simm.s32 $_size_execute0_lowered;
	s3 =	sadd.s32 s3, s5;
	[dreg:$0x0] =	wrdreg $0x0  }
0xa8: {  	s5 =	sshll.u32 s28, $0x1;
	[dreg:$0x2] =	wrdreg s3  }
0xa9: {  	[dreg:$0x3] =	wrdreg s5  }
0xaa: {  	[dreg:$0x4] =	wrdreg $0xC0  }
0xab: {  	_ =	task [dreg:s7], $0x5FFFF  }
0xac: {  	[dreg:$0x1] =	wrdreg $0xFFFFFFFF  }
0xad: {  	[dreg:$0x0] =	wrdreg $0x60  }
0xae: {  	[dreg:$0x2] =	wrdreg s2  }
0xaf: {  	[dreg:$0x3] =	wrdreg s24  }
0xb0: {  	[dreg:$0x4] =	wrdreg $0xF8000  }
0xb1: {  	[dreg:$0x5] =	wrdreg $0x9  }
0xb2: {  	_ =	task.clear_ibuf [dreg:s7], $0x6FFFF;
	_ =	strace $0x90000046  }
0xb3: {  	s29 =	simm.s32 $0x9;
	_ =	strace $0x80000048  }
0xb4: {  	_ =	swait.ge [sflag:s29], $0x1  }
0xb5: {  	[sflag:s29] =	ssyncadd.s32 $0xFFFFFFFF  }
0xb6: {  	_ =	strace $0x90000048  }
0xb7: {  	_ =	sfence  }
0xb8: {  	s30 =	sld [smem:$0x0];
	_ =	sdelay $0x2  }
0xb9: {  	s31 =	sshll.u32 s1, $0xD;
	s1 =	sshrl.u32 s1, $0x2  }
0xba: {  	s3 =	sand.u32 $0x4000, s31;
	s1 =	sadd.s32 s1, s30  }
0xbb: {  	s0 =	sor.u32 s3, s0;
	s1 =	sshll.u32 s1, $0x11  }
0xbc: {  	s0 =	sor.u32 s1, s0  }
0xbd: {  	s0 =	sadd.s32 $0x8F2B, s0  }
0xbe: {  	[sflag:s0] =	ssyncadd.remote.s32 $0x1  }
0xbf: {  	_ =	sfence.sel $0xFFFF  }
0xc0: {  	[dreg:$0x0] =	wrdreg $0xFFFFFFFF;
	(pc) =	sbr.abs _section_cstart, $3  }
0xc1: {  	[dreg:$0x1] =	wrdreg $0xFFFFFFFF  }
0xc2: {  	_ =	task.clear_ibuf [dreg:s7], $0x2FFFF;
	_ =	strace $0x9FFFFFFF  }
0xc3: {  	(tm) =	ssettm $0x7FFFFFFF  }
tec
execute0_lowered:
.L_overlay_start_1:
0x0: {  	(tag) =	ssettag $0x1  }
0x1: {  	s5 =	rddreg [dreg:$0x0]  }
0x2: {  	s4 =	rddreg [dreg:$0x1]  }
0x3: {  	s1 =	rddreg [dreg:$0x2]  }
0x4: {  	s0 =	rddreg [dreg:$0x3];
	s3 =	simm.s32 $0x0;
	s2 =	srdreg.scid  }
0x5: {  	s11 =	simm.s32 $0x5000;
	s6 =	sand.u32 $0x1, s2;
	s2 =	stileid.u32  }
0x6: {  	s14 =	simm.s32 $0x0;
	[smem:$0x7FF] =	sst s3;
	s8 =	smul.u32 $0xA000, s2  }
0x7: {  	_ =	strace $0x80000047;
	s7 =	sshll.u32 s6, $0x4;
	s9 =	smul.u32 $0x14000, s6  }
0x8: {  	s6 =	ssub.s32 $0x2, s6;
	s13 =	smul.u32 $0x1400, s2;
	s7 =	sor.u32 s2, s7  }
0x9: {  	s10 =	sshrl.u32 s6, $0x1;
	s8 =	sshrl.u32 s8, $0x2;
	s7 =	smul.u32 $0x500, s7  }
0xa: {  	s9 =	sadd.s32 s9, s4;
	s6 =	ssub.s32 s6, s10;
	s10 =	simm.s32 $0x80  }
0xb: {  	s4 =	sadd.s32 s8, s1;
	s12 =	sadd.s32 $0xD400, s9;
	s6 =	smax.u32 s6, $0x1  }
0xc: {  	s8 =	simm.s32 $0x2;
	s9 =	simm.s32 $0x1;
	s5 =	sadd.s32 s5, s7  }
0xd: {  	v0 =	vimm.f32 $0.0e+00;
	v1 =	vimm.f32 $1.000000000e+00;
	s7 =	simm.s32 $0x2800;
	s12 =	sadd.s32 s13, s12;
	s13 =	simm.s32 $0x5800  }
.LBB2_1:
0xe: {  	s15 =	simm.s32 $0x0  }
.LBB2_2:
0xf: {  	p0 =	sne.s32 s15, $0x9FC0  }
.Ltmp0:
0x10: {  	_ = 	snop;
	(pc) =	sbr.rel @p0 .LBB2_2-.Ltmp0, $3  }
0x11: {  	_ =	sdelay $0x1  }
0x12: {  	s16 =	sshra.s32 s15, $0x2  }
0x13: {  	s15 =	sadd.s32 $0x40, s15;
	[tilespmem:s16+$0x2800] =	vst v0  }
0x14: {  	s15 =	simm.s32 $0x40;
	s16 =	simm.s32 $0x0  }
.LBB2_4:
0x15: {  	p0 =	sne.s32 s15, $0x1FC0;
	[tilespmem:s16+$0x5000] =	vst v1;
	s16 =	smov.u32 s15;
	s15 =	sadd.s32 $0x40, s15  }
.Ltmp1:
0x16: {  	(pc) =	sbr.rel @p0 .LBB2_4-.Ltmp1, $2  }
0x17: {  	_ =	sdelay $0x2  }
0x18: {  	s16 =	sshra.s32 s16, $0x2  }
0x19: {  	[tilespmem:s16+$0x5000] =	vst v1  }
0x1a: {  	[spmem:s4] =	stream.linear.scatter [tilespmem:s7], [sflag:$0x2], $0x2800, $0x38;
	[tilespmem:$0x12000] =	vst v63  }
0x1b: {  	_ =	swait.ge [sflag:s8], $0x2800  }
0x1c: {  	[sflag:s8] =	ssyncset.done $0x0  }
0x1d: {  	s15 =	simm.s32 $0x0;
	[sflag:s8] =	ssyncadd.s32 $0xFFFFD800  }
0x1e: {  	[tilespmem:s15], [sflag:$0x1] =	stream.linear.gather [hbm4b:s5+s15], $0x2800, $0x38;
	[tilespmem:$0x12000] =	vst v63  }
0x1f: {  	_ =	swait.ge [sflag:s9], $0x2800  }
0x20: {  	[sflag:s9] =	ssyncset.done $0x0  }
0x21: {  	[sflag:s9] =	ssyncadd.s32 $0xFFFFD800  }
0x22: {  	s31 =	simm.s32 $0x0;
	[bflag:$0x0] =	sbarrier.arrive $0xFFFF  }
0x23: {  	[spmem:s1] =	stream.indirect.scatter.add.f32 [tilespmem:s11], [sflag:$0x2], $0x10, s31, s10, $0xb8;
	[tilespmem:$0x12000] =	vst v63  }
0x24: {  	_ =	swait.ge [sflag:s8], $0x800  }
0x25: {  	s15 =	simm.s32 $0x200;
	[sflag:s8] =	ssyncset.done $0x0  }
.LBB2_6:
0x26: {  	s16 =	sshra.s32 s15, $0x2;
	[sflag:s8] =	ssyncadd.s32 $0xFFFFF800;
	p0 =	sne.s32 s15, $0x9E00  }
0x27: {  	[spmem:s1] =	stream.indirect.scatter.add.f32 [tilespmem:s11], [sflag:$0x2], $0x10, s16, s10, $0xb8;
	[tilespmem:$0x12000] =	vst v63  }
.Ltmp2:
0x28: {  	_ = 	snop;
	(pc) =	sbr.rel @p0 .LBB2_6-.Ltmp2, $4  }
0x29: {  	_ = 	snop  }
0x2a: {  	s15 =	sadd.s32 $0x200, s15  }
0x2b: {  	_ =	swait.ge [sflag:s8], $0x800  }
0x2c: {  	[sflag:s8] =	ssyncset.done $0x0  }
0x2d: {  	[sflag:s8] =	ssyncadd.s32 $0xFFFFF800  }
0x2e: {  	[bflag:$0x0] =	sbarrier.arrive $0xFFFF  }
0x2f: {  	[tilespmem:s7], [sflag:$0x2] =	stream.linear.gather [spmem:s4], $0x2800, $0x38;
	[tilespmem:$0x12000] =	vst v63  }
0x30: {  	_ =	swait.ge [sflag:s8], $0x2800  }
0x31: {  	[sflag:s8] =	ssyncset.done $0x0  }
0x32: {  	s15 =	simm.s32 $0x0;
	[sflag:s8] =	ssyncadd.s32 $0xFFFFD800  }
0x33: {  	v2 =	vld [tilespmem:s15+$0x2800];
	_ =	sdelay $0x3  }
0x34: {  	s15 =	simm.s32 $0x5820  }
0x35: {  	[tilespmem:s15+$0xFFFFFFE0] =	vst v2  }
0x36: {  	[tilespmem:s15+$0xFFFFFFF0] =	vst v2  }
0x37: {  	[tilespmem:s15+$0x0] =	vst v2  }
0x38: {  	s17 =	simm.s32 $0x10;
	s16 =	simm.s32 $0x80;
	[tilespmem:s15+$0x10] =	vst v2  }
.LBB2_8:
0x39: {  	p0 =	sne.s32 s16, $0x9FC0;
	v2 =	vld [tilespmem:s17+$0x2800];
	_ =	sdelay $0x3  }
.Ltmp3:
0x3a: {  	s15 =	sadd.s32 $0x40, s15;
	(pc) =	sbr.rel @p0 .LBB2_8-.Ltmp3, $4  }
0x3b: {  	[tilespmem:s15+$0xFFFFFFE0] =	vst v2  }
0x3c: {  	[tilespmem:s15+$0xFFFFFFF0] =	vst v2  }
0x3d: {  	[tilespmem:s15+$0x0] =	vst v2  }
0x3e: {  	s17 =	sshra.s32 s16, $0x2;
	s16 =	sadd.s32 $0x40, s16;
	[tilespmem:s15+$0x10] =	vst v2  }
0x3f: {  	v2 =	vld [tilespmem:s17+$0x2800];
	_ =	sdelay $0x3  }
0x40: {  	s15 =	sadd.s32 $0x40, s15  }
0x41: {  	[tilespmem:s15+$0xFFFFFFE0] =	vst v2  }
0x42: {  	s14 =	sadd.s32 $0x1, s14;
	[tilespmem:s15+$0xFFFFFFF0] =	vst v2  }
0x43: {  	p0 =	sne.s32 s14, s6;
	[tilespmem:s15+$0x0] =	vst v2  }
.Ltmp4:
0x44: {  	[tilespmem:s15+$0x10] =	vst v2;
	(pc) =	sbr.rel @p0 .LBB2_1-.Ltmp4, $4  }
0x45: {  	[hbm4b:s12+s3] =	stream.linear.scatter [tilespmem:s13], [sflag:$0x2], $0xA000, $0x38;
	[tilespmem:$0x12000] =	vst v63  }
0x46: {  	_ =	swait.ge [sflag:s8], $0xA000  }
0x47: {  	[sflag:s8] =	ssyncset.done $0x0  }
0x48: {  	[sflag:s8] =	ssyncadd.s32 $0xFFFF6000  }
0x49: {  	_ =	sfence.sel $0x180000  }
0x4a: {  	[bflag:$0x0] =	sbarrier.arrive $0xFFFF  }
0x4b: {  	p0 =	sne.s32 s2, $0x0;
	_ =	strace $0x90000047  }
0x4c: {  	s0 =	sadd.s32 @!p0 $0x100000, s0;
	[bflag:$0x2] =	sbarrier.arrive $0xFFFF  }
0x4d: {  	[sflag:s0] =	ssyncadd.tile.s32 @!p0 $0x1;
	_ =	shalt  }
.Lfunc_end2:
_tile_overlayer_lowered:
.L_overlay_start_2:
0x4e: {  	(tag) =	ssettag $0x2  }
0x4f: {  	s0 =	rddreg [dreg:$0x0];
	s2 =	stileid.u32  }
0x50: {  	s1 =	rddreg [dreg:$0x1];
	p0 =	sne.s32 s2, $0x0  }
0x51: {  	s3 =	rddreg [dreg:$0x2];
	[bflag:$0x3] =	sbarrier.arrive $0xFFFF;
	s2 =	simm.s32 @!p0 $0x1C02  }
0x52: {  	[timem:s3], [sflag:s2] =	dma.local @!p0 [hbm:s0], s1  }
0x53: {  	s0 =	simm.s32 @!p0 $0x2  }
0x54: {  	_ =	swait.ge @!p0 [sflag:s0], s1  }
0x55: {  	s1 =	ssub.s32 @!p0 $0x0, s1;
	[sflag:s0] =	ssyncset.done @!p0 $0x0  }
0x56: {  	[sflag:s0] =	ssyncadd.s32 @!p0 s1  }
0x57: {  	[bflag:$0x3] =	sbarrier.arrive $0xFFFF  }
0x58: {  	_ =	shalt  }

// kernel: kernel.13.cloned.1.call-start
scs
__scs_entry_jumppad:
0x0: {  	(pc) =	sbr.rel $0x88, $3  }
0x1: {  	(tag) =	ssettag $0x0;
	lr =	simm.s32 $0x1  }
0x2: {  	[smem:$0x3F99] =	sst lr;
	_ =	strace $0xD0000000  }
0x3: {  	_ = 	snop  }
0x4: {  	_ = 	snop  }
0x5: {  	_ = 	snop  }
0x6: {  	_ = 	snop  }
0x7: {  	_ = 	snop  }
__scs_overlays_trampoline_lowered:
0x8: {  	[smem:$0x3FA8] =	sst s0  }
0x9: {  	[smem:$0x3FA9] =	sst s1  }
0xa: {  	[smem:$0x3FAA] =	sst s2  }
0xb: {  	[smem:$0x3FAB] =	sst s3  }
0xc: {  	[smem:$0x3FAC] =	sst s4  }
0xd: {  	[smem:$0x3FAD] =	sst s5  }
0xe: {  	[smem:$0x3FAE] =	sst s6  }
0xf: {  	[smem:$0x3FAF] =	sst s7  }
0x10: {  	[smem:$0x3FB0] =	sst s8  }
0x11: {  	[smem:$0x3FB1] =	sst s9;
	s0 =	simm.s32 @!p0 $0x0  }
0x12: {  	s1 =	sld [smem:$0x3F97];
	s0 =	simm.s32 @p0 $0x1  }
0x13: {  	[smem:$0x3FB2] =	sst s0;
	s0 =	simm.s32 @!p1 $0x0  }
0x14: {  	s2 =	sld [smem:$0x3F96];
	s0 =	simm.s32 @p1 $0x1  }
0x15: {  	[smem:$0x3FB3] =	sst s0;
	s0 =	simm.s32 @!p2 $0x0  }
0x16: {  	s3 =	sld [smem:$0x3FDB];
	s0 =	simm.s32 @p2 $0x1  }
0x17: {  	s4 =	simm.s32 $0x1BF5;
	[smem:$0x3FB5] =	sst s0  }
0x18: {  	s0 =	sld [smem:$0x3F98];
	_ =	swait.ge [sflag:s4], $0x0  }
0x19: {  	s7 =	sld [smem:$0x3F99]  }
0x1a: {  	s8 =	sadd.s32 $0xFFFFE003, lr  }
0x1b: {  	s9 =	sadd.s32 $0xFFFFFEF7, lr;
	s5 =	simm.s32 $0xFFFFFFFF;
	p2 =	slt.u32 s8, $0xFFFFF086  }
0x1c: {  	p1 =	slt.u32 s9, $0xF7A;
	s5 =	simm.s32 @!p2 $0x0  }
0x1d: {  	s5 =	simm.s32 @p1 $0x1;
	p0 =	seq.s32 s7, s2  }
0x1e: {  	s7 =	smul.u32 @!p0 $0xF7A, s2;
	p2 =	seq.s32 @!p0 s5, $0x0  }
0x1f: {  	s9 =	smul.u32 $0xF7A, s1;
	s8 =	simm.s32 @!p0 $0x1BF5;
	p2 =	por !p2, p0  }
0x20: {  	[sflag:s8] =	ssyncset.s32 @!p0 $0xFFFFF086;
	s6 =	sadd.s32 @!p0 s3, s7;
	s7 =	simm.s32 @!p0 $0x108  }
0x21: {  	s3 =	sadd.s32 s3, s9;
	s6 =	sadd.s32 @!p0 $0x88, s6;
	s7 =	simm.s32 @p2 $0x1082  }
0x22: {  	[simem:s7], [sflag:s8] =	dma.local @!p0 [hbm:s6], $0xF7A  }
0x23: {  	s9 =	sor.u32 $0xD0000000, s2;
	s6 =	simm.s32 $0x108;
	_ =	swait.ge @!p0 [sflag:s8], $0x0  }
0x24: {  	s3 =	sadd.s32 $0x88, s3;
	s6 =	simm.s32 @!p1 $0x1082;
	[sflag:s4] =	ssyncset.s32 $0xFFFFF086  }
0x25: {  	[simem:s6], [sflag:s4] =	dma.local [hbm:s3], $0xF7A  }
0x26: {  	[smem:$0x3F99] =	sst s1;
	(tag) =	ssettag s2;
	_ =	strace s9  }
0x27: {  	s1 =	sld [smem:$0x3FA9]  }
0x28: {  	s2 =	sld [smem:$0x3FAA]  }
0x29: {  	s4 =	sld [smem:$0x3FAC]  }
0x2a: {  	p0 =	seq.s32 s5, $0x0;
	s5 =	sld [smem:$0x3FAD]  }
0x2b: {  	s6 =	sld [smem:$0x3FAE]  }
0x2c: {  	s7 =	sld [smem:$0x3FAF]  }
0x2d: {  	s3 =	simm.s32 $0x108;
	s8 =	sld [smem:$0x3FB0]  }
0x2e: {  	s3 =	simm.s32 @!p0 $0x1082;
	s9 =	sld [smem:$0x3FB1]  }
0x2f: {  	lr =	sadd.s32 s0, s3;
	s0 =	sld [smem:$0x3FA8]  }
0x30: {  	s3 =	sld [smem:$0x3FAB]  }
0x31: {  	[smem:$0x3FB4] =	sst s10  }
0x32: {  	s10 =	sld [smem:$0x3FB2];
	_ =	sdelay $0x3  }
0x33: {  	p0 =	seq.s32 s10, $0x1;
	s10 =	sld [smem:$0x3FB4];
	_ =	sdelay $0x3  }
0x34: {  	[smem:$0x3FB4] =	sst s10  }
0x35: {  	s10 =	sld [smem:$0x3FB3];
	_ =	sdelay $0x3  }
0x36: {  	p1 =	seq.s32 s10, $0x1;
	s10 =	sld [smem:$0x3FB4];
	_ =	sdelay $0x3  }
0x37: {  	[smem:$0x3FB4] =	sst s10  }
0x38: {  	s10 =	sld [smem:$0x3FB5]  }
0x39: {  	_ = 	snop;
	(pc) =	sbr.ind lr, $3  }
0x3a: {  	_ = 	snop  }
0x3b: {  	_ = 	snop  }
0x3c: {  	p2 =	seq.s32 s10, $0x1;
	s10 =	sld [smem:$0x3FB4]  }
0x3d: {  	_ =	shalt  }
0x3e: {  	_ =	shalt  }
0x3f: {  	_ =	shalt  }
0x40: {  	_ =	shalt  }
0x41: {  	_ =	shalt  }
0x42: {  	_ =	shalt  }
0x43: {  	_ =	shalt  }
0x44: {  	_ =	shalt  }
0x45: {  	_ =	shalt  }
0x46: {  	_ =	shalt  }
0x47: {  	_ =	shalt  }
0x48: {  	_ =	shalt  }
0x49: {  	_ =	shalt  }
0x4a: {  	_ =	shalt  }
0x4b: {  	_ =	shalt  }
0x4c: {  	_ =	shalt  }
0x4d: {  	_ =	shalt  }
0x4e: {  	_ =	shalt  }
0x4f: {  	_ =	shalt  }
0x50: {  	_ =	shalt  }
0x51: {  	_ =	shalt  }
0x52: {  	_ =	shalt  }
0x53: {  	_ =	shalt  }
0x54: {  	_ =	shalt  }
0x55: {  	_ =	shalt  }
0x56: {  	_ =	shalt  }
0x57: {  	_ =	shalt  }
0x58: {  	_ =	shalt  }
0x59: {  	_ =	shalt  }
0x5a: {  	_ =	shalt  }
0x5b: {  	_ =	shalt  }
0x5c: {  	_ =	shalt  }
0x5d: {  	_ =	shalt  }
0x5e: {  	_ =	shalt  }
0x5f: {  	_ =	shalt  }
0x60: {  	_ =	shalt  }
0x61: {  	_ =	shalt  }
0x62: {  	_ =	shalt  }
0x63: {  	_ =	shalt  }
0x64: {  	_ =	shalt  }
0x65: {  	_ =	shalt  }
0x66: {  	_ =	shalt  }
0x67: {  	_ =	shalt  }
0x68: {  	_ =	shalt  }
0x69: {  	_ =	shalt  }
0x6a: {  	_ =	shalt  }
0x6b: {  	_ =	shalt  }
0x6c: {  	_ =	shalt  }
0x6d: {  	_ =	shalt  }
0x6e: {  	_ =	shalt  }
0x6f: {  	_ =	shalt  }
0x70: {  	_ =	shalt  }
0x71: {  	_ =	shalt  }
0x72: {  	_ =	shalt  }
0x73: {  	_ =	shalt  }
0x74: {  	_ =	shalt  }
0x75: {  	_ =	shalt  }
0x76: {  	_ =	shalt  }
0x77: {  	_ =	shalt  }
0x78: {  	_ =	shalt  }
0x79: {  	_ =	shalt  }
0x7a: {  	_ =	shalt  }
0x7b: {  	_ =	shalt  }
0x7c: {  	_ =	shalt  }
0x7d: {  	_ =	shalt  }
0x7e: {  	_ =	shalt  }
0x7f: {  	_ =	shalt  }
0x80: {  	_ =	shalt  }
0x81: {  	_ =	shalt  }
0x82: {  	_ =	shalt  }
0x83: {  	_ =	shalt  }
0x84: {  	_ =	shalt  }
0x85: {  	_ =	shalt  }
0x86: {  	_ =	shalt  }
0x87: {  	_ =	shalt  }
.Lfunc_end0:
.L_simem_size_0:
called_computation.1_lowered:
.L_overlay_start_0:
0x88: {  	s2 =	sld [smem:$0x3FD9]  }
0x89: {  	s3 =	sld [smem:$0x3FFE];
	_ =	sdelay $0x1  }
0x8a: {  	s1 =	srdreg.scid  }
0x8b: {  	s0 =	sand.u32 $0x1, s1  }
0x8c: {  	s17 =	sshll.u32 s0, $0xA;
	s2 =	sadd.s32 s3, s2  }
0x8d: {  	s2 =	sadd.s32 s2, s17  }
0x8e: {  	[smem:$0x3FC0] =	sst s2  }
0x8f: {  	_ = 	snop  }
0x90: {  	s2 =	sld [smem:$0x3FD0];
	(tm) =	ssettm $0x1  }
0x91: {  	s18 =	sld [smem:$0x3FFB];
	_ =	sdelay $0x3  }
0x92: {  	_ =	strace s18  }
0x93: {  	s3 =	sld [smem:$0x3FFC];
	_ =	sdelay $0x3  }
0x94: {  	_ =	strace s3  }
0x95: {  	s3 =	sld [smem:$0x3FFD];
	_ =	sdelay $0x3  }
0x96: {  	_ =	strace s3  }
0x97: {  	_ =	strace $0x8FFFFFFF  }
0x98: {  	s19 =	sld [smem:$0x3FDB];
	_ =	sdelay $0x1  }
0x99: {  	s4 =	simm.s32 $_scs_section_size  }
0x9a: {  	s5 =	simm.s32 $_size__tile_overlayer_lowered;
	s6 =	simm.s32 $_tile_overlayer_lowered  }
0x9b: {  	s22 =	simm.s32 $0x1BFF;
	s21 =	sshll.u32 s6, $0x1;
	s3 =	sadd.s32 s4, s19  }
0x9c: {  	s7 =	simm.s32 $0x0;
	s20 =	sshll.u32 s5, $0x1;
	s5 =	sadd.s32 s21, s3  }
0x9d: {  	[timem:s7], [sflag:s22] =	dma.local [hbm:s5], s20  }
0x9e: {  	_ =	swait.ge [sflag:s22], s20  }
0x9f: {  	s4 =	ssub.s32 $0x0, s20;
	[sflag:s22] =	ssyncset.done $0x0  }
0xa0: {  	[sflag:s22] =	ssyncadd.s32 s4;
	_ =	sdelay $0x1  }
0xa1: {  	s23 =	simm.s32 $0x1B8B  }
0xa2: {  	_ =	swait.ge [sflag:s23], $0x1  }
0xa3: {  	[sflag:s23] =	ssyncset.done $0x0  }
0xa4: {  	s25 =	simm.s32 $0x1B8E;
	s24 =	sld [smem:$0x3FFE];
	[sflag:s23] =	ssyncadd.s32 $0xFFFFFFFF  }
0xa5: {  	s26 =	simm.s32 $execute0_lowered;
	[smem:$0x3FD2] =	sst s25  }
0xa6: {  	s5 =	sshll.u32 s26, $0x1;
	_ =	strace $0x80000049;
	[dreg:$0x1] =	wrdreg $0xFFFFFFFF  }
0xa7: {  	s28 =	simm.s32 $_size_execute0_lowered;
	s3 =	sadd.s32 s3, s5;
	[dreg:$0x0] =	wrdreg $0x0  }
0xa8: {  	s5 =	sshll.u32 s28, $0x1;
	[dreg:$0x2] =	wrdreg s3  }
0xa9: {  	[dreg:$0x3] =	wrdreg s5  }
0xaa: {  	[dreg:$0x4] =	wrdreg $0xC0  }
0xab: {  	_ =	task [dreg:s7], $0x5FFFF  }
0xac: {  	[dreg:$0x1] =	wrdreg $0xFFFFFFFF  }
0xad: {  	[dreg:$0x0] =	wrdreg $0x60  }
0xae: {  	[dreg:$0x2] =	wrdreg s24  }
0xaf: {  	[dreg:$0x3] =	wrdreg s2  }
0xb0: {  	[dreg:$0x4] =	wrdreg $0xF0000  }
0xb1: {  	[dreg:$0x5] =	wrdreg $0x9  }
0xb2: {  	_ =	task.clear_ibuf [dreg:s7], $0x6FFFF;
	_ =	strace $0x90000049  }
0xb3: {  	s29 =	simm.s32 $0x9;
	_ =	strace $0x8000004B  }
0xb4: {  	_ =	swait.ge [sflag:s29], $0x1  }
0xb5: {  	[sflag:s29] =	ssyncadd.s32 $0xFFFFFFFF  }
0xb6: {  	_ =	strace $0x9000004B  }
0xb7: {  	_ =	sfence  }
0xb8: {  	s30 =	sld [smem:$0x0];
	_ =	sdelay $0x2  }
0xb9: {  	s31 =	sshll.u32 s1, $0xD;
	s1 =	sshrl.u32 s1, $0x2  }
0xba: {  	s3 =	sand.u32 $0x4000, s31;
	s1 =	sadd.s32 s1, s30  }
0xbb: {  	s0 =	sor.u32 s3, s0;
	s1 =	sshll.u32 s1, $0x11  }
0xbc: {  	s0 =	sor.u32 s1, s0  }
0xbd: {  	s0 =	sadd.s32 $0x8F2B, s0  }
0xbe: {  	[sflag:s0] =	ssyncadd.remote.s32 $0x1  }
0xbf: {  	_ =	sfence.sel $0xFFFF  }
0xc0: {  	[dreg:$0x0] =	wrdreg $0xFFFFFFFF;
	(pc) =	sbr.abs _section_cstart, $3  }
0xc1: {  	[dreg:$0x1] =	wrdreg $0xFFFFFFFF  }
0xc2: {  	_ =	task.clear_ibuf [dreg:s7], $0x2FFFF;
	_ =	strace $0x9FFFFFFF  }
0xc3: {  	(tm) =	ssettm $0x7FFFFFFF  }
tec
execute0_lowered:
.L_overlay_start_1:
0x0: {  	(tag) =	ssettag $0x1  }
0x1: {  	s0 =	rddreg [dreg:$0x0]  }
0x2: {  	s1 =	srdreg.scid;
	s6 =	rddreg [dreg:$0x1]  }
0x3: {  	s2 =	rddreg [dreg:$0x2];
	s11 =	stileid.u32  }
0x4: {  	s3 =	simm.s32 $0x0;
	s13 =	simm.s32 $0x5;
	s15 =	simm.s32 $0xD000  }
0x5: {  	s16 =	simm.s32 $0x80;
	s17 =	simm.s32 $0x5000;
	s18 =	simm.s32 $0x7000  }
0x6: {  	s20 =	simm.s32 $0x9000;
	s22 =	simm.s32 $0xB000;
	s24 =	simm.s32 $0x1  }
0x7: {  	s28 =	simm.s32 $0x3;
	s29 =	simm.s32 $0x4;
	s30 =	simm.s32 $0x4E00  }
0x8: {  	s31 =	simm.s32 $0x4E80;
	s1 =	sand.u32 $0x1, s1;
	s9 =	smul.u32 $0x28000, s11  }
0x9: {  	[smem:$0x7FF] =	sst s3;
	s26 =	smul.u32 $0xA000, s11;
	s4 =	sshll.u32 s1, $0x4  }
0xa: {  	_ =	strace $0x8000004A;
	s5 =	smul.u32 $0x14000, s1;
	s1 =	ssub.s32 $0x2, s1  }
0xb: {  	s4 =	sor.u32 s11, s4;
	s8 =	sshrl.u32 s1, $0x1;
	s25 =	sshrl.u32 s9, $0x2  }
0xc: {  	s14 =	sshrl.u32 s26, $0x3;
	s19 =	sadd.s32 s26, s2;
	s7 =	smul.u32 $0x500, s4  }
0xd: {  	s26 =	simm.s32 $0x2;
	s4 =	sadd.s32 $0xD400, s0;
	s1 =	ssub.s32 s1, s8  }
0xe: {  	s8 =	smax.u32 s1, $0x1;
	s1 =	simm.s32 $0x4F80;
	s10 =	sadd.s32 s7, s0  }
0xf: {  	s0 =	sadd.s32 s5, s0;
	s6 =	sadd.s32 s6, s7;
	s7 =	sadd.s32 s25, s2  }
0x10: {  	s25 =	sshrl.u32 s19, $0x3;
	s5 =	sadd.s32 $0x3400, s10;
	s0 =	sadd.s32 $0x21400, s0  }
0x11: {  	s9 =	sadd.s32 $0x2000, s7;
	s10 =	sadd.s32 $0x4000, s7;
	s11 =	sadd.s32 $0x6000, s7  }
0x12: {  	v0 =	vimm.f32 $0.0e+00;
	s12 =	sadd.s32 $0x8000, s7;
	s23 =	sadd.s32 s14, s0;
	s0 =	simm.s32 $0x4F00  }
.LBB2_1:
0x13: {  	s19 =	simm.s32 $0x100;
	s14 =	simm.s32 $0x0  }
.LBB2_2:
0x14: {  	p0 =	sne.s32 s19, $0x7F00;
	[tilespmem:s14+$0xD030] =	vst v0;
	s21 =	smov.u32 s19;
	s19 =	sadd.s32 $0x100, s19  }
.Ltmp0:
0x15: {  	[tilespmem:s14+$0xD020] =	vst v0;
	(pc) =	sbr.rel @p0 .LBB2_2-.Ltmp0, $3  }
0x16: {  	[tilespmem:s14+$0xD000] =	vst v0  }
0x17: {  	[tilespmem:s14+$0xD010] =	vst v0;
	_ =	sdelay $0x1  }
0x18: {  	s14 =	sshra.s32 s21, $0x2  }
0x19: {  	[tilespmem:s14+$0xD030] =	vst v0  }
0x1a: {  	[tilespmem:s14+$0xD020] =	vst v0  }
0x1b: {  	[tilespmem:s14+$0xD000] =	vst v0  }
0x1c: {  	[tilespmem:s14+$0xD010] =	vst v0;
	s21 =	simm.s32 $0x0  }
0x1d: {  	[tilespmem:s21], [sflag:$0x5] =	stream.linear.gather [hbm4b:s5+s21], $0x2800, $0x38;
	[tilespmem:$0x19000] =	vst v63  }
0x1e: {  	_ =	swait.ge [sflag:s13], $0x2800  }
0x1f: {  	[sflag:s13] =	ssyncset.done $0x0  }
0x20: {  	s19 =	simm.s32 $0x2800;
	[sflag:s13] =	ssyncadd.s32 $0xFFFFD800  }
0x21: {  	[tilespmem:s19], [sflag:$0x5] =	stream.linear.gather [hbm4b:s6+s21], $0x2800, $0x38;
	[tilespmem:$0x19000] =	vst v63  }
0x22: {  	_ =	swait.ge [sflag:s13], $0x2800  }
0x23: {  	[sflag:s13] =	ssyncset.done $0x0  }
0x24: {  	[sflag:s13] =	ssyncadd.s32 $0xFFFFD800  }
0x25: {  	[spmem:s7] =	stream.linear.scatter [tilespmem:s15], [sflag:$0x5], $0x2000, $0x38;
	[tilespmem:$0x19000] =	vst v63  }
0x26: {  	_ =	swait.ge [sflag:s13], $0x2000  }
0x27: {  	[sflag:s13] =	ssyncset.done $0x0  }
0x28: {  	[sflag:s13] =	ssyncadd.s32 $0xFFFFE000  }
0x29: {  	[spmem:s9] =	stream.linear.scatter [tilespmem:s15], [sflag:$0x5], $0x2000, $0x38;
	[tilespmem:$0x19000] =	vst v63  }
0x2a: {  	_ =	swait.ge [sflag:s13], $0x2000  }
0x2b: {  	[sflag:s13] =	ssyncset.done $0x0  }
0x2c: {  	[sflag:s13] =	ssyncadd.s32 $0xFFFFE000  }
0x2d: {  	[spmem:s10] =	stream.linear.scatter [tilespmem:s15], [sflag:$0x5], $0x2000, $0x38;
	[tilespmem:$0x19000] =	vst v63  }
0x2e: {  	_ =	swait.ge [sflag:s13], $0x2000  }
0x2f: {  	[sflag:s13] =	ssyncset.done $0x0  }
0x30: {  	[sflag:s13] =	ssyncadd.s32 $0xFFFFE000  }
0x31: {  	[spmem:s11] =	stream.linear.scatter [tilespmem:s15], [sflag:$0x5], $0x2000, $0x38;
	[tilespmem:$0x19000] =	vst v63  }
0x32: {  	_ =	swait.ge [sflag:s13], $0x2000  }
0x33: {  	[sflag:s13] =	ssyncset.done $0x0  }
0x34: {  	[sflag:s13] =	ssyncadd.s32 $0xFFFFE000  }
0x35: {  	[spmem:s12] =	stream.linear.scatter [tilespmem:s15], [sflag:$0x5], $0x2000, $0x38;
	[tilespmem:$0x19000] =	vst v63  }
0x36: {  	_ =	swait.ge [sflag:s13], $0x2000  }
0x37: {  	[sflag:s13] =	ssyncset.done $0x0  }
0x38: {  	[sflag:s13] =	ssyncadd.s32 $0xFFFFE000  }
0x39: {  	[bflag:$0x0] =	sbarrier.arrive $0xFFFF  }
0x3a: {  	[tilespmem:s17], [sflag:$0x1] =	stream.indirect.gather [hbm4b:s4+s16], $0x40, s21, s16, $0xb8;
	[tilespmem:$0x19000] =	vst v63  }
0x3b: {  	_ = 	snop  }
0x3c: {  	[tilespmem:s18], [sflag:$0x2] =	stream.indirect.gather [hbm4b:s4+s16], $0x40, s16, s16, $0xb8;
	[tilespmem:$0x19000] =	vst v63  }
0x3d: {  	s21 =	simm.s32 $0x100  }
0x3e: {  	[tilespmem:s20], [sflag:$0x3] =	stream.indirect.gather [hbm4b:s4+s16], $0x40, s21, s16, $0xb8;
	[tilespmem:$0x19000] =	vst v63  }
0x3f: {  	s19 =	simm.s32 $0x180  }
0x40: {  	[tilespmem:s22], [sflag:$0x4] =	stream.indirect.gather [hbm4b:s4+s16], $0x40, s19, s16, $0xb8;
	[tilespmem:$0x19000] =	vst v63  }
0x41: {  	_ =	swait.ge [sflag:s24], $0x2000  }
0x42: {  	[sflag:s24] =	ssyncset.done $0x0  }
0x43: {  	s21 =	simm.s32 $0x2800;
	[sflag:s24] =	ssyncadd.s32 $0xFFFFE000  }
0x44: {  	[spmem:s2] =	stream.indirect.scatter.add.f32 [tilespmem:s17], [sflag:$0x5], $0x40, s21, s16, $0xb8;
	[tilespmem:$0x19000] =	vst v63  }
0x45: {  	_ =	swait.ge [sflag:s13], $0x2000  }
0x46: {  	[sflag:s13] =	ssyncset.done $0x0  }
0x47: {  	s19 =	simm.s32 $0x200;
	[sflag:s13] =	ssyncadd.s32 $0xFFFFE000  }
0x48: {  	[tilespmem:s17], [sflag:$0x1] =	stream.indirect.gather [hbm4b:s4+s16], $0x40, s19, s16, $0xb8;
	[tilespmem:$0x19000] =	vst v63  }
0x49: {  	_ =	swait.ge [sflag:s26], $0x2000  }
0x4a: {  	[sflag:s26] =	ssyncset.done $0x0  }
0x4b: {  	s21 =	simm.s32 $0x2880;
	[sflag:s26] =	ssyncadd.s32 $0xFFFFE000  }
0x4c: {  	[spmem:s2] =	stream.indirect.scatter.add.f32 [tilespmem:s18], [sflag:$0x5], $0x40, s21, s16, $0xb8;
	[tilespmem:$0x19000] =	vst v63  }
0x4d: {  	_ =	swait.ge [sflag:s13], $0x2000  }
0x4e: {  	[sflag:s13] =	ssyncset.done $0x0  }
0x4f: {  	s19 =	simm.s32 $0x280;
	[sflag:s13] =	ssyncadd.s32 $0xFFFFE000  }
0x50: {  	[tilespmem:s18], [sflag:$0x2] =	stream.indirect.gather [hbm4b:s4+s16], $0x40, s19, s16, $0xb8;
	[tilespmem:$0x19000] =	vst v63  }
0x51: {  	_ =	swait.ge [sflag:s28], $0x2000  }
0x52: {  	[sflag:s28] =	ssyncset.done $0x0  }
0x53: {  	s21 =	simm.s32 $0x2900;
	[sflag:s28] =	ssyncadd.s32 $0xFFFFE000  }
0x54: {  	[spmem:s2] =	stream.indirect.scatter.add.f32 [tilespmem:s20], [sflag:$0x5], $0x40, s21, s16, $0xb8;
	[tilespmem:$0x19000] =	vst v63  }
0x55: {  	_ =	swait.ge [sflag:s13], $0x2000  }
0x56: {  	[sflag:s13] =	ssyncset.done $0x0  }
0x57: {  	s19 =	simm.s32 $0x300;
	[sflag:s13] =	ssyncadd.s32 $0xFFFFE000  }
0x58: {  	[tilespmem:s20], [sflag:$0x3] =	stream.indirect.gather [hbm4b:s4+s16], $0x40, s19, s16, $0xb8;
	[tilespmem:$0x19000] =	vst v63  }
0x59: {  	_ =	swait.ge [sflag:s29], $0x2000  }
0x5a: {  	[sflag:s29] =	ssyncset.done $0x0  }
0x5b: {  	s21 =	simm.s32 $0x2980;
	[sflag:s29] =	ssyncadd.s32 $0xFFFFE000  }
0x5c: {  	[spmem:s2] =	stream.indirect.scatter.add.f32 [tilespmem:s22], [sflag:$0x5], $0x40, s21, s16, $0xb8;
	[tilespmem:$0x19000] =	vst v63  }
0x5d: {  	_ =	swait.ge [sflag:s13], $0x2000  }
0x5e: {  	[sflag:s13] =	ssyncset.done $0x0  }
0x5f: {  	s14 =	simm.s32 $0x800;
	s19 =	simm.s32 $0x380;
	[sflag:s13] =	ssyncadd.s32 $0xFFFFE000  }
.LBB2_4:
0x60: {  	[tilespmem:s22], [sflag:$0x4] =	stream.indirect.gather [hbm4b:s4+s16], $0x40, s19, s16, $0xb8;
	[tilespmem:$0x19000] =	vst v63  }
0x61: {  	s19 =	smov.u32 s14  }
0x62: {  	p0 =	sne.s32 s14, $0x9000;
	s14 =	sadd.s32 $0x800, s14;
	_ =	swait.ge [sflag:s24], $0x2000  }
0x63: {  	s19 =	sshra.s32 s19, $0x2;
	[sflag:s24] =	ssyncset.done $0x0  }
0x64: {  	s21 =	sadd.s32 $0x2800, s19;
	[sflag:s24] =	ssyncadd.s32 $0xFFFFE000  }
0x65: {  	[spmem:s2] =	stream.indirect.scatter.add.f32 [tilespmem:s17], [sflag:$0x5], $0x40, s21, s16, $0xb8;
	[tilespmem:$0x19000] =	vst v63  }
0x66: {  	_ =	swait.ge [sflag:s13], $0x2000  }
0x67: {  	[sflag:s13] =	ssyncset.done $0x0  }
0x68: {  	s21 =	sadd.s32 $0x200, s19;
	[sflag:s13] =	ssyncadd.s32 $0xFFFFE000  }
0x69: {  	[tilespmem:s17], [sflag:$0x1] =	stream.indirect.gather [hbm4b:s4+s16], $0x40, s21, s16, $0xb8;
	[tilespmem:$0x19000] =	vst v63  }
0x6a: {  	_ =	swait.ge [sflag:s26], $0x2000  }
0x6b: {  	[sflag:s26] =	ssyncset.done $0x0  }
0x6c: {  	s21 =	sadd.s32 $0x2880, s19;
	[sflag:s26] =	ssyncadd.s32 $0xFFFFE000  }
0x6d: {  	[spmem:s2] =	stream.indirect.scatter.add.f32 [tilespmem:s18], [sflag:$0x5], $0x40, s21, s16, $0xb8;
	[tilespmem:$0x19000] =	vst v63  }
0x6e: {  	_ =	swait.ge [sflag:s13], $0x2000  }
0x6f: {  	[sflag:s13] =	ssyncset.done $0x0  }
0x70: {  	s21 =	sadd.s32 $0x280, s19;
	[sflag:s13] =	ssyncadd.s32 $0xFFFFE000  }
0x71: {  	[tilespmem:s18], [sflag:$0x2] =	stream.indirect.gather [hbm4b:s4+s16], $0x40, s21, s16, $0xb8;
	[tilespmem:$0x19000] =	vst v63  }
0x72: {  	_ =	swait.ge [sflag:s28], $0x2000  }
0x73: {  	[sflag:s28] =	ssyncset.done $0x0  }
0x74: {  	s21 =	sadd.s32 $0x2900, s19;
	[sflag:s28] =	ssyncadd.s32 $0xFFFFE000  }
0x75: {  	[spmem:s2] =	stream.indirect.scatter.add.f32 [tilespmem:s20], [sflag:$0x5], $0x40, s21, s16, $0xb8;
	[tilespmem:$0x19000] =	vst v63  }
0x76: {  	_ =	swait.ge [sflag:s13], $0x2000  }
0x77: {  	[sflag:s13] =	ssyncset.done $0x0  }
0x78: {  	s21 =	sadd.s32 $0x300, s19;
	[sflag:s13] =	ssyncadd.s32 $0xFFFFE000  }
0x79: {  	[tilespmem:s20], [sflag:$0x3] =	stream.indirect.gather [hbm4b:s4+s16], $0x40, s21, s16, $0xb8;
	[tilespmem:$0x19000] =	vst v63  }
0x7a: {  	_ =	swait.ge [sflag:s29], $0x2000  }
0x7b: {  	[sflag:s29] =	ssyncset.done $0x0  }
.Ltmp1:
0x7c: {  	s21 =	sadd.s32 $0x2980, s19;
	[sflag:s29] =	ssyncadd.s32 $0xFFFFE000;
	(pc) =	sbr.rel @p0 .LBB2_4-.Ltmp1, $4  }
0x7d: {  	[spmem:s2] =	stream.indirect.scatter.add.f32 [tilespmem:s22], [sflag:$0x5], $0x40, s21, s16, $0xb8;
	[tilespmem:$0x19000] =	vst v63  }
0x7e: {  	_ =	swait.ge [sflag:s13], $0x2000  }
0x7f: {  	[sflag:s13] =	ssyncset.done $0x0  }
0x80: {  	s19 =	sadd.s32 $0x380, s19;
	[sflag:s13] =	ssyncadd.s32 $0xFFFFE000  }
0x81: {  	[tilespmem:s22], [sflag:$0x4] =	stream.indirect.gather [hbm4b:s4+s16], $0x40, s19, s16, $0xb8;
	[tilespmem:$0x19000] =	vst v63  }
0x82: {  	_ =	swait.ge [sflag:s24], $0x2000  }
0x83: {  	[sflag:s24] =	ssyncset.done $0x0  }
0x84: {  	[sflag:s24] =	ssyncadd.s32 $0xFFFFE000  }
0x85: {  	[spmem:s2] =	stream.indirect.scatter.add.f32 [tilespmem:s17], [sflag:$0x5], $0x40, s30, s16, $0xb8;
	[tilespmem:$0x19000] =	vst v63  }
0x86: {  	_ =	swait.ge [sflag:s13], $0x2000  }
0x87: {  	[sflag:s13] =	ssyncset.done $0x0  }
0x88: {  	[sflag:s13] =	ssyncadd.s32 $0xFFFFE000  }
0x89: {  	_ =	swait.ge [sflag:s26], $0x2000  }
0x8a: {  	[sflag:s26] =	ssyncset.done $0x0  }
0x8b: {  	[sflag:s26] =	ssyncadd.s32 $0xFFFFE000  }
0x8c: {  	[spmem:s2] =	stream.indirect.scatter.add.f32 [tilespmem:s18], [sflag:$0x5], $0x40, s31, s16, $0xb8;
	[tilespmem:$0x19000] =	vst v63  }
0x8d: {  	_ =	swait.ge [sflag:s13], $0x2000  }
0x8e: {  	[sflag:s13] =	ssyncset.done $0x0  }
0x8f: {  	[sflag:s13] =	ssyncadd.s32 $0xFFFFE000  }
0x90: {  	_ =	swait.ge [sflag:s28], $0x2000  }
0x91: {  	[sflag:s28] =	ssyncset.done $0x0  }
0x92: {  	[sflag:s28] =	ssyncadd.s32 $0xFFFFE000  }
0x93: {  	[spmem:s2] =	stream.indirect.scatter.add.f32 [tilespmem:s20], [sflag:$0x5], $0x40, s0, s16, $0xb8;
	[tilespmem:$0x19000] =	vst v63  }
0x94: {  	_ =	swait.ge [sflag:s13], $0x2000  }
0x95: {  	[sflag:s13] =	ssyncset.done $0x0  }
0x96: {  	[sflag:s13] =	ssyncadd.s32 $0xFFFFE000  }
0x97: {  	_ =	swait.ge [sflag:s29], $0x2000  }
0x98: {  	[sflag:s29] =	ssyncset.done $0x0  }
0x99: {  	[sflag:s29] =	ssyncadd.s32 $0xFFFFE000  }
0x9a: {  	[spmem:s2] =	stream.indirect.scatter.add.f32 [tilespmem:s22], [sflag:$0x5], $0x40, s1, s16, $0xb8;
	[tilespmem:$0x19000] =	vst v63  }
0x9b: {  	_ =	swait.ge [sflag:s13], $0x2000  }
0x9c: {  	s14 =	stileid.u32;
	s3 =	sadd.s32 $0x1, s3;
	[sflag:s13] =	ssyncset.done $0x0  }
0x9d: {  	s14 =	sshll.u32 s14, $0x6;
	p0 =	sne.s32 s3, s8;
	[sflag:s13] =	ssyncadd.s32 $0xFFFFE000  }
.Ltmp2:
0x9e: {  	s14 =	sor.u32 $0x1C05, s14;
	[bflag:$0x0] =	sbarrier.arrive $0xFFFF;
	(pc) =	sbr.rel @p0 .LBB2_1-.Ltmp2, $4  }
0x9f: {  	[hbm:s23], [sflag:s14] =	dma.local [spmem:s25], $0x1400  }
0xa0: {  	_ =	swait.ge [sflag:s13], $0x1400  }
0xa1: {  	[sflag:s13] =	ssyncset.done $0x0  }
0xa2: {  	[sflag:s13] =	ssyncadd.s32 $0xFFFFEC00  }
0xa3: {  	_ =	sfence.sel $0x180000  }
0xa4: {  	[bflag:$0x0] =	sbarrier.arrive $0xFFFF  }
0xa5: {  	_ =	strace $0x9000004A  }
0xa6: {  	s0 =	stileid.u32;
	[bflag:$0x2] =	sbarrier.arrive $0xFFFF  }
0xa7: {  	p0 =	sne.s32 s0, $0x0;
	s0 =	rddreg [dreg:$0x3]  }
0xa8: {  	s0 =	sadd.s32 @!p0 $0x100000, s0  }
0xa9: {  	[sflag:s0] =	ssyncadd.tile.s32 @!p0 $0x1;
	_ =	shalt  }
.Lfunc_end2:
_tile_overlayer_lowered:
.L_overlay_start_2:
0xaa: {  	(tag) =	ssettag $0x2  }
0xab: {  	s0 =	rddreg [dreg:$0x0];
	s2 =	stileid.u32  }
0xac: {  	s1 =	rddreg [dreg:$0x1];
	p0 =	sne.s32 s2, $0x0  }
0xad: {  	s3 =	rddreg [dreg:$0x2];
	[bflag:$0x3] =	sbarrier.arrive $0xFFFF;
	s2 =	simm.s32 @!p0 $0x1C05  }
0xae: {  	[timem:s3], [sflag:s2] =	dma.local @!p0 [hbm:s0], s1  }
0xaf: {  	s0 =	simm.s32 @!p0 $0x5  }
0xb0: {  	_ =	swait.ge @!p0 [sflag:s0], s1  }
0xb1: {  	s1 =	ssub.s32 @!p0 $0x0, s1;
	[sflag:s0] =	ssyncset.done @!p0 $0x0  }
0xb2: {  	[sflag:s0] =	ssyncadd.s32 @!p0 s1  }
0xb3: {  	[bflag:$0x3] =	sbarrier.arrive $0xFFFF  }
0xb4: {  	_ =	shalt  }

// kernel: kernel.16.cloned.1.call-start
scs
__scs_entry_jumppad:
0x0: {  	(pc) =	sbr.rel $0x88, $3  }
0x1: {  	(tag) =	ssettag $0x0;
	lr =	simm.s32 $0x1  }
0x2: {  	[smem:$0x3F99] =	sst lr;
	_ =	strace $0xD0000000  }
0x3: {  	_ = 	snop  }
0x4: {  	_ = 	snop  }
0x5: {  	_ = 	snop  }
0x6: {  	_ = 	snop  }
0x7: {  	_ = 	snop  }
__scs_overlays_trampoline_lowered:
0x8: {  	[smem:$0x3FA8] =	sst s0  }
0x9: {  	[smem:$0x3FA9] =	sst s1  }
0xa: {  	[smem:$0x3FAA] =	sst s2  }
0xb: {  	[smem:$0x3FAB] =	sst s3  }
0xc: {  	[smem:$0x3FAC] =	sst s4  }
0xd: {  	[smem:$0x3FAD] =	sst s5  }
0xe: {  	[smem:$0x3FAE] =	sst s6  }
0xf: {  	[smem:$0x3FAF] =	sst s7  }
0x10: {  	[smem:$0x3FB0] =	sst s8  }
0x11: {  	[smem:$0x3FB1] =	sst s9;
	s0 =	simm.s32 @!p0 $0x0  }
0x12: {  	s1 =	sld [smem:$0x3F97];
	s0 =	simm.s32 @p0 $0x1  }
0x13: {  	[smem:$0x3FB2] =	sst s0;
	s0 =	simm.s32 @!p1 $0x0  }
0x14: {  	s2 =	sld [smem:$0x3F96];
	s0 =	simm.s32 @p1 $0x1  }
0x15: {  	[smem:$0x3FB3] =	sst s0;
	s0 =	simm.s32 @!p2 $0x0  }
0x16: {  	s3 =	sld [smem:$0x3FDB];
	s0 =	simm.s32 @p2 $0x1  }
0x17: {  	s4 =	simm.s32 $0x1BF5;
	[smem:$0x3FB5] =	sst s0  }
0x18: {  	s0 =	sld [smem:$0x3F98];
	_ =	swait.ge [sflag:s4], $0x0  }
0x19: {  	s7 =	sld [smem:$0x3F99]  }
0x1a: {  	s8 =	sadd.s32 $0xFFFFE003, lr  }
0x1b: {  	s9 =	sadd.s32 $0xFFFFFEF7, lr;
	s5 =	simm.s32 $0xFFFFFFFF;
	p2 =	slt.u32 s8, $0xFFFFF086  }
0x1c: {  	p1 =	slt.u32 s9, $0xF7A;
	s5 =	simm.s32 @!p2 $0x0  }
0x1d: {  	s5 =	simm.s32 @p1 $0x1;
	p0 =	seq.s32 s7, s2  }
0x1e: {  	s7 =	smul.u32 @!p0 $0xF7A, s2;
	p2 =	seq.s32 @!p0 s5, $0x0  }
0x1f: {  	s9 =	smul.u32 $0xF7A, s1;
	s8 =	simm.s32 @!p0 $0x1BF5;
	p2 =	por !p2, p0  }
0x20: {  	[sflag:s8] =	ssyncset.s32 @!p0 $0xFFFFF086;
	s6 =	sadd.s32 @!p0 s3, s7;
	s7 =	simm.s32 @!p0 $0x108  }
0x21: {  	s3 =	sadd.s32 s3, s9;
	s6 =	sadd.s32 @!p0 $0x88, s6;
	s7 =	simm.s32 @p2 $0x1082  }
0x22: {  	[simem:s7], [sflag:s8] =	dma.local @!p0 [hbm:s6], $0xF7A  }
0x23: {  	s9 =	sor.u32 $0xD0000000, s2;
	s6 =	simm.s32 $0x108;
	_ =	swait.ge @!p0 [sflag:s8], $0x0  }
0x24: {  	s3 =	sadd.s32 $0x88, s3;
	s6 =	simm.s32 @!p1 $0x1082;
	[sflag:s4] =	ssyncset.s32 $0xFFFFF086  }
0x25: {  	[simem:s6], [sflag:s4] =	dma.local [hbm:s3], $0xF7A  }
0x26: {  	[smem:$0x3F99] =	sst s1;
	(tag) =	ssettag s2;
	_ =	strace s9  }
0x27: {  	s1 =	sld [smem:$0x3FA9]  }
0x28: {  	s2 =	sld [smem:$0x3FAA]  }
0x29: {  	s4 =	sld [smem:$0x3FAC]  }
0x2a: {  	p0 =	seq.s32 s5, $0x0;
	s5 =	sld [smem:$0x3FAD]  }
0x2b: {  	s6 =	sld [smem:$0x3FAE]  }
0x2c: {  	s7 =	sld [smem:$0x3FAF]  }
0x2d: {  	s3 =	simm.s32 $0x108;
	s8 =	sld [smem:$0x3FB0]  }
0x2e: {  	s3 =	simm.s32 @!p0 $0x1082;
	s9 =	sld [smem:$0x3FB1]  }
0x2f: {  	lr =	sadd.s32 s0, s3;
	s0 =	sld [smem:$0x3FA8]  }
0x30: {  	s3 =	sld [smem:$0x3FAB]  }
0x31: {  	[smem:$0x3FB4] =	sst s10  }
0x32: {  	s10 =	sld [smem:$0x3FB2];
	_ =	sdelay $0x3  }
0x33: {  	p0 =	seq.s32 s10, $0x1;
	s10 =	sld [smem:$0x3FB4];
	_ =	sdelay $0x3  }
0x34: {  	[smem:$0x3FB4] =	sst s10  }
0x35: {  	s10 =	sld [smem:$0x3FB3];
	_ =	sdelay $0x3  }
0x36: {  	p1 =	seq.s32 s10, $0x1;
	s10 =	sld [smem:$0x3FB4];
	_ =	sdelay $0x3  }
0x37: {  	[smem:$0x3FB4] =	sst s10  }
0x38: {  	s10 =	sld [smem:$0x3FB5]  }
0x39: {  	_ = 	snop;
	(pc) =	sbr.ind lr, $3  }
0x3a: {  	_ = 	snop  }
0x3b: {  	_ = 	snop  }
0x3c: {  	p2 =	seq.s32 s10, $0x1;
	s10 =	sld [smem:$0x3FB4]  }
0x3d: {  	_ =	shalt  }
0x3e: {  	_ =	shalt  }
0x3f: {  	_ =	shalt  }
0x40: {  	_ =	shalt  }
0x41: {  	_ =	shalt  }
0x42: {  	_ =	shalt  }
0x43: {  	_ =	shalt  }
0x44: {  	_ =	shalt  }
0x45: {  	_ =	shalt  }
0x46: {  	_ =	shalt  }
0x47: {  	_ =	shalt  }
0x48: {  	_ =	shalt  }
0x49: {  	_ =	shalt  }
0x4a: {  	_ =	shalt  }
0x4b: {  	_ =	shalt  }
0x4c: {  	_ =	shalt  }
0x4d: {  	_ =	shalt  }
0x4e: {  	_ =	shalt  }
0x4f: {  	_ =	shalt  }
0x50: {  	_ =	shalt  }
0x51: {  	_ =	shalt  }
0x52: {  	_ =	shalt  }
0x53: {  	_ =	shalt  }
0x54: {  	_ =	shalt  }
0x55: {  	_ =	shalt  }
0x56: {  	_ =	shalt  }
0x57: {  	_ =	shalt  }
0x58: {  	_ =	shalt  }
0x59: {  	_ =	shalt  }
0x5a: {  	_ =	shalt  }
0x5b: {  	_ =	shalt  }
0x5c: {  	_ =	shalt  }
0x5d: {  	_ =	shalt  }
0x5e: {  	_ =	shalt  }
0x5f: {  	_ =	shalt  }
0x60: {  	_ =	shalt  }
0x61: {  	_ =	shalt  }
0x62: {  	_ =	shalt  }
0x63: {  	_ =	shalt  }
0x64: {  	_ =	shalt  }
0x65: {  	_ =	shalt  }
0x66: {  	_ =	shalt  }
0x67: {  	_ =	shalt  }
0x68: {  	_ =	shalt  }
0x69: {  	_ =	shalt  }
0x6a: {  	_ =	shalt  }
0x6b: {  	_ =	shalt  }
0x6c: {  	_ =	shalt  }
0x6d: {  	_ =	shalt  }
0x6e: {  	_ =	shalt  }
0x6f: {  	_ =	shalt  }
0x70: {  	_ =	shalt  }
0x71: {  	_ =	shalt  }
0x72: {  	_ =	shalt  }
0x73: {  	_ =	shalt  }
0x74: {  	_ =	shalt  }
0x75: {  	_ =	shalt  }
0x76: {  	_ =	shalt  }
0x77: {  	_ =	shalt  }
0x78: {  	_ =	shalt  }
0x79: {  	_ =	shalt  }
0x7a: {  	_ =	shalt  }
0x7b: {  	_ =	shalt  }
0x7c: {  	_ =	shalt  }
0x7d: {  	_ =	shalt  }
0x7e: {  	_ =	shalt  }
0x7f: {  	_ =	shalt  }
0x80: {  	_ =	shalt  }
0x81: {  	_ =	shalt  }
0x82: {  	_ =	shalt  }
0x83: {  	_ =	shalt  }
0x84: {  	_ =	shalt  }
0x85: {  	_ =	shalt  }
0x86: {  	_ =	shalt  }
0x87: {  	_ =	shalt  }
.Lfunc_end0:
.L_simem_size_0:
called_computation.2_lowered:
.L_overlay_start_0:
0x88: {  	s2 =	sld [smem:$0x3FD9]  }
0x89: {  	s3 =	sld [smem:$0x3FFE];
	_ =	sdelay $0x1  }
0x8a: {  	s1 =	srdreg.scid  }
0x8b: {  	s0 =	sand.u32 $0x1, s1  }
0x8c: {  	s17 =	sshll.u32 s0, $0xA;
	s2 =	sadd.s32 s3, s2  }
0x8d: {  	s2 =	sadd.s32 s2, s17  }
0x8e: {  	[smem:$0x3FC0] =	sst s2  }
0x8f: {  	_ = 	snop  }
0x90: {  	s2 =	sld [smem:$0x3FD0];
	(tm) =	ssettm $0x1  }
0x91: {  	s18 =	sld [smem:$0x3FFB];
	_ =	sdelay $0x3  }
0x92: {  	_ =	strace s18  }
0x93: {  	s3 =	sld [smem:$0x3FFC];
	_ =	sdelay $0x3  }
0x94: {  	_ =	strace s3  }
0x95: {  	s3 =	sld [smem:$0x3FFD];
	_ =	sdelay $0x3  }
0x96: {  	_ =	strace s3  }
0x97: {  	_ =	strace $0x8FFFFFFF  }
0x98: {  	s19 =	sld [smem:$0x3FDB];
	_ =	sdelay $0x1  }
0x99: {  	s4 =	simm.s32 $_scs_section_size  }
0x9a: {  	s5 =	simm.s32 $_size__tile_overlayer_lowered;
	s6 =	simm.s32 $_tile_overlayer_lowered  }
0x9b: {  	s22 =	simm.s32 $0x1BFF;
	s21 =	sshll.u32 s6, $0x1;
	s3 =	sadd.s32 s4, s19  }
0x9c: {  	s7 =	simm.s32 $0x0;
	s20 =	sshll.u32 s5, $0x1;
	s5 =	sadd.s32 s21, s3  }
0x9d: {  	[timem:s7], [sflag:s22] =	dma.local [hbm:s5], s20  }
0x9e: {  	_ =	swait.ge [sflag:s22], s20  }
0x9f: {  	s4 =	ssub.s32 $0x0, s20;
	[sflag:s22] =	ssyncset.done $0x0  }
0xa0: {  	[sflag:s22] =	ssyncadd.s32 s4;
	_ =	sdelay $0x1  }
0xa1: {  	s23 =	simm.s32 $0x1B8B  }
0xa2: {  	_ =	swait.ge [sflag:s23], $0x1  }
0xa3: {  	[sflag:s23] =	ssyncset.done $0x0  }
0xa4: {  	s25 =	simm.s32 $0x1B8E;
	s24 =	sld [smem:$0x3FFE];
	[sflag:s23] =	ssyncadd.s32 $0xFFFFFFFF  }
0xa5: {  	s26 =	simm.s32 $execute0_lowered;
	[smem:$0x3FD2] =	sst s25  }
0xa6: {  	s5 =	sshll.u32 s26, $0x1;
	_ =	strace $0x8000004C;
	[dreg:$0x1] =	wrdreg $0xFFFFFFFF  }
0xa7: {  	s28 =	simm.s32 $_size_execute0_lowered;
	s3 =	sadd.s32 s3, s5;
	[dreg:$0x0] =	wrdreg $0x0  }
0xa8: {  	s5 =	sshll.u32 s28, $0x1;
	[dreg:$0x2] =	wrdreg s3  }
0xa9: {  	[dreg:$0x3] =	wrdreg s5  }
0xaa: {  	[dreg:$0x4] =	wrdreg $0xC0  }
0xab: {  	_ =	task [dreg:s7], $0x5FFFF  }
0xac: {  	[dreg:$0x1] =	wrdreg $0xFFFFFFFF  }
0xad: {  	[dreg:$0x0] =	wrdreg $0x60  }
0xae: {  	[dreg:$0x2] =	wrdreg s24  }
0xaf: {  	[dreg:$0x3] =	wrdreg s2  }
0xb0: {  	[dreg:$0x4] =	wrdreg $0xF0000  }
0xb1: {  	[dreg:$0x5] =	wrdreg $0x9  }
0xb2: {  	_ =	task.clear_ibuf [dreg:s7], $0x6FFFF;
	_ =	strace $0x9000004C  }
0xb3: {  	s29 =	simm.s32 $0x9;
	_ =	strace $0x8000004E  }
0xb4: {  	_ =	swait.ge [sflag:s29], $0x1  }
0xb5: {  	[sflag:s29] =	ssyncadd.s32 $0xFFFFFFFF  }
0xb6: {  	_ =	strace $0x9000004E  }
0xb7: {  	_ =	sfence  }
0xb8: {  	s30 =	sld [smem:$0x0];
	_ =	sdelay $0x2  }
0xb9: {  	s31 =	sshll.u32 s1, $0xD;
	s1 =	sshrl.u32 s1, $0x2  }
0xba: {  	s3 =	sand.u32 $0x4000, s31;
	s1 =	sadd.s32 s1, s30  }
0xbb: {  	s0 =	sor.u32 s3, s0;
	s1 =	sshll.u32 s1, $0x11  }
0xbc: {  	s0 =	sor.u32 s1, s0  }
0xbd: {  	s0 =	sadd.s32 $0x8F2B, s0  }
0xbe: {  	[sflag:s0] =	ssyncadd.remote.s32 $0x1  }
0xbf: {  	_ =	sfence.sel $0xFFFF  }
0xc0: {  	[dreg:$0x0] =	wrdreg $0xFFFFFFFF;
	(pc) =	sbr.abs _section_cstart, $3  }
0xc1: {  	[dreg:$0x1] =	wrdreg $0xFFFFFFFF  }
0xc2: {  	_ =	task.clear_ibuf [dreg:s7], $0x2FFFF;
	_ =	strace $0x9FFFFFFF  }
0xc3: {  	(tm) =	ssettm $0x7FFFFFFF  }
tec
execute0_lowered:
.L_overlay_start_1:
0x0: {  	(tag) =	ssettag $0x1  }
0x1: {  	s0 =	rddreg [dreg:$0x0]  }
0x2: {  	s1 =	srdreg.scid;
	s6 =	rddreg [dreg:$0x1]  }
0x3: {  	s2 =	rddreg [dreg:$0x2];
	s11 =	stileid.u32  }
0x4: {  	s3 =	simm.s32 $0x0;
	s13 =	simm.s32 $0x5;
	s15 =	simm.s32 $0xD000  }
0x5: {  	s16 =	simm.s32 $0x80;
	s17 =	simm.s32 $0x5000;
	s18 =	simm.s32 $0x7000  }
0x6: {  	s20 =	simm.s32 $0x9000;
	s22 =	simm.s32 $0xB000;
	s24 =	simm.s32 $0x1  }
0x7: {  	s28 =	simm.s32 $0x3;
	s29 =	simm.s32 $0x4;
	s30 =	simm.s32 $0x4E00  }
0x8: {  	s31 =	simm.s32 $0x4E80;
	s1 =	sand.u32 $0x1, s1;
	s9 =	smul.u32 $0x28000, s11  }
0x9: {  	[smem:$0x7FF] =	sst s3;
	s26 =	smul.u32 $0xA000, s11;
	s4 =	sshll.u32 s1, $0x4  }
0xa: {  	_ =	strace $0x8000004D;
	s5 =	smul.u32 $0x14000, s1;
	s1 =	ssub.s32 $0x2, s1  }
0xb: {  	s4 =	sor.u32 s11, s4;
	s8 =	sshrl.u32 s1, $0x1;
	s25 =	sshrl.u32 s9, $0x2  }
0xc: {  	s14 =	sshrl.u32 s26, $0x3;
	s19 =	sadd.s32 s26, s2;
	s7 =	smul.u32 $0x500, s4  }
0xd: {  	s26 =	simm.s32 $0x2;
	s4 =	sadd.s32 $0xD400, s0;
	s1 =	ssub.s32 s1, s8  }
0xe: {  	s8 =	smax.u32 s1, $0x1;
	s1 =	simm.s32 $0x4F80;
	s10 =	sadd.s32 s7, s0  }
0xf: {  	s0 =	sadd.s32 s5, s0;
	s6 =	sadd.s32 s6, s7;
	s7 =	sadd.s32 s25, s2  }
0x10: {  	s25 =	sshrl.u32 s19, $0x3;
	s5 =	sadd.s32 $0x3400, s10;
	s0 =	sadd.s32 $0x21400, s0  }
0x11: {  	s9 =	sadd.s32 $0x2000, s7;
	s10 =	sadd.s32 $0x4000, s7;
	s11 =	sadd.s32 $0x6000, s7  }
0x12: {  	v0 =	vimm.f32 $0.0e+00;
	s12 =	sadd.s32 $0x8000, s7;
	s23 =	sadd.s32 s14, s0;
	s0 =	simm.s32 $0x4F00  }
.LBB2_1:
0x13: {  	s19 =	simm.s32 $0x100;
	s14 =	simm.s32 $0x0  }
.LBB2_2:
0x14: {  	p0 =	sne.s32 s19, $0x7F00;
	[tilespmem:s14+$0xD030] =	vst v0;
	s21 =	smov.u32 s19;
	s19 =	sadd.s32 $0x100, s19  }
.Ltmp0:
0x15: {  	[tilespmem:s14+$0xD020] =	vst v0;
	(pc) =	sbr.rel @p0 .LBB2_2-.Ltmp0, $3  }
0x16: {  	[tilespmem:s14+$0xD000] =	vst v0  }
0x17: {  	[tilespmem:s14+$0xD010] =	vst v0;
	_ =	sdelay $0x1  }
0x18: {  	s14 =	sshra.s32 s21, $0x2  }
0x19: {  	[tilespmem:s14+$0xD030] =	vst v0  }
0x1a: {  	[tilespmem:s14+$0xD020] =	vst v0  }
0x1b: {  	[tilespmem:s14+$0xD000] =	vst v0  }
0x1c: {  	[tilespmem:s14+$0xD010] =	vst v0;
	s21 =	simm.s32 $0x0  }
0x1d: {  	[tilespmem:s21], [sflag:$0x5] =	stream.linear.gather [hbm4b:s5+s21], $0x2800, $0x38;
	[tilespmem:$0x19000] =	vst v63  }
0x1e: {  	_ =	swait.ge [sflag:s13], $0x2800  }
0x1f: {  	[sflag:s13] =	ssyncset.done $0x0  }
0x20: {  	s19 =	simm.s32 $0x2800;
	[sflag:s13] =	ssyncadd.s32 $0xFFFFD800  }
0x21: {  	[tilespmem:s19], [sflag:$0x5] =	stream.linear.gather [hbm4b:s6+s21], $0x2800, $0x38;
	[tilespmem:$0x19000] =	vst v63  }
0x22: {  	_ =	swait.ge [sflag:s13], $0x2800  }
0x23: {  	[sflag:s13] =	ssyncset.done $0x0  }
0x24: {  	[sflag:s13] =	ssyncadd.s32 $0xFFFFD800  }
0x25: {  	[spmem:s7] =	stream.linear.scatter [tilespmem:s15], [sflag:$0x5], $0x2000, $0x38;
	[tilespmem:$0x19000] =	vst v63  }
0x26: {  	_ =	swait.ge [sflag:s13], $0x2000  }
0x27: {  	[sflag:s13] =	ssyncset.done $0x0  }
0x28: {  	[sflag:s13] =	ssyncadd.s32 $0xFFFFE000  }
0x29: {  	[spmem:s9] =	stream.linear.scatter [tilespmem:s15], [sflag:$0x5], $0x2000, $0x38;
	[tilespmem:$0x19000] =	vst v63  }
0x2a: {  	_ =	swait.ge [sflag:s13], $0x2000  }
0x2b: {  	[sflag:s13] =	ssyncset.done $0x0  }
0x2c: {  	[sflag:s13] =	ssyncadd.s32 $0xFFFFE000  }
0x2d: {  	[spmem:s10] =	stream.linear.scatter [tilespmem:s15], [sflag:$0x5], $0x2000, $0x38;
	[tilespmem:$0x19000] =	vst v63  }
0x2e: {  	_ =	swait.ge [sflag:s13], $0x2000  }
0x2f: {  	[sflag:s13] =	ssyncset.done $0x0  }
0x30: {  	[sflag:s13] =	ssyncadd.s32 $0xFFFFE000  }
0x31: {  	[spmem:s11] =	stream.linear.scatter [tilespmem:s15], [sflag:$0x5], $0x2000, $0x38;
	[tilespmem:$0x19000] =	vst v63  }
0x32: {  	_ =	swait.ge [sflag:s13], $0x2000  }
0x33: {  	[sflag:s13] =	ssyncset.done $0x0  }
0x34: {  	[sflag:s13] =	ssyncadd.s32 $0xFFFFE000  }
0x35: {  	[spmem:s12] =	stream.linear.scatter [tilespmem:s15], [sflag:$0x5], $0x2000, $0x38;
	[tilespmem:$0x19000] =	vst v63  }
0x36: {  	_ =	swait.ge [sflag:s13], $0x2000  }
0x37: {  	[sflag:s13] =	ssyncset.done $0x0  }
0x38: {  	[sflag:s13] =	ssyncadd.s32 $0xFFFFE000  }
0x39: {  	[bflag:$0x0] =	sbarrier.arrive $0xFFFF  }
0x3a: {  	[tilespmem:s17], [sflag:$0x1] =	stream.indirect.gather [hbm4b:s4+s16], $0x40, s21, s16, $0xb8;
	[tilespmem:$0x19000] =	vst v63  }
0x3b: {  	_ = 	snop  }
0x3c: {  	[tilespmem:s18], [sflag:$0x2] =	stream.indirect.gather [hbm4b:s4+s16], $0x40, s16, s16, $0xb8;
	[tilespmem:$0x19000] =	vst v63  }
0x3d: {  	s21 =	simm.s32 $0x100  }
0x3e: {  	[tilespmem:s20], [sflag:$0x3] =	stream.indirect.gather [hbm4b:s4+s16], $0x40, s21, s16, $0xb8;
	[tilespmem:$0x19000] =	vst v63  }
0x3f: {  	s19 =	simm.s32 $0x180  }
0x40: {  	[tilespmem:s22], [sflag:$0x4] =	stream.indirect.gather [hbm4b:s4+s16], $0x40, s19, s16, $0xb8;
	[tilespmem:$0x19000] =	vst v63  }
0x41: {  	_ =	swait.ge [sflag:s24], $0x2000  }
0x42: {  	[sflag:s24] =	ssyncset.done $0x0  }
0x43: {  	s21 =	simm.s32 $0x2800;
	[sflag:s24] =	ssyncadd.s32 $0xFFFFE000  }
0x44: {  	[spmem:s2] =	stream.indirect.scatter.add.f32 [tilespmem:s17], [sflag:$0x5], $0x40, s21, s16, $0xb8;
	[tilespmem:$0x19000] =	vst v63  }
0x45: {  	_ =	swait.ge [sflag:s13], $0x2000  }
0x46: {  	[sflag:s13] =	ssyncset.done $0x0  }
0x47: {  	s19 =	simm.s32 $0x200;
	[sflag:s13] =	ssyncadd.s32 $0xFFFFE000  }
0x48: {  	[tilespmem:s17], [sflag:$0x1] =	stream.indirect.gather [hbm4b:s4+s16], $0x40, s19, s16, $0xb8;
	[tilespmem:$0x19000] =	vst v63  }
0x49: {  	_ =	swait.ge [sflag:s26], $0x2000  }
0x4a: {  	[sflag:s26] =	ssyncset.done $0x0  }
0x4b: {  	s21 =	simm.s32 $0x2880;
	[sflag:s26] =	ssyncadd.s32 $0xFFFFE000  }
0x4c: {  	[spmem:s2] =	stream.indirect.scatter.add.f32 [tilespmem:s18], [sflag:$0x5], $0x40, s21, s16, $0xb8;
	[tilespmem:$0x19000] =	vst v63  }
0x4d: {  	_ =	swait.ge [sflag:s13], $0x2000  }
0x4e: {  	[sflag:s13] =	ssyncset.done $0x0  }
0x4f: {  	s19 =	simm.s32 $0x280;
	[sflag:s13] =	ssyncadd.s32 $0xFFFFE000  }
0x50: {  	[tilespmem:s18], [sflag:$0x2] =	stream.indirect.gather [hbm4b:s4+s16], $0x40, s19, s16, $0xb8;
	[tilespmem:$0x19000] =	vst v63  }
0x51: {  	_ =	swait.ge [sflag:s28], $0x2000  }
0x52: {  	[sflag:s28] =	ssyncset.done $0x0  }
0x53: {  	s21 =	simm.s32 $0x2900;
	[sflag:s28] =	ssyncadd.s32 $0xFFFFE000  }
0x54: {  	[spmem:s2] =	stream.indirect.scatter.add.f32 [tilespmem:s20], [sflag:$0x5], $0x40, s21, s16, $0xb8;
	[tilespmem:$0x19000] =	vst v63  }
0x55: {  	_ =	swait.ge [sflag:s13], $0x2000  }
0x56: {  	[sflag:s13] =	ssyncset.done $0x0  }
0x57: {  	s19 =	simm.s32 $0x300;
	[sflag:s13] =	ssyncadd.s32 $0xFFFFE000  }
0x58: {  	[tilespmem:s20], [sflag:$0x3] =	stream.indirect.gather [hbm4b:s4+s16], $0x40, s19, s16, $0xb8;
	[tilespmem:$0x19000] =	vst v63  }
0x59: {  	_ =	swait.ge [sflag:s29], $0x2000  }
0x5a: {  	[sflag:s29] =	ssyncset.done $0x0  }
0x5b: {  	s21 =	simm.s32 $0x2980;
	[sflag:s29] =	ssyncadd.s32 $0xFFFFE000  }
0x5c: {  	[spmem:s2] =	stream.indirect.scatter.add.f32 [tilespmem:s22], [sflag:$0x5], $0x40, s21, s16, $0xb8;
	[tilespmem:$0x19000] =	vst v63  }
0x5d: {  	_ =	swait.ge [sflag:s13], $0x2000  }
0x5e: {  	[sflag:s13] =	ssyncset.done $0x0  }
0x5f: {  	s14 =	simm.s32 $0x800;
	s19 =	simm.s32 $0x380;
	[sflag:s13] =	ssyncadd.s32 $0xFFFFE000  }
.LBB2_4:
0x60: {  	[tilespmem:s22], [sflag:$0x4] =	stream.indirect.gather [hbm4b:s4+s16], $0x40, s19, s16, $0xb8;
	[tilespmem:$0x19000] =	vst v63  }
0x61: {  	s19 =	smov.u32 s14  }
0x62: {  	p0 =	sne.s32 s14, $0x9000;
	s14 =	sadd.s32 $0x800, s14;
	_ =	swait.ge [sflag:s24], $0x2000  }
0x63: {  	s19 =	sshra.s32 s19, $0x2;
	[sflag:s24] =	ssyncset.done $0x0  }
0x64: {  	s21 =	sadd.s32 $0x2800, s19;
	[sflag:s24] =	ssyncadd.s32 $0xFFFFE000  }
0x65: {  	[spmem:s2] =	stream.indirect.scatter.add.f32 [tilespmem:s17], [sflag:$0x5], $0x40, s21, s16, $0xb8;
	[tilespmem:$0x19000] =	vst v63  }
0x66: {  	_ =	swait.ge [sflag:s13], $0x2000  }
0x67: {  	[sflag:s13] =	ssyncset.done $0x0  }
0x68: {  	s21 =	sadd.s32 $0x200, s19;
	[sflag:s13] =	ssyncadd.s32 $0xFFFFE000  }
0x69: {  	[tilespmem:s17], [sflag:$0x1] =	stream.indirect.gather [hbm4b:s4+s16], $0x40, s21, s16, $0xb8;
	[tilespmem:$0x19000] =	vst v63  }
0x6a: {  	_ =	swait.ge [sflag:s26], $0x2000  }
0x6b: {  	[sflag:s26] =	ssyncset.done $0x0  }
0x6c: {  	s21 =	sadd.s32 $0x2880, s19;
	[sflag:s26] =	ssyncadd.s32 $0xFFFFE000  }
0x6d: {  	[spmem:s2] =	stream.indirect.scatter.add.f32 [tilespmem:s18], [sflag:$0x5], $0x40, s21, s16, $0xb8;
	[tilespmem:$0x19000] =	vst v63  }
0x6e: {  	_ =	swait.ge [sflag:s13], $0x2000  }
0x6f: {  	[sflag:s13] =	ssyncset.done $0x0  }
0x70: {  	s21 =	sadd.s32 $0x280, s19;
	[sflag:s13] =	ssyncadd.s32 $0xFFFFE000  }
0x71: {  	[tilespmem:s18], [sflag:$0x2] =	stream.indirect.gather [hbm4b:s4+s16], $0x40, s21, s16, $0xb8;
	[tilespmem:$0x19000] =	vst v63  }
0x72: {  	_ =	swait.ge [sflag:s28], $0x2000  }
0x73: {  	[sflag:s28] =	ssyncset.done $0x0  }
0x74: {  	s21 =	sadd.s32 $0x2900, s19;
	[sflag:s28] =	ssyncadd.s32 $0xFFFFE000  }
0x75: {  	[spmem:s2] =	stream.indirect.scatter.add.f32 [tilespmem:s20], [sflag:$0x5], $0x40, s21, s16, $0xb8;
	[tilespmem:$0x19000] =	vst v63  }
0x76: {  	_ =	swait.ge [sflag:s13], $0x2000  }
0x77: {  	[sflag:s13] =	ssyncset.done $0x0  }
0x78: {  	s21 =	sadd.s32 $0x300, s19;
	[sflag:s13] =	ssyncadd.s32 $0xFFFFE000  }
0x79: {  	[tilespmem:s20], [sflag:$0x3] =	stream.indirect.gather [hbm4b:s4+s16], $0x40, s21, s16, $0xb8;
	[tilespmem:$0x19000] =	vst v63  }
0x7a: {  	_ =	swait.ge [sflag:s29], $0x2000  }
0x7b: {  	[sflag:s29] =	ssyncset.done $0x0  }
.Ltmp1:
0x7c: {  	s21 =	sadd.s32 $0x2980, s19;
	[sflag:s29] =	ssyncadd.s32 $0xFFFFE000;
	(pc) =	sbr.rel @p0 .LBB2_4-.Ltmp1, $4  }
0x7d: {  	[spmem:s2] =	stream.indirect.scatter.add.f32 [tilespmem:s22], [sflag:$0x5], $0x40, s21, s16, $0xb8;
	[tilespmem:$0x19000] =	vst v63  }
0x7e: {  	_ =	swait.ge [sflag:s13], $0x2000  }
0x7f: {  	[sflag:s13] =	ssyncset.done $0x0  }
0x80: {  	s19 =	sadd.s32 $0x380, s19;
	[sflag:s13] =	ssyncadd.s32 $0xFFFFE000  }
0x81: {  	[tilespmem:s22], [sflag:$0x4] =	stream.indirect.gather [hbm4b:s4+s16], $0x40, s19, s16, $0xb8;
	[tilespmem:$0x19000] =	vst v63  }
0x82: {  	_ =	swait.ge [sflag:s24], $0x2000  }
0x83: {  	[sflag:s24] =	ssyncset.done $0x0  }
0x84: {  	[sflag:s24] =	ssyncadd.s32 $0xFFFFE000  }
0x85: {  	[spmem:s2] =	stream.indirect.scatter.add.f32 [tilespmem:s17], [sflag:$0x5], $0x40, s30, s16, $0xb8;
	[tilespmem:$0x19000] =	vst v63  }
0x86: {  	_ =	swait.ge [sflag:s13], $0x2000  }
0x87: {  	[sflag:s13] =	ssyncset.done $0x0  }
0x88: {  	[sflag:s13] =	ssyncadd.s32 $0xFFFFE000  }
0x89: {  	_ =	swait.ge [sflag:s26], $0x2000  }
0x8a: {  	[sflag:s26] =	ssyncset.done $0x0  }
0x8b: {  	[sflag:s26] =	ssyncadd.s32 $0xFFFFE000  }
0x8c: {  	[spmem:s2] =	stream.indirect.scatter.add.f32 [tilespmem:s18], [sflag:$0x5], $0x40, s31, s16, $0xb8;
	[tilespmem:$0x19000] =	vst v63  }
0x8d: {  	_ =	swait.ge [sflag:s13], $0x2000  }
0x8e: {  	[sflag:s13] =	ssyncset.done $0x0  }
0x8f: {  	[sflag:s13] =	ssyncadd.s32 $0xFFFFE000  }
0x90: {  	_ =	swait.ge [sflag:s28], $0x2000  }
0x91: {  	[sflag:s28] =	ssyncset.done $0x0  }
0x92: {  	[sflag:s28] =	ssyncadd.s32 $0xFFFFE000  }
0x93: {  	[spmem:s2] =	stream.indirect.scatter.add.f32 [tilespmem:s20], [sflag:$0x5], $0x40, s0, s16, $0xb8;
	[tilespmem:$0x19000] =	vst v63  }
0x94: {  	_ =	swait.ge [sflag:s13], $0x2000  }
0x95: {  	[sflag:s13] =	ssyncset.done $0x0  }
0x96: {  	[sflag:s13] =	ssyncadd.s32 $0xFFFFE000  }
0x97: {  	_ =	swait.ge [sflag:s29], $0x2000  }
0x98: {  	[sflag:s29] =	ssyncset.done $0x0  }
0x99: {  	[sflag:s29] =	ssyncadd.s32 $0xFFFFE000  }
0x9a: {  	[spmem:s2] =	stream.indirect.scatter.add.f32 [tilespmem:s22], [sflag:$0x5], $0x40, s1, s16, $0xb8;
	[tilespmem:$0x19000] =	vst v63  }
0x9b: {  	_ =	swait.ge [sflag:s13], $0x2000  }
0x9c: {  	s14 =	stileid.u32;
	s3 =	sadd.s32 $0x1, s3;
	[sflag:s13] =	ssyncset.done $0x0  }
0x9d: {  	s14 =	sshll.u32 s14, $0x6;
	p0 =	sne.s32 s3, s8;
	[sflag:s13] =	ssyncadd.s32 $0xFFFFE000  }
.Ltmp2:
0x9e: {  	s14 =	sor.u32 $0x1C05, s14;
	[bflag:$0x0] =	sbarrier.arrive $0xFFFF;
	(pc) =	sbr.rel @p0 .LBB2_1-.Ltmp2, $4  }
0x9f: {  	[hbm:s23], [sflag:s14] =	dma.local [spmem:s25], $0x1400  }
0xa0: {  	_ =	swait.ge [sflag:s13], $0x1400  }
0xa1: {  	[sflag:s13] =	ssyncset.done $0x0  }
0xa2: {  	[sflag:s13] =	ssyncadd.s32 $0xFFFFEC00  }
0xa3: {  	_ =	sfence.sel $0x180000  }
0xa4: {  	[bflag:$0x0] =	sbarrier.arrive $0xFFFF  }
0xa5: {  	_ =	strace $0x9000004D  }
0xa6: {  	s0 =	stileid.u32;
	[bflag:$0x2] =	sbarrier.arrive $0xFFFF  }
0xa7: {  	p0 =	sne.s32 s0, $0x0;
	s0 =	rddreg [dreg:$0x3]  }
0xa8: {  	s0 =	sadd.s32 @!p0 $0x100000, s0  }
0xa9: {  	[sflag:s0] =	ssyncadd.tile.s32 @!p0 $0x1;
	_ =	shalt  }
.Lfunc_end2:
_tile_overlayer_lowered:
.L_overlay_start_2:
0xaa: {  	(tag) =	ssettag $0x2  }
0xab: {  	s0 =	rddreg [dreg:$0x0];
	s2 =	stileid.u32  }
0xac: {  	s1 =	rddreg [dreg:$0x1];
	p0 =	sne.s32 s2, $0x0  }
0xad: {  	s3 =	rddreg [dreg:$0x2];
	[bflag:$0x3] =	sbarrier.arrive $0xFFFF;
	s2 =	simm.s32 @!p0 $0x1C05  }
0xae: {  	[timem:s3], [sflag:s2] =	dma.local @!p0 [hbm:s0], s1  }
0xaf: {  	s0 =	simm.s32 @!p0 $0x5  }
0xb0: {  	_ =	swait.ge @!p0 [sflag:s0], s1  }
0xb1: {  	s1 =	ssub.s32 @!p0 $0x0, s1;
	[sflag:s0] =	ssyncset.done @!p0 $0x0  }
0xb2: {  	[sflag:s0] =	ssyncadd.s32 @!p0 s1  }
0xb3: {  	[bflag:$0x3] =	sbarrier.arrive $0xFFFF  }
0xb4: {  	_ =	shalt  }

// kernel: kernel.19.cloned.1.call-start
scs
__scs_entry_jumppad:
0x0: {  	(pc) =	sbr.rel $0x88, $3  }
0x1: {  	(tag) =	ssettag $0x0;
	lr =	simm.s32 $0x1  }
0x2: {  	[smem:$0x3F99] =	sst lr;
	_ =	strace $0xD0000000  }
0x3: {  	_ = 	snop  }
0x4: {  	_ = 	snop  }
0x5: {  	_ = 	snop  }
0x6: {  	_ = 	snop  }
0x7: {  	_ = 	snop  }
__scs_overlays_trampoline_lowered:
0x8: {  	[smem:$0x3FA8] =	sst s0  }
0x9: {  	[smem:$0x3FA9] =	sst s1  }
0xa: {  	[smem:$0x3FAA] =	sst s2  }
0xb: {  	[smem:$0x3FAB] =	sst s3  }
0xc: {  	[smem:$0x3FAC] =	sst s4  }
0xd: {  	[smem:$0x3FAD] =	sst s5  }
0xe: {  	[smem:$0x3FAE] =	sst s6  }
0xf: {  	[smem:$0x3FAF] =	sst s7  }
0x10: {  	[smem:$0x3FB0] =	sst s8  }
0x11: {  	[smem:$0x3FB1] =	sst s9;
	s0 =	simm.s32 @!p0 $0x0  }
0x12: {  	s1 =	sld [smem:$0x3F97];
	s0 =	simm.s32 @p0 $0x1  }
0x13: {  	[smem:$0x3FB2] =	sst s0;
	s0 =	simm.s32 @!p1 $0x0  }
0x14: {  	s2 =	sld [smem:$0x3F96];
	s0 =	simm.s32 @p1 $0x1  }
0x15: {  	[smem:$0x3FB3] =	sst s0;
	s0 =	simm.s32 @!p2 $0x0  }
0x16: {  	s3 =	sld [smem:$0x3FDB];
	s0 =	simm.s32 @p2 $0x1  }
0x17: {  	s4 =	simm.s32 $0x1BF5;
	[smem:$0x3FB5] =	sst s0  }
0x18: {  	s0 =	sld [smem:$0x3F98];
	_ =	swait.ge [sflag:s4], $0x0  }
0x19: {  	s7 =	sld [smem:$0x3F99]  }
0x1a: {  	s8 =	sadd.s32 $0xFFFFE003, lr  }
0x1b: {  	s9 =	sadd.s32 $0xFFFFFEF7, lr;
	s5 =	simm.s32 $0xFFFFFFFF;
	p2 =	slt.u32 s8, $0xFFFFF086  }
0x1c: {  	p1 =	slt.u32 s9, $0xF7A;
	s5 =	simm.s32 @!p2 $0x0  }
0x1d: {  	s5 =	simm.s32 @p1 $0x1;
	p0 =	seq.s32 s7, s2  }
0x1e: {  	s7 =	smul.u32 @!p0 $0xF7A, s2;
	p2 =	seq.s32 @!p0 s5, $0x0  }
0x1f: {  	s9 =	smul.u32 $0xF7A, s1;
	s8 =	simm.s32 @!p0 $0x1BF5;
	p2 =	por !p2, p0  }
0x20: {  	[sflag:s8] =	ssyncset.s32 @!p0 $0xFFFFF086;
	s6 =	sadd.s32 @!p0 s3, s7;
	s7 =	simm.s32 @!p0 $0x108  }
0x21: {  	s3 =	sadd.s32 s3, s9;
	s6 =	sadd.s32 @!p0 $0x88, s6;
	s7 =	simm.s32 @p2 $0x1082  }
0x22: {  	[simem:s7], [sflag:s8] =	dma.local @!p0 [hbm:s6], $0xF7A  }
0x23: {  	s9 =	sor.u32 $0xD0000000, s2;
	s6 =	simm.s32 $0x108;
	_ =	swait.ge @!p0 [sflag:s8], $0x0  }
0x24: {  	s3 =	sadd.s32 $0x88, s3;
	s6 =	simm.s32 @!p1 $0x1082;
	[sflag:s4] =	ssyncset.s32 $0xFFFFF086  }
0x25: {  	[simem:s6], [sflag:s4] =	dma.local [hbm:s3], $0xF7A  }
0x26: {  	[smem:$0x3F99] =	sst s1;
	(tag) =	ssettag s2;
	_ =	strace s9  }
0x27: {  	s1 =	sld [smem:$0x3FA9]  }
0x28: {  	s2 =	sld [smem:$0x3FAA]  }
0x29: {  	s4 =	sld [smem:$0x3FAC]  }
0x2a: {  	p0 =	seq.s32 s5, $0x0;
	s5 =	sld [smem:$0x3FAD]  }
0x2b: {  	s6 =	sld [smem:$0x3FAE]  }
0x2c: {  	s7 =	sld [smem:$0x3FAF]  }
0x2d: {  	s3 =	simm.s32 $0x108;
	s8 =	sld [smem:$0x3FB0]  }
0x2e: {  	s3 =	simm.s32 @!p0 $0x1082;
	s9 =	sld [smem:$0x3FB1]  }
0x2f: {  	lr =	sadd.s32 s0, s3;
	s0 =	sld [smem:$0x3FA8]  }
0x30: {  	s3 =	sld [smem:$0x3FAB]  }
0x31: {  	[smem:$0x3FB4] =	sst s10  }
0x32: {  	s10 =	sld [smem:$0x3FB2];
	_ =	sdelay $0x3  }
0x33: {  	p0 =	seq.s32 s10, $0x1;
	s10 =	sld [smem:$0x3FB4];
	_ =	sdelay $0x3  }
0x34: {  	[smem:$0x3FB4] =	sst s10  }
0x35: {  	s10 =	sld [smem:$0x3FB3];
	_ =	sdelay $0x3  }
0x36: {  	p1 =	seq.s32 s10, $0x1;
	s10 =	sld [smem:$0x3FB4];
	_ =	sdelay $0x3  }
0x37: {  	[smem:$0x3FB4] =	sst s10  }
0x38: {  	s10 =	sld [smem:$0x3FB5]  }
0x39: {  	_ = 	snop;
	(pc) =	sbr.ind lr, $3  }
0x3a: {  	_ = 	snop  }
0x3b: {  	_ = 	snop  }
0x3c: {  	p2 =	seq.s32 s10, $0x1;
	s10 =	sld [smem:$0x3FB4]  }
0x3d: {  	_ =	shalt  }
0x3e: {  	_ =	shalt  }
0x3f: {  	_ =	shalt  }
0x40: {  	_ =	shalt  }
0x41: {  	_ =	shalt  }
0x42: {  	_ =	shalt  }
0x43: {  	_ =	shalt  }
0x44: {  	_ =	shalt  }
0x45: {  	_ =	shalt  }
0x46: {  	_ =	shalt  }
0x47: {  	_ =	shalt  }
0x48: {  	_ =	shalt  }
0x49: {  	_ =	shalt  }
0x4a: {  	_ =	shalt  }
0x4b: {  	_ =	shalt  }
0x4c: {  	_ =	shalt  }
0x4d: {  	_ =	shalt  }
0x4e: {  	_ =	shalt  }
0x4f: {  	_ =	shalt  }
0x50: {  	_ =	shalt  }
0x51: {  	_ =	shalt  }
0x52: {  	_ =	shalt  }
0x53: {  	_ =	shalt  }
0x54: {  	_ =	shalt  }
0x55: {  	_ =	shalt  }
0x56: {  	_ =	shalt  }
0x57: {  	_ =	shalt  }
0x58: {  	_ =	shalt  }
0x59: {  	_ =	shalt  }
0x5a: {  	_ =	shalt  }
0x5b: {  	_ =	shalt  }
0x5c: {  	_ =	shalt  }
0x5d: {  	_ =	shalt  }
0x5e: {  	_ =	shalt  }
0x5f: {  	_ =	shalt  }
0x60: {  	_ =	shalt  }
0x61: {  	_ =	shalt  }
0x62: {  	_ =	shalt  }
0x63: {  	_ =	shalt  }
0x64: {  	_ =	shalt  }
0x65: {  	_ =	shalt  }
0x66: {  	_ =	shalt  }
0x67: {  	_ =	shalt  }
0x68: {  	_ =	shalt  }
0x69: {  	_ =	shalt  }
0x6a: {  	_ =	shalt  }
0x6b: {  	_ =	shalt  }
0x6c: {  	_ =	shalt  }
0x6d: {  	_ =	shalt  }
0x6e: {  	_ =	shalt  }
0x6f: {  	_ =	shalt  }
0x70: {  	_ =	shalt  }
0x71: {  	_ =	shalt  }
0x72: {  	_ =	shalt  }
0x73: {  	_ =	shalt  }
0x74: {  	_ =	shalt  }
0x75: {  	_ =	shalt  }
0x76: {  	_ =	shalt  }
0x77: {  	_ =	shalt  }
0x78: {  	_ =	shalt  }
0x79: {  	_ =	shalt  }
0x7a: {  	_ =	shalt  }
0x7b: {  	_ =	shalt  }
0x7c: {  	_ =	shalt  }
0x7d: {  	_ =	shalt  }
0x7e: {  	_ =	shalt  }
0x7f: {  	_ =	shalt  }
0x80: {  	_ =	shalt  }
0x81: {  	_ =	shalt  }
0x82: {  	_ =	shalt  }
0x83: {  	_ =	shalt  }
0x84: {  	_ =	shalt  }
0x85: {  	_ =	shalt  }
0x86: {  	_ =	shalt  }
0x87: {  	_ =	shalt  }
.Lfunc_end0:
.L_simem_size_0:
called_computation.3_lowered:
.L_overlay_start_0:
0x88: {  	s2 =	sld [smem:$0x3FD9]  }
0x89: {  	s3 =	sld [smem:$0x3FFE];
	_ =	sdelay $0x1  }
0x8a: {  	s1 =	srdreg.scid  }
0x8b: {  	s0 =	sand.u32 $0x1, s1  }
0x8c: {  	s17 =	sshll.u32 s0, $0xA;
	s2 =	sadd.s32 s3, s2  }
0x8d: {  	s2 =	sadd.s32 s2, s17  }
0x8e: {  	[smem:$0x3FC0] =	sst s2  }
0x8f: {  	_ = 	snop  }
0x90: {  	s2 =	sld [smem:$0x3FD0];
	(tm) =	ssettm $0x1  }
0x91: {  	s18 =	sld [smem:$0x3FFB];
	_ =	sdelay $0x3  }
0x92: {  	_ =	strace s18  }
0x93: {  	s3 =	sld [smem:$0x3FFC];
	_ =	sdelay $0x3  }
0x94: {  	_ =	strace s3  }
0x95: {  	s3 =	sld [smem:$0x3FFD];
	_ =	sdelay $0x3  }
0x96: {  	_ =	strace s3  }
0x97: {  	_ =	strace $0x8FFFFFFF  }
0x98: {  	s19 =	sld [smem:$0x3FDB];
	_ =	sdelay $0x1  }
0x99: {  	s4 =	simm.s32 $_scs_section_size  }
0x9a: {  	s5 =	simm.s32 $_size__tile_overlayer_lowered;
	s6 =	simm.s32 $_tile_overlayer_lowered  }
0x9b: {  	s22 =	simm.s32 $0x1BFF;
	s21 =	sshll.u32 s6, $0x1;
	s3 =	sadd.s32 s4, s19  }
0x9c: {  	s7 =	simm.s32 $0x0;
	s20 =	sshll.u32 s5, $0x1;
	s5 =	sadd.s32 s21, s3  }
0x9d: {  	[timem:s7], [sflag:s22] =	dma.local [hbm:s5], s20  }
0x9e: {  	_ =	swait.ge [sflag:s22], s20  }
0x9f: {  	s4 =	ssub.s32 $0x0, s20;
	[sflag:s22] =	ssyncset.done $0x0  }
0xa0: {  	[sflag:s22] =	ssyncadd.s32 s4;
	_ =	sdelay $0x1  }
0xa1: {  	s23 =	simm.s32 $0x1B8B  }
0xa2: {  	_ =	swait.ge [sflag:s23], $0x1  }
0xa3: {  	[sflag:s23] =	ssyncset.done $0x0  }
0xa4: {  	s25 =	simm.s32 $0x1B8E;
	s24 =	sld [smem:$0x3FFE];
	[sflag:s23] =	ssyncadd.s32 $0xFFFFFFFF  }
0xa5: {  	s26 =	simm.s32 $execute0_lowered;
	[smem:$0x3FD2] =	sst s25  }
0xa6: {  	s5 =	sshll.u32 s26, $0x1;
	_ =	strace $0x8000004F;
	[dreg:$0x1] =	wrdreg $0xFFFFFFFF  }
0xa7: {  	s28 =	simm.s32 $_size_execute0_lowered;
	s3 =	sadd.s32 s3, s5;
	[dreg:$0x0] =	wrdreg $0x0  }
0xa8: {  	s5 =	sshll.u32 s28, $0x1;
	[dreg:$0x2] =	wrdreg s3  }
0xa9: {  	[dreg:$0x3] =	wrdreg s5  }
0xaa: {  	[dreg:$0x4] =	wrdreg $0xC0  }
0xab: {  	_ =	task [dreg:s7], $0x5FFFF  }
0xac: {  	[dreg:$0x1] =	wrdreg $0xFFFFFFFF  }
0xad: {  	[dreg:$0x0] =	wrdreg $0x60  }
0xae: {  	[dreg:$0x2] =	wrdreg s24  }
0xaf: {  	[dreg:$0x3] =	wrdreg s2  }
0xb0: {  	[dreg:$0x4] =	wrdreg $0xF0000  }
0xb1: {  	[dreg:$0x5] =	wrdreg $0x9  }
0xb2: {  	_ =	task.clear_ibuf [dreg:s7], $0x6FFFF;
	_ =	strace $0x9000004F  }
0xb3: {  	s29 =	simm.s32 $0x9;
	_ =	strace $0x80000051  }
0xb4: {  	_ =	swait.ge [sflag:s29], $0x1  }
0xb5: {  	[sflag:s29] =	ssyncadd.s32 $0xFFFFFFFF  }
0xb6: {  	_ =	strace $0x90000051  }
0xb7: {  	_ =	sfence  }
0xb8: {  	s30 =	sld [smem:$0x0];
	_ =	sdelay $0x2  }
0xb9: {  	s31 =	sshll.u32 s1, $0xD;
	s1 =	sshrl.u32 s1, $0x2  }
0xba: {  	s3 =	sand.u32 $0x4000, s31;
	s1 =	sadd.s32 s1, s30  }
0xbb: {  	s0 =	sor.u32 s3, s0;
	s1 =	sshll.u32 s1, $0x11  }
0xbc: {  	s0 =	sor.u32 s1, s0  }
0xbd: {  	s0 =	sadd.s32 $0x8F2B, s0  }
0xbe: {  	[sflag:s0] =	ssyncadd.remote.s32 $0x1  }
0xbf: {  	_ =	sfence.sel $0xFFFF  }
0xc0: {  	[dreg:$0x0] =	wrdreg $0xFFFFFFFF;
	(pc) =	sbr.abs _section_cstart, $3  }
0xc1: {  	[dreg:$0x1] =	wrdreg $0xFFFFFFFF  }
0xc2: {  	_ =	task.clear_ibuf [dreg:s7], $0x2FFFF;
	_ =	strace $0x9FFFFFFF  }
0xc3: {  	(tm) =	ssettm $0x7FFFFFFF  }
tec
execute0_lowered:
.L_overlay_start_1:
0x0: {  	(tag) =	ssettag $0x1  }
0x1: {  	s0 =	rddreg [dreg:$0x0]  }
0x2: {  	s1 =	srdreg.scid;
	s6 =	rddreg [dreg:$0x1]  }
0x3: {  	s2 =	rddreg [dreg:$0x2];
	s11 =	stileid.u32  }
0x4: {  	s3 =	simm.s32 $0x0;
	s13 =	simm.s32 $0x5;
	s15 =	simm.s32 $0xD000  }
0x5: {  	s16 =	simm.s32 $0x80;
	s17 =	simm.s32 $0x5000;
	s18 =	simm.s32 $0x7000  }
0x6: {  	s20 =	simm.s32 $0x9000;
	s22 =	simm.s32 $0xB000;
	s24 =	simm.s32 $0x1  }
0x7: {  	s28 =	simm.s32 $0x3;
	s29 =	simm.s32 $0x4;
	s30 =	simm.s32 $0x4E00  }
0x8: {  	s31 =	simm.s32 $0x4E80;
	s1 =	sand.u32 $0x1, s1;
	s9 =	smul.u32 $0x28000, s11  }
0x9: {  	[smem:$0x7FF] =	sst s3;
	s26 =	smul.u32 $0xA000, s11;
	s4 =	sshll.u32 s1, $0x4  }
0xa: {  	_ =	strace $0x80000050;
	s5 =	smul.u32 $0x14000, s1;
	s1 =	ssub.s32 $0x2, s1  }
0xb: {  	s4 =	sor.u32 s11, s4;
	s8 =	sshrl.u32 s1, $0x1;
	s25 =	sshrl.u32 s9, $0x2  }
0xc: {  	s14 =	sshrl.u32 s26, $0x3;
	s19 =	sadd.s32 s26, s2;
	s7 =	smul.u32 $0x500, s4  }
0xd: {  	s26 =	simm.s32 $0x2;
	s4 =	sadd.s32 $0xD400, s0;
	s1 =	ssub.s32 s1, s8  }
0xe: {  	s8 =	smax.u32 s1, $0x1;
	s1 =	simm.s32 $0x4F80;
	s10 =	sadd.s32 s7, s0  }
0xf: {  	s0 =	sadd.s32 s5, s0;
	s6 =	sadd.s32 s6, s7;
	s7 =	sadd.s32 s25, s2  }
0x10: {  	s25 =	sshrl.u32 s19, $0x3;
	s5 =	sadd.s32 $0x3400, s10;
	s0 =	sadd.s32 $0x21400, s0  }
0x11: {  	s9 =	sadd.s32 $0x2000, s7;
	s10 =	sadd.s32 $0x4000, s7;
	s11 =	sadd.s32 $0x6000, s7  }
0x12: {  	v0 =	vimm.f32 $0.0e+00;
	s12 =	sadd.s32 $0x8000, s7;
	s23 =	sadd.s32 s14, s0;
	s0 =	simm.s32 $0x4F00  }
.LBB2_1:
0x13: {  	s19 =	simm.s32 $0x100;
	s14 =	simm.s32 $0x0  }
.LBB2_2:
0x14: {  	p0 =	sne.s32 s19, $0x7F00;
	[tilespmem:s14+$0xD030] =	vst v0;
	s21 =	smov.u32 s19;
	s19 =	sadd.s32 $0x100, s19  }
.Ltmp0:
0x15: {  	[tilespmem:s14+$0xD020] =	vst v0;
	(pc) =	sbr.rel @p0 .LBB2_2-.Ltmp0, $3  }
0x16: {  	[tilespmem:s14+$0xD000] =	vst v0  }
0x17: {  	[tilespmem:s14+$0xD010] =	vst v0;
	_ =	sdelay $0x1  }
0x18: {  	s14 =	sshra.s32 s21, $0x2  }
0x19: {  	[tilespmem:s14+$0xD030] =	vst v0  }
0x1a: {  	[tilespmem:s14+$0xD020] =	vst v0  }
0x1b: {  	[tilespmem:s14+$0xD000] =	vst v0  }
0x1c: {  	[tilespmem:s14+$0xD010] =	vst v0;
	s21 =	simm.s32 $0x0  }
0x1d: {  	[tilespmem:s21], [sflag:$0x5] =	stream.linear.gather [hbm4b:s5+s21], $0x2800, $0x38;
	[tilespmem:$0x19000] =	vst v63  }
0x1e: {  	_ =	swait.ge [sflag:s13], $0x2800  }
0x1f: {  	[sflag:s13] =	ssyncset.done $0x0  }
0x20: {  	s19 =	simm.s32 $0x2800;
	[sflag:s13] =	ssyncadd.s32 $0xFFFFD800  }
0x21: {  	[tilespmem:s19], [sflag:$0x5] =	stream.linear.gather [hbm4b:s6+s21], $0x2800, $0x38;
	[tilespmem:$0x19000] =	vst v63  }
0x22: {  	_ =	swait.ge [sflag:s13], $0x2800  }
0x23: {  	[sflag:s13] =	ssyncset.done $0x0  }
0x24: {  	[sflag:s13] =	ssyncadd.s32 $0xFFFFD800  }
0x25: {  	[spmem:s7] =	stream.linear.scatter [tilespmem:s15], [sflag:$0x5], $0x2000, $0x38;
	[tilespmem:$0x19000] =	vst v63  }
0x26: {  	_ =	swait.ge [sflag:s13], $0x2000  }
0x27: {  	[sflag:s13] =	ssyncset.done $0x0  }
0x28: {  	[sflag:s13] =	ssyncadd.s32 $0xFFFFE000  }
0x29: {  	[spmem:s9] =	stream.linear.scatter [tilespmem:s15], [sflag:$0x5], $0x2000, $0x38;
	[tilespmem:$0x19000] =	vst v63  }
0x2a: {  	_ =	swait.ge [sflag:s13], $0x2000  }
0x2b: {  	[sflag:s13] =	ssyncset.done $0x0  }
0x2c: {  	[sflag:s13] =	ssyncadd.s32 $0xFFFFE000  }
0x2d: {  	[spmem:s10] =	stream.linear.scatter [tilespmem:s15], [sflag:$0x5], $0x2000, $0x38;
	[tilespmem:$0x19000] =	vst v63  }
0x2e: {  	_ =	swait.ge [sflag:s13], $0x2000  }
0x2f: {  	[sflag:s13] =	ssyncset.done $0x0  }
0x30: {  	[sflag:s13] =	ssyncadd.s32 $0xFFFFE000  }
0x31: {  	[spmem:s11] =	stream.linear.scatter [tilespmem:s15], [sflag:$0x5], $0x2000, $0x38;
	[tilespmem:$0x19000] =	vst v63  }
0x32: {  	_ =	swait.ge [sflag:s13], $0x2000  }
0x33: {  	[sflag:s13] =	ssyncset.done $0x0  }
0x34: {  	[sflag:s13] =	ssyncadd.s32 $0xFFFFE000  }
0x35: {  	[spmem:s12] =	stream.linear.scatter [tilespmem:s15], [sflag:$0x5], $0x2000, $0x38;
	[tilespmem:$0x19000] =	vst v63  }
0x36: {  	_ =	swait.ge [sflag:s13], $0x2000  }
0x37: {  	[sflag:s13] =	ssyncset.done $0x0  }
0x38: {  	[sflag:s13] =	ssyncadd.s32 $0xFFFFE000  }
0x39: {  	[bflag:$0x0] =	sbarrier.arrive $0xFFFF  }
0x3a: {  	[tilespmem:s17], [sflag:$0x1] =	stream.indirect.gather [hbm4b:s4+s16], $0x40, s21, s16, $0xb8;
	[tilespmem:$0x19000] =	vst v63  }
0x3b: {  	_ = 	snop  }
0x3c: {  	[tilespmem:s18], [sflag:$0x2] =	stream.indirect.gather [hbm4b:s4+s16], $0x40, s16, s16, $0xb8;
	[tilespmem:$0x19000] =	vst v63  }
0x3d: {  	s21 =	simm.s32 $0x100  }
0x3e: {  	[tilespmem:s20], [sflag:$0x3] =	stream.indirect.gather [hbm4b:s4+s16], $0x40, s21, s16, $0xb8;
	[tilespmem:$0x19000] =	vst v63  }
0x3f: {  	s19 =	simm.s32 $0x180  }
0x40: {  	[tilespmem:s22], [sflag:$0x4] =	stream.indirect.gather [hbm4b:s4+s16], $0x40, s19, s16, $0xb8;
	[tilespmem:$0x19000] =	vst v63  }
0x41: {  	_ =	swait.ge [sflag:s24], $0x2000  }
0x42: {  	[sflag:s24] =	ssyncset.done $0x0  }
0x43: {  	s21 =	simm.s32 $0x2800;
	[sflag:s24] =	ssyncadd.s32 $0xFFFFE000  }
0x44: {  	[spmem:s2] =	stream.indirect.scatter.add.f32 [tilespmem:s17], [sflag:$0x5], $0x40, s21, s16, $0xb8;
	[tilespmem:$0x19000] =	vst v63  }
0x45: {  	_ =	swait.ge [sflag:s13], $0x2000  }
0x46: {  	[sflag:s13] =	ssyncset.done $0x0  }
0x47: {  	s19 =	simm.s32 $0x200;
	[sflag:s13] =	ssyncadd.s32 $0xFFFFE000  }
0x48: {  	[tilespmem:s17], [sflag:$0x1] =	stream.indirect.gather [hbm4b:s4+s16], $0x40, s19, s16, $0xb8;
	[tilespmem:$0x19000] =	vst v63  }
0x49: {  	_ =	swait.ge [sflag:s26], $0x2000  }
0x4a: {  	[sflag:s26] =	ssyncset.done $0x0  }
0x4b: {  	s21 =	simm.s32 $0x2880;
	[sflag:s26] =	ssyncadd.s32 $0xFFFFE000  }
0x4c: {  	[spmem:s2] =	stream.indirect.scatter.add.f32 [tilespmem:s18], [sflag:$0x5], $0x40, s21, s16, $0xb8;
	[tilespmem:$0x19000] =	vst v63  }
0x4d: {  	_ =	swait.ge [sflag:s13], $0x2000  }
0x4e: {  	[sflag:s13] =	ssyncset.done $0x0  }
0x4f: {  	s19 =	simm.s32 $0x280;
	[sflag:s13] =	ssyncadd.s32 $0xFFFFE000  }
0x50: {  	[tilespmem:s18], [sflag:$0x2] =	stream.indirect.gather [hbm4b:s4+s16], $0x40, s19, s16, $0xb8;
	[tilespmem:$0x19000] =	vst v63  }
0x51: {  	_ =	swait.ge [sflag:s28], $0x2000  }
0x52: {  	[sflag:s28] =	ssyncset.done $0x0  }
0x53: {  	s21 =	simm.s32 $0x2900;
	[sflag:s28] =	ssyncadd.s32 $0xFFFFE000  }
0x54: {  	[spmem:s2] =	stream.indirect.scatter.add.f32 [tilespmem:s20], [sflag:$0x5], $0x40, s21, s16, $0xb8;
	[tilespmem:$0x19000] =	vst v63  }
0x55: {  	_ =	swait.ge [sflag:s13], $0x2000  }
0x56: {  	[sflag:s13] =	ssyncset.done $0x0  }
0x57: {  	s19 =	simm.s32 $0x300;
	[sflag:s13] =	ssyncadd.s32 $0xFFFFE000  }
0x58: {  	[tilespmem:s20], [sflag:$0x3] =	stream.indirect.gather [hbm4b:s4+s16], $0x40, s19, s16, $0xb8;
	[tilespmem:$0x19000] =	vst v63  }
0x59: {  	_ =	swait.ge [sflag:s29], $0x2000  }
0x5a: {  	[sflag:s29] =	ssyncset.done $0x0  }
0x5b: {  	s21 =	simm.s32 $0x2980;
	[sflag:s29] =	ssyncadd.s32 $0xFFFFE000  }
0x5c: {  	[spmem:s2] =	stream.indirect.scatter.add.f32 [tilespmem:s22], [sflag:$0x5], $0x40, s21, s16, $0xb8;
	[tilespmem:$0x19000] =	vst v63  }
0x5d: {  	_ =	swait.ge [sflag:s13], $0x2000  }
0x5e: {  	[sflag:s13] =	ssyncset.done $0x0  }
0x5f: {  	s14 =	simm.s32 $0x800;
	s19 =	simm.s32 $0x380;
	[sflag:s13] =	ssyncadd.s32 $0xFFFFE000  }
.LBB2_4:
0x60: {  	[tilespmem:s22], [sflag:$0x4] =	stream.indirect.gather [hbm4b:s4+s16], $0x40, s19, s16, $0xb8;
	[tilespmem:$0x19000] =	vst v63  }
0x61: {  	s19 =	smov.u32 s14  }
0x62: {  	p0 =	sne.s32 s14, $0x9000;
	s14 =	sadd.s32 $0x800, s14;
	_ =	swait.ge [sflag:s24], $0x2000  }
0x63: {  	s19 =	sshra.s32 s19, $0x2;
	[sflag:s24] =	ssyncset.done $0x0  }
0x64: {  	s21 =	sadd.s32 $0x2800, s19;
	[sflag:s24] =	ssyncadd.s32 $0xFFFFE000  }
0x65: {  	[spmem:s2] =	stream.indirect.scatter.add.f32 [tilespmem:s17], [sflag:$0x5], $0x40, s21, s16, $0xb8;
	[tilespmem:$0x19000] =	vst v63  }
0x66: {  	_ =	swait.ge [sflag:s13], $0x2000  }
0x67: {  	[sflag:s13] =	ssyncset.done $0x0  }
0x68: {  	s21 =	sadd.s32 $0x200, s19;
	[sflag:s13] =	ssyncadd.s32 $0xFFFFE000  }
0x69: {  	[tilespmem:s17], [sflag:$0x1] =	stream.indirect.gather [hbm4b:s4+s16], $0x40, s21, s16, $0xb8;
	[tilespmem:$0x19000] =	vst v63  }
0x6a: {  	_ =	swait.ge [sflag:s26], $0x2000  }
0x6b: {  	[sflag:s26] =	ssyncset.done $0x0  }
0x6c: {  	s21 =	sadd.s32 $0x2880, s19;
	[sflag:s26] =	ssyncadd.s32 $0xFFFFE000  }
0x6d: {  	[spmem:s2] =	stream.indirect.scatter.add.f32 [tilespmem:s18], [sflag:$0x5], $0x40, s21, s16, $0xb8;
	[tilespmem:$0x19000] =	vst v63  }
0x6e: {  	_ =	swait.ge [sflag:s13], $0x2000  }
0x6f: {  	[sflag:s13] =	ssyncset.done $0x0  }
0x70: {  	s21 =	sadd.s32 $0x280, s19;
	[sflag:s13] =	ssyncadd.s32 $0xFFFFE000  }
0x71: {  	[tilespmem:s18], [sflag:$0x2] =	stream.indirect.gather [hbm4b:s4+s16], $0x40, s21, s16, $0xb8;
	[tilespmem:$0x19000] =	vst v63  }
0x72: {  	_ =	swait.ge [sflag:s28], $0x2000  }
0x73: {  	[sflag:s28] =	ssyncset.done $0x0  }
0x74: {  	s21 =	sadd.s32 $0x2900, s19;
	[sflag:s28] =	ssyncadd.s32 $0xFFFFE000  }
0x75: {  	[spmem:s2] =	stream.indirect.scatter.add.f32 [tilespmem:s20], [sflag:$0x5], $0x40, s21, s16, $0xb8;
	[tilespmem:$0x19000] =	vst v63  }
0x76: {  	_ =	swait.ge [sflag:s13], $0x2000  }
0x77: {  	[sflag:s13] =	ssyncset.done $0x0  }
0x78: {  	s21 =	sadd.s32 $0x300, s19;
	[sflag:s13] =	ssyncadd.s32 $0xFFFFE000  }
0x79: {  	[tilespmem:s20], [sflag:$0x3] =	stream.indirect.gather [hbm4b:s4+s16], $0x40, s21, s16, $0xb8;
	[tilespmem:$0x19000] =	vst v63  }
0x7a: {  	_ =	swait.ge [sflag:s29], $0x2000  }
0x7b: {  	[sflag:s29] =	ssyncset.done $0x0  }
.Ltmp1:
0x7c: {  	s21 =	sadd.s32 $0x2980, s19;
	[sflag:s29] =	ssyncadd.s32 $0xFFFFE000;
	(pc) =	sbr.rel @p0 .LBB2_4-.Ltmp1, $4  }
0x7d: {  	[spmem:s2] =	stream.indirect.scatter.add.f32 [tilespmem:s22], [sflag:$0x5], $0x40, s21, s16, $0xb8;
	[tilespmem:$0x19000] =	vst v63  }
0x7e: {  	_ =	swait.ge [sflag:s13], $0x2000  }
0x7f: {  	[sflag:s13] =	ssyncset.done $0x0  }
0x80: {  	s19 =	sadd.s32 $0x380, s19;
	[sflag:s13] =	ssyncadd.s32 $0xFFFFE000  }
0x81: {  	[tilespmem:s22], [sflag:$0x4] =	stream.indirect.gather [hbm4b:s4+s16], $0x40, s19, s16, $0xb8;
	[tilespmem:$0x19000] =	vst v63  }
0x82: {  	_ =	swait.ge [sflag:s24], $0x2000  }
0x83: {  	[sflag:s24] =	ssyncset.done $0x0  }
0x84: {  	[sflag:s24] =	ssyncadd.s32 $0xFFFFE000  }
0x85: {  	[spmem:s2] =	stream.indirect.scatter.add.f32 [tilespmem:s17], [sflag:$0x5], $0x40, s30, s16, $0xb8;
	[tilespmem:$0x19000] =	vst v63  }
0x86: {  	_ =	swait.ge [sflag:s13], $0x2000  }
0x87: {  	[sflag:s13] =	ssyncset.done $0x0  }
0x88: {  	[sflag:s13] =	ssyncadd.s32 $0xFFFFE000  }
0x89: {  	_ =	swait.ge [sflag:s26], $0x2000  }
0x8a: {  	[sflag:s26] =	ssyncset.done $0x0  }
0x8b: {  	[sflag:s26] =	ssyncadd.s32 $0xFFFFE000  }
0x8c: {  	[spmem:s2] =	stream.indirect.scatter.add.f32 [tilespmem:s18], [sflag:$0x5], $0x40, s31, s16, $0xb8;
	[tilespmem:$0x19000] =	vst v63  }
0x8d: {  	_ =	swait.ge [sflag:s13], $0x2000  }
0x8e: {  	[sflag:s13] =	ssyncset.done $0x0  }
0x8f: {  	[sflag:s13] =	ssyncadd.s32 $0xFFFFE000  }
0x90: {  	_ =	swait.ge [sflag:s28], $0x2000  }
0x91: {  	[sflag:s28] =	ssyncset.done $0x0  }
0x92: {  	[sflag:s28] =	ssyncadd.s32 $0xFFFFE000  }
0x93: {  	[spmem:s2] =	stream.indirect.scatter.add.f32 [tilespmem:s20], [sflag:$0x5], $0x40, s0, s16, $0xb8;
	[tilespmem:$0x19000] =	vst v63  }
0x94: {  	_ =	swait.ge [sflag:s13], $0x2000  }
0x95: {  	[sflag:s13] =	ssyncset.done $0x0  }
0x96: {  	[sflag:s13] =	ssyncadd.s32 $0xFFFFE000  }
0x97: {  	_ =	swait.ge [sflag:s29], $0x2000  }
0x98: {  	[sflag:s29] =	ssyncset.done $0x0  }
0x99: {  	[sflag:s29] =	ssyncadd.s32 $0xFFFFE000  }
0x9a: {  	[spmem:s2] =	stream.indirect.scatter.add.f32 [tilespmem:s22], [sflag:$0x5], $0x40, s1, s16, $0xb8;
	[tilespmem:$0x19000] =	vst v63  }
0x9b: {  	_ =	swait.ge [sflag:s13], $0x2000  }
0x9c: {  	s14 =	stileid.u32;
	s3 =	sadd.s32 $0x1, s3;
	[sflag:s13] =	ssyncset.done $0x0  }
0x9d: {  	s14 =	sshll.u32 s14, $0x6;
	p0 =	sne.s32 s3, s8;
	[sflag:s13] =	ssyncadd.s32 $0xFFFFE000  }
.Ltmp2:
0x9e: {  	s14 =	sor.u32 $0x1C05, s14;
	[bflag:$0x0] =	sbarrier.arrive $0xFFFF;
	(pc) =	sbr.rel @p0 .LBB2_1-.Ltmp2, $4  }
0x9f: {  	[hbm:s23], [sflag:s14] =	dma.local [spmem:s25], $0x1400  }
0xa0: {  	_ =	swait.ge [sflag:s13], $0x1400  }
0xa1: {  	[sflag:s13] =	ssyncset.done $0x0  }
0xa2: {  	[sflag:s13] =	ssyncadd.s32 $0xFFFFEC00  }
0xa3: {  	_ =	sfence.sel $0x180000  }
0xa4: {  	[bflag:$0x0] =	sbarrier.arrive $0xFFFF  }
0xa5: {  	_ =	strace $0x90000050  }
0xa6: {  	s0 =	stileid.u32;
	[bflag:$0x2] =	sbarrier.arrive $0xFFFF  }
0xa7: {  	p0 =	sne.s32 s0, $0x0;
	s0 =	rddreg [dreg:$0x3]  }
0xa8: {  	s0 =	sadd.s32 @!p0 $0x100000, s0  }
0xa9: {  	[sflag:s0] =	ssyncadd.tile.s32 @!p0 $0x1;
	_ =	shalt  }
.Lfunc_end2:
_tile_overlayer_lowered:
.L_overlay_start_2:
0xaa: {  	(tag) =	ssettag $0x2  }
0xab: {  	s0 =	rddreg [dreg:$0x0];
	s2 =	stileid.u32  }
0xac: {  	s1 =	rddreg [dreg:$0x1];
	p0 =	sne.s32 s2, $0x0  }
0xad: {  	s3 =	rddreg [dreg:$0x2];
	[bflag:$0x3] =	sbarrier.arrive $0xFFFF;
	s2 =	simm.s32 @!p0 $0x1C05  }
0xae: {  	[timem:s3], [sflag:s2] =	dma.local @!p0 [hbm:s0], s1  }
0xaf: {  	s0 =	simm.s32 @!p0 $0x5  }
0xb0: {  	_ =	swait.ge @!p0 [sflag:s0], s1  }
0xb1: {  	s1 =	ssub.s32 @!p0 $0x0, s1;
	[sflag:s0] =	ssyncset.done @!p0 $0x0  }
0xb2: {  	[sflag:s0] =	ssyncadd.s32 @!p0 s1  }
0xb3: {  	[bflag:$0x3] =	sbarrier.arrive $0xFFFF  }
0xb4: {  	_ =	shalt  }

</sc_bundles>
